<compile_context>
chip_gen: v7x
topology: tpu7x:2x2x1
jax: 0.10.2.dev20260603
libtpu: 0.0.44.dev20260713+nightly
codegen_flags: <defaults>
</compile_context>

<pallas_src>
import functools

import jax
import jax.numpy as jnp
from jax import lax
from jax.experimental import pallas as pl
from jax.experimental.pallas import tpu as pltpu
from jax.experimental.pallas import tpu_sc as plsc

NUM_HEADS = 8
INPUT_BITS = 2048
N_STATE = 2048
N_OUT = 256
NB_SKIP = 7
NB_USED = 13
NB_OUT = 8
HASH = 8192
K_BITS = 8
NUM_WINDOWS = 32

NS = 16
L = 16
NPT = N_STATE // NS
G = NPT // L

W0 = 0
W1 = INPUT_BITS
ST = 2 * INPUT_BITS


def _body(ib, connp, sm, hc, hm, out, buf, conn_v, addr_a, addr_b, bits_v,
          hidx_v, hcv, vals_a, vals_b, outi_v, outv_v, shared, sem_w, sem_g,
          sem_h):
    c = lax.axis_index("c")
    s = lax.axis_index("s")
    iota = lax.iota(jnp.int32, L)

    @pl.when(c == 0)
    def _core0():
        _scan_and_heads(ib, connp, sm, hc, hm, out, buf, conn_v, addr_a,
                        addr_b, bits_v, hidx_v, hcv, vals_a, vals_b, outi_v,
                        outv_v, shared, sem_w, sem_g, sem_h, s, iota)


def _scan_and_heads(ib, connp, sm, hc, hm, out, buf, conn_v, addr_a, addr_b,
                    bits_v, hidx_v, hcv, vals_a, vals_b, outi_v, outv_v,
                    shared, sem_w, sem_g, sem_h, s, iota):
    pltpu.sync_copy(connp.at[s], conn_v)

    def _zero(i, carry):
        buf[pl.ds(ST + i * L, L)] = jnp.zeros((L,), jnp.int32)
        return carry

    lax.fori_loop(0, N_STATE // L, _zero, 0)

    def _window_dma(t, slot):
        return pltpu.async_copy(
            ib.at[pl.ds(t * INPUT_BITS, INPUT_BITS)],
            buf.at[pl.ds(slot, INPUT_BITS)], sem_w)

    def _window_wait():
        pltpu.make_async_copy(ib.at[pl.ds(0, INPUT_BITS)],
                              buf.at[pl.ds(W0, INPUT_BITS)], sem_w).wait()

    pltpu.sync_copy(ib.at[pl.ds(NUM_WINDOWS * INPUT_BITS - L, L)],
                    bits_v.at[pl.ds(0, L)])
    kb = bits_v[pl.ds(0, L)]
    w = jnp.where(iota >= L - K_BITS,
                  jnp.full((L,), 1, jnp.int32) << (L - 1 - iota),
                  jnp.zeros((L,), jnp.int32))
    hsel = jnp.bitwise_and(jnp.sum(kb * w), NUM_HEADS - 1)
    for j in range(NB_OUT):
        hidx_v[pl.ds(j * L, L)] = (hsel * 2048 + (s >> 3) * 1024 + j * 128
                                   + (s & 7) * L + iota)
    hc_handle = pltpu.async_copy(hc.at[hidx_v], hcv, sem_h)

    _window_dma(0, W0)

    def _half_step(p):
        def _addr(g, dst):
            acc = jnp.zeros((L,), jnp.int32)
            for j in range(NB_USED):
                idx = conn_v[p * NB_USED + j, pl.ds(g * L, L)]
                bit = plsc.load_gather(buf, [idx])
                acc = acc + acc + bit
            r = s * NPT + g * L + iota
            dst[pl.ds((g % (G // 2)) * L, L)] = (
                ((r >> 3) << 16) + ((acc >> 7) << 10)
                + ((r & 7) << 7) + (acc & 127))

        for g in range(G // 2):
            _addr(g, addr_a)
        ha = pltpu.async_copy(sm.at[addr_a], vals_a, sem_g)
        for g in range(G // 2, G):
            _addr(g, addr_b)
        hb = pltpu.async_copy(sm.at[addr_b], vals_b, sem_g)
        ha.wait()
        for g in range(G // 2):
            v = vals_a[pl.ds(g * L, L)]
            bits_v[pl.ds(g * L, L)] = (v > 0.5).astype(jnp.int32)
        hb.wait()
        for g in range(G // 2):
            v = vals_b[pl.ds(g * L, L)]
            bits_v[pl.ds((g + G // 2) * L, L)] = (v > 0.5).astype(jnp.int32)
        pltpu.sync_copy(bits_v,
                        shared.at[pl.ds(p * N_STATE + s * NPT, NPT)])
        plsc.subcore_barrier()
        pltpu.sync_copy(shared.at[pl.ds(p * N_STATE, N_STATE)],
                        buf.at[pl.ds(ST, N_STATE)])

    def _pair(k, carry):
        t0 = 2 * k
        _window_wait()
        _window_dma(t0 + 1, W1)
        _half_step(0)
        _window_wait()
        _window_dma(jnp.minimum(t0 + 2, NUM_WINDOWS - 1), W0)
        _half_step(1)
        return carry

    lax.fori_loop(0, NUM_WINDOWS // 2, _pair, 0)
    _window_wait()
    hc_handle.wait()

    acc = jnp.zeros((L,), jnp.int32)
    for j in range(NB_OUT):
        sidx = hcv[pl.ds(j * L, L)] + ST
        bit = plsc.load_gather(buf, [sidx])
        acc = acc + acc + bit
    outi_v[...] = (hsel * 65536 + (s * 2 + (iota >> 3)) * 2048
                   + ((acc >> 7) << 10) + ((iota & 7) << 7) + (acc & 127))
    pltpu.async_copy(hm.at[outi_v], outv_v, sem_g).wait()
    pltpu.sync_copy(outv_v, out.at[pl.ds(s * L, L)])


def kernel(input_bits, state_mem, head_mem, state_conn, head_conn):
    conn = state_conn[:, NB_SKIP:].reshape(NS, NPT, NB_USED)
    conn = conn.transpose(0, 2, 1).astype(jnp.int32)
    conn_e = jnp.where(conn < INPUT_BITS, conn, conn + INPUT_BITS)
    conn_o = conn + INPUT_BITS
    conn_p = jnp.concatenate([conn_e, conn_o], axis=1)

    sm_flat = (state_mem.reshape(N_STATE // 8, 8, HASH // 128, 128)
               .transpose(0, 2, 1, 3).reshape(-1))
    hc_flat = (head_conn.reshape(NUM_HEADS, 2, 128, NB_OUT)
               .transpose(0, 1, 3, 2).reshape(-1))
    hm_flat = (head_mem.reshape(NUM_HEADS, N_OUT // 8, 8, 2, 128)
               .transpose(0, 1, 3, 2, 4).reshape(-1))

    mesh = plsc.VectorSubcoreMesh(core_axis_name="c", subcore_axis_name="s")
    run = functools.partial(
        pl.kernel,
        out_type=jax.ShapeDtypeStruct((N_OUT,), jnp.float32),
        mesh=mesh,
        compiler_params=pltpu.CompilerParams(needs_layout_passes=False),
        scratch_types=[
            pltpu.VMEM((2 * INPUT_BITS + N_STATE,), jnp.int32),
            pltpu.VMEM((2 * NB_USED, NPT), jnp.int32),
            pltpu.VMEM((NPT // 2,), jnp.int32),
            pltpu.VMEM((NPT // 2,), jnp.int32),
            pltpu.VMEM((NPT,), jnp.int32),
            pltpu.VMEM((NB_OUT * L,), jnp.int32),
            pltpu.VMEM((NB_OUT * L,), jnp.int32),
            pltpu.VMEM((NPT // 2,), jnp.float32),
            pltpu.VMEM((NPT // 2,), jnp.float32),
            pltpu.VMEM((L,), jnp.int32),
            pltpu.VMEM((L,), jnp.float32),
            pltpu.VMEM_SHARED((2 * N_STATE,), jnp.int32),
            pltpu.SemaphoreType.DMA,
            pltpu.SemaphoreType.DMA,
            pltpu.SemaphoreType.DMA,
        ],
    )(_body)
    return run(input_bits, conn_p, sm_flat, hc_flat, hm_flat)

# --- scband reference (transcript-rebuilt; emitter-appended) ---
"""Pipeline reference for scband-rammulti-head-shared-27668179321267 (READ-ONLY COPY).

The authoritative reference and input builder live on the scoring server;
editing this copy changes nothing except your own understanding.
"""

import jax, jax.numpy as jnp
import numpy as np

NUM_HEADS = 8
INPUT_BITS = 2048
N_STATE = 2048
N_OUT = 256
NB_STATE = 20
NB_OUT = 8
HASH = 8192
K_BITS = 8
NUM_WINDOWS = 32


def setup_inputs(seed: int = 0) -> dict:
    key = jax.random.key(seed)
    k1, k2, k3, k4, k5 = jax.random.split(key, 5)
    # binary input stream (uint8 bits in torch module -> int32 0/1 here)
    input_bits = jax.random.randint(k1, (INPUT_BITS * NUM_WINDOWS,), 0, 2, dtype=jnp.int32)
    # RAMLayer 'connections': fixed random wiring of each neuron to input bit positions
    state_conn = jax.random.randint(k2, (N_STATE, NB_STATE), 0, INPUT_BITS + N_STATE, dtype=jnp.int32)
    head_conn = jax.random.randint(k3, (NUM_HEADS, N_OUT, NB_OUT), 0, N_STATE, dtype=jnp.int32)
    # RAM memory words (hashed lookup tables), float-valued cells
    state_mem = jax.random.uniform(k4, (N_STATE, HASH), dtype=jnp.float32)
    head_mem = jax.random.uniform(k5, (NUM_HEADS, N_OUT, 2 ** NB_OUT), dtype=jnp.float32)
    return {"input_bits": input_bits, "state_mem": state_mem, "head_mem": head_mem,
            "state_conn": state_conn, "head_conn": head_conn}


def reference(input_bits, state_mem, head_mem, state_conn, head_conn):
    # _make_windows: split flat bit stream into windows of input_bits
    windows = input_bits.reshape(NUM_WINDOWS, INPUT_BITS)
    pow_state = (2 ** jnp.arange(NB_STATE - 1, -1, -1)).astype(jnp.int32)
    pow_out = (2 ** jnp.arange(NB_OUT - 1, -1, -1)).astype(jnp.int32)
    neuron_ids = jnp.arange(N_STATE)

    def step(state_bits, window):
        # state_input = cat([window_bits, state_bits])
        state_input = jnp.concatenate([window, state_bits])
        # shared state RAMLayer: gather wired bits -> address -> hashed memory lookup
        gathered = state_input[state_conn]                      # [N_STATE, NB_STATE]
        addr = (gathered * pow_state).sum(axis=1) % HASH        # [N_STATE]
        state_vals = state_mem[neuron_ids, addr]                # [N_STATE]
        new_state = (state_vals > 0.5).astype(jnp.int32)        # output bits
        # all output heads read the shared state
        g_h = new_state[head_conn]                              # [H, N_OUT, NB_OUT]
        addr_h = (g_h * pow_out).sum(axis=-1)                   # [H, N_OUT]
        head_out = jnp.take_along_axis(head_mem, addr_h[..., None], axis=-1)[..., 0]  # [H, N_OUT]
        return new_state, head_out

    init_state = jnp.zeros((N_STATE,), dtype=jnp.int32)
    _, head_outs = jax.lax.scan(step, init_state, windows)
    last_heads = head_outs[-1]                                  # [H, N_OUT]
    # hard key-value routing: last k_bits of last window -> head index
    last_window = windows[-1]
    key_bits = last_window[-K_BITS:]
    key_value = (key_bits * (2 ** jnp.arange(K_BITS - 1, -1, -1)).astype(jnp.int32)).sum()
    head_idx = key_value % NUM_HEADS
    selected = jnp.take(last_heads, head_idx, axis=0)           # [N_OUT] (RAW decoder output)
    return selected

if __name__ == "__main__":
    import jax
    _d = setup_inputs()
    print(jax.jit(kernel)(*tuple(_d.values())))

</pallas_src>

<mosaic_0001>
#map = affine_map<(d0, d1) -> (0)>
#map1 = affine_map<(d0, d1) -> (0, 0, 0)>
module attributes {stable_mosaic.version = 14 : i64} {
  func.func @_body(%arg0: i32, %arg1: i32, %arg2: memref<65536xi32, #tpu.memory_space<hbm>>, %arg3: memref<16x26x128xi32, #tpu.memory_space<hbm>>, %arg4: memref<16777216xf32, #tpu.memory_space<hbm>>, %arg5: memref<16384xi32, #tpu.memory_space<hbm>>, %arg6: memref<524288xf32, #tpu.memory_space<hbm>>, %arg7: memref<256xf32, #tpu.memory_space<hbm>>, %arg8: memref<6144xi32, #tpu.memory_space<vmem>>, %arg9: memref<26x128xi32, #tpu.memory_space<vmem>>, %arg10: memref<64xi32, #tpu.memory_space<vmem>>, %arg11: memref<64xi32, #tpu.memory_space<vmem>>, %arg12: memref<128xi32, #tpu.memory_space<vmem>>, %arg13: memref<128xi32, #tpu.memory_space<vmem>>, %arg14: memref<128xi32, #tpu.memory_space<vmem>>, %arg15: memref<64xf32, #tpu.memory_space<vmem>>, %arg16: memref<64xf32, #tpu.memory_space<vmem>>, %arg17: memref<16xi32, #tpu.memory_space<vmem>>, %arg18: memref<16xf32, #tpu.memory_space<vmem>>, %arg19: memref<4096xi32, #tpu.memory_space<vmem_shared>>, %arg20: memref<!tpu.dma_semaphore, #tpu.memory_space<semaphore_mem>>, %arg21: memref<!tpu.dma_semaphore, #tpu.memory_space<semaphore_mem>>, %arg22: memref<!tpu.dma_semaphore, #tpu.memory_space<semaphore_mem>>) attributes {dimension_semantics = [#tpu.dimension_semantics<core_parallel>, #tpu.dimension_semantics<subcore_parallel>], iteration_bounds = array<i64: 2, 16>, scalar_prefetch = 0 : i64, scratch_operands = 15 : i64, tpu.core_type = #tpu.core_type<sc_vector_subcore>, window_params = [{transform_indices = #map}, {transform_indices = #map1}, {transform_indices = #map}, {transform_indices = #map}, {transform_indices = #map}, {transform_indices = #map}]} {
    %iota3A = tpu.iota {dimensions = array<i32: 0>} : vector<16xi32>
    %eq3A = arith.constant 0 : i32
    %eq3A_0 = arith.cmpi eq, %arg0, %eq3A : i32
    %convert_element_type3A = arith.extui %eq3A_0 : i1 to i32
    %cond3A = arith.constant 0 : i32
    %cond3A_1 = arith.cmpi ne, %convert_element_type3A, %cond3A : i32
    scf.if %cond3A_1 {
      "tpu.region"() ({
        %run_scoped3A = tpu.sem_alloc : memref<!tpu.dma_semaphore, #tpu.memory_space<semaphore_mem>>
        %dma_start3A_289 = arith.constant 0 : i32
        %dma_start3A_290 = arith.constant 0 : i32
        %dma_start3A_291 = tpu.memref_slice %arg3[%arg1, %dma_start3A_289, %dma_start3A_290] : memref<16x26x128xi32, #tpu.memory_space<hbm>> -> memref<1x26x128xi32, #tpu.memory_space<hbm>>
        %dma_start3A_292 = tpu.memref_squeeze %dma_start3A_291 : memref<1x26x128xi32, #tpu.memory_space<hbm>> -> memref<26x128xi32, #tpu.memory_space<hbm>>
        %dma_start3A_293 = arith.constant 0 : i32
        %dma_start3A_294 = arith.constant 0 : i32
        %dma_start3A_295 = tpu.memref_slice %arg3[%arg1, %dma_start3A_293, %dma_start3A_294] : memref<16x26x128xi32, #tpu.memory_space<hbm>> -> memref<1x26x128xi32, #tpu.memory_space<hbm>>
        %dma_start3A_296 = tpu.memref_squeeze %dma_start3A_295 : memref<1x26x128xi32, #tpu.memory_space<hbm>> -> memref<26x128xi32, #tpu.memory_space<hbm>>
        tpu.enqueue_dma source(%dma_start3A_296 : memref<26x128xi32, #tpu.memory_space<hbm>>) target(%arg9 : memref<26x128xi32, #tpu.memory_space<vmem>>) target_semaphore(%run_scoped3A : memref<!tpu.dma_semaphore, #tpu.memory_space<semaphore_mem>>)
        %dma_wait3A_297 = arith.constant 0 : i32
        %dma_wait3A_298 = arith.constant 0 : i32
        %dma_wait3A_299 = tpu.memref_slice %arg3[%arg1, %dma_wait3A_297, %dma_wait3A_298] : memref<16x26x128xi32, #tpu.memory_space<hbm>> -> memref<1x26x128xi32, #tpu.memory_space<hbm>>
        %dma_wait3A_300 = tpu.memref_squeeze %dma_wait3A_299 : memref<1x26x128xi32, #tpu.memory_space<hbm>> -> memref<26x128xi32, #tpu.memory_space<hbm>>
        %dma_wait3A_301 = arith.constant 0 : i32
        %dma_wait3A_302 = arith.constant 0 : i32
        %dma_wait3A_303 = tpu.memref_slice %arg3[%arg1, %dma_wait3A_301, %dma_wait3A_302] : memref<16x26x128xi32, #tpu.memory_space<hbm>> -> memref<1x26x128xi32, #tpu.memory_space<hbm>>
        %dma_wait3A_304 = tpu.memref_squeeze %dma_wait3A_303 : memref<1x26x128xi32, #tpu.memory_space<hbm>> -> memref<26x128xi32, #tpu.memory_space<hbm>>
        tpu.wait_dma2 semaphore(%run_scoped3A : memref<!tpu.dma_semaphore, #tpu.memory_space<semaphore_mem>>) src(%dma_wait3A_304 : memref<26x128xi32, #tpu.memory_space<hbm>>) dst(%arg9 : memref<26x128xi32, #tpu.memory_space<vmem>>)
        tpu.yield
      }) : () -> ()
      %scan3A = arith.constant 0 : i32
      %scan3A_2 = arith.constant 0 : i32
      %scan3A_3 = arith.constant 128 : i32
      %scan3A_4 = arith.addi %scan3A_2, %scan3A_3 : i32
      %scan3A_5 = arith.constant 1 : i32
      scf.for %scan3A_289 = %scan3A_2 to %scan3A_4 step %scan3A_5  : i32 {
        %broadcast_in_dim3A_290 = arith.constant 0 : i32
        %broadcast_in_dim3A_291 = vector.broadcast %broadcast_in_dim3A_290 : i32 to vector<16xi32>
        %mul3A_292 = arith.constant 16 : i32
        %mul3A_293 = arith.muli %scan3A_289, %mul3A_292 : i32
        %add3A_294 = arith.constant 4096 : i32
        %add3A_295 = arith.addi %add3A_294, %mul3A_293 : i32
        %swap3A_296 = arith.index_cast %add3A_295 : i32 to index
        %swap3A_297 = tpu.vector_load %arg8[%swap3A_296] {strides = array<i32>} : memref<6144xi32, #tpu.memory_space<vmem>>, vector<16xi32>,
        tpu.vector_store %arg8[%swap3A_296], %broadcast_in_dim3A_291 {strides = array<i32>} : memref<6144xi32, #tpu.memory_space<vmem>>, vector<16xi32>,
      }
      %scan3A_6 = arith.constant 128 : i32
      "tpu.region"() ({
        %run_scoped3A = tpu.sem_alloc : memref<!tpu.dma_semaphore, #tpu.memory_space<semaphore_mem>>
        %dma_start3A_289 = arith.constant 0 : i32
        %dma_start3A_290 = tpu.memref_slice %arg12[%dma_start3A_289] : memref<128xi32, #tpu.memory_space<vmem>> -> memref<16xi32, #tpu.memory_space<vmem>>
        %dma_start3A_291 = arith.constant 65520 : i32
        %dma_start3A_292 = tpu.memref_slice %arg2[%dma_start3A_291] : memref<65536xi32, #tpu.memory_space<hbm>> -> memref<16xi32, #tpu.memory_space<hbm>>
        %dma_start3A_293 = arith.constant 0 : i32
        %dma_start3A_294 = tpu.memref_slice %arg12[%dma_start3A_293] : memref<128xi32, #tpu.memory_space<vmem>> -> memref<16xi32, #tpu.memory_space<vmem>>
        %dma_start3A_295 = arith.constant 65520 : i32
        %dma_start3A_296 = tpu.memref_slice %arg2[%dma_start3A_295] : memref<65536xi32, #tpu.memory_space<hbm>> -> memref<16xi32, #tpu.memory_space<hbm>>
        tpu.enqueue_dma source(%dma_start3A_296 : memref<16xi32, #tpu.memory_space<hbm>>) target(%dma_start3A_294 : memref<16xi32, #tpu.memory_space<vmem>>) target_semaphore(%run_scoped3A : memref<!tpu.dma_semaphore, #tpu.memory_space<semaphore_mem>>)
        %dma_wait3A_297 = arith.constant 0 : i32
        %dma_wait3A_298 = tpu.memref_slice %arg12[%dma_wait3A_297] : memref<128xi32, #tpu.memory_space<vmem>> -> memref<16xi32, #tpu.memory_space<vmem>>
        %dma_wait3A_299 = arith.constant 65520 : i32
        %dma_wait3A_300 = tpu.memref_slice %arg2[%dma_wait3A_299] : memref<65536xi32, #tpu.memory_space<hbm>> -> memref<16xi32, #tpu.memory_space<hbm>>
        %dma_wait3A_301 = arith.constant 0 : i32
        %dma_wait3A_302 = tpu.memref_slice %arg12[%dma_wait3A_301] : memref<128xi32, #tpu.memory_space<vmem>> -> memref<16xi32, #tpu.memory_space<vmem>>
        %dma_wait3A_303 = arith.constant 65520 : i32
        %dma_wait3A_304 = tpu.memref_slice %arg2[%dma_wait3A_303] : memref<65536xi32, #tpu.memory_space<hbm>> -> memref<16xi32, #tpu.memory_space<hbm>>
        tpu.wait_dma2 semaphore(%run_scoped3A : memref<!tpu.dma_semaphore, #tpu.memory_space<semaphore_mem>>) src(%dma_wait3A_304 : memref<16xi32, #tpu.memory_space<hbm>>) dst(%dma_wait3A_302 : memref<16xi32, #tpu.memory_space<vmem>>)
        tpu.yield
      }) : () -> ()
      %get3A = arith.constant 0 : index
      %get3A_7 = tpu.vector_load %arg12[%get3A] {strides = array<i32>} : memref<128xi32, #tpu.memory_space<vmem>>, vector<16xi32>,
      %ge3A = arith.constant 8 : i32
      %ge3A_8 = vector.broadcast %ge3A : i32 to vector<16xi32>
      %ge3A_9 = arith.cmpi sge, %iota3A, %ge3A_8 : vector<16xi32>
      %broadcast_in_dim3A = arith.constant 1 : i32
      %broadcast_in_dim3A_10 = vector.broadcast %broadcast_in_dim3A : i32 to vector<16xi32>
      %sub3A = arith.constant 15 : i32
      %sub3A_11 = vector.broadcast %sub3A : i32 to vector<16xi32>
      %sub3A_12 = arith.subi %sub3A_11, %iota3A : vector<16xi32>
      %shift_left3A = arith.shli %broadcast_in_dim3A_10, %sub3A_12 : vector<16xi32>
      %broadcast_in_dim3A_13 = arith.constant 0 : i32
      %broadcast_in_dim3A_14 = vector.broadcast %broadcast_in_dim3A_13 : i32 to vector<16xi32>
      %select_n3A = arith.select %ge3A_9, %shift_left3A, %broadcast_in_dim3A_14 : vector<16xi1>, vector<16xi32>
      %mul3A = arith.muli %get3A_7, %select_n3A : vector<16xi32>
      %reduce_sum3A = arith.constant true
      %reduce_sum3A_15 = vector.broadcast %reduce_sum3A : i1 to vector<16xi1>
      %reduce_sum3A_16 = tpu.scan <sum>, %mul3A masked %reduce_sum3A_15 : vector<16xi32>, vector<16xi1> -> vector<16xi32>
      %reduce_sum3A_17 = vector.extract %reduce_sum3A_16[15] : i32 from vector<16xi32>
      %and3A = arith.constant 7 : i32
      %and3A_18 = arith.andi %reduce_sum3A_17, %and3A : i32
      %mul3A_19 = arith.constant 2048 : i32
      %mul3A_20 = arith.muli %and3A_18, %mul3A_19 : i32
      %shift_right_arithmetic3A = arith.constant 3 : i32
      %shift_right_arithmetic3A_21 = arith.shrsi %arg1, %shift_right_arithmetic3A : i32
      %mul3A_22 = arith.constant 1024 : i32
      %mul3A_23 = arith.muli %shift_right_arithmetic3A_21, %mul3A_22 : i32
      %add3A = arith.addi %mul3A_20, %mul3A_23 : i32
      %add3A_24 = arith.constant 0 : i32
      %add3A_25 = arith.addi %add3A, %add3A_24 : i32
      %and3A_26 = arith.constant 7 : i32
      %and3A_27 = arith.andi %arg1, %and3A_26 : i32
      %mul3A_28 = arith.constant 16 : i32
      %mul3A_29 = arith.muli %and3A_27, %mul3A_28 : i32
      %add3A_30 = arith.addi %add3A_25, %mul3A_29 : i32
      %add3A_31 = vector.broadcast %add3A_30 : i32 to vector<16xi32>
      %add3A_32 = arith.addi %add3A_31, %iota3A : vector<16xi32>
      %swap3A = arith.constant 0 : index
      %swap3A_33 = tpu.vector_load %arg13[%swap3A] {strides = array<i32>} : memref<128xi32, #tpu.memory_space<vmem>>, vector<16xi32>,
      tpu.vector_store %arg13[%swap3A], %add3A_32 {strides = array<i32>} : memref<128xi32, #tpu.memory_space<vmem>>, vector<16xi32>,
      %mul3A_34 = arith.constant 2048 : i32
      %mul3A_35 = arith.muli %and3A_18, %mul3A_34 : i32
      %shift_right_arithmetic3A_36 = arith.constant 3 : i32
      %shift_right_arithmetic3A_37 = arith.shrsi %arg1, %shift_right_arithmetic3A_36 : i32
      %mul3A_38 = arith.constant 1024 : i32
      %mul3A_39 = arith.muli %shift_right_arithmetic3A_37, %mul3A_38 : i32
      %add3A_40 = arith.addi %mul3A_35, %mul3A_39 : i32
      %add3A_41 = arith.constant 128 : i32
      %add3A_42 = arith.addi %add3A_40, %add3A_41 : i32
      %and3A_43 = arith.constant 7 : i32
      %and3A_44 = arith.andi %arg1, %and3A_43 : i32
      %mul3A_45 = arith.constant 16 : i32
      %mul3A_46 = arith.muli %and3A_44, %mul3A_45 : i32
      %add3A_47 = arith.addi %add3A_42, %mul3A_46 : i32
      %add3A_48 = vector.broadcast %add3A_47 : i32 to vector<16xi32>
      %add3A_49 = arith.addi %add3A_48, %iota3A : vector<16xi32>
      %swap3A_50 = arith.constant 16 : index
      %swap3A_51 = tpu.vector_load %arg13[%swap3A_50] {strides = array<i32>} : memref<128xi32, #tpu.memory_space<vmem>>, vector<16xi32>,
      tpu.vector_store %arg13[%swap3A_50], %add3A_49 {strides = array<i32>} : memref<128xi32, #tpu.memory_space<vmem>>, vector<16xi32>,
      %mul3A_52 = arith.constant 2048 : i32
      %mul3A_53 = arith.muli %and3A_18, %mul3A_52 : i32
      %shift_right_arithmetic3A_54 = arith.constant 3 : i32
      %shift_right_arithmetic3A_55 = arith.shrsi %arg1, %shift_right_arithmetic3A_54 : i32
      %mul3A_56 = arith.constant 1024 : i32
      %mul3A_57 = arith.muli %shift_right_arithmetic3A_55, %mul3A_56 : i32
      %add3A_58 = arith.addi %mul3A_53, %mul3A_57 : i32
      %add3A_59 = arith.constant 256 : i32
      %add3A_60 = arith.addi %add3A_58, %add3A_59 : i32
      %and3A_61 = arith.constant 7 : i32
      %and3A_62 = arith.andi %arg1, %and3A_61 : i32
      %mul3A_63 = arith.constant 16 : i32
      %mul3A_64 = arith.muli %and3A_62, %mul3A_63 : i32
      %add3A_65 = arith.addi %add3A_60, %mul3A_64 : i32
      %add3A_66 = vector.broadcast %add3A_65 : i32 to vector<16xi32>
      %add3A_67 = arith.addi %add3A_66, %iota3A : vector<16xi32>
      %swap3A_68 = arith.constant 32 : index
      %swap3A_69 = tpu.vector_load %arg13[%swap3A_68] {strides = array<i32>} : memref<128xi32, #tpu.memory_space<vmem>>, vector<16xi32>,
      tpu.vector_store %arg13[%swap3A_68], %add3A_67 {strides = array<i32>} : memref<128xi32, #tpu.memory_space<vmem>>, vector<16xi32>,
      %mul3A_70 = arith.constant 2048 : i32
      %mul3A_71 = arith.muli %and3A_18, %mul3A_70 : i32
      %shift_right_arithmetic3A_72 = arith.constant 3 : i32
      %shift_right_arithmetic3A_73 = arith.shrsi %arg1, %shift_right_arithmetic3A_72 : i32
      %mul3A_74 = arith.constant 1024 : i32
      %mul3A_75 = arith.muli %shift_right_arithmetic3A_73, %mul3A_74 : i32
      %add3A_76 = arith.addi %mul3A_71, %mul3A_75 : i32
      %add3A_77 = arith.constant 384 : i32
      %add3A_78 = arith.addi %add3A_76, %add3A_77 : i32
      %and3A_79 = arith.constant 7 : i32
      %and3A_80 = arith.andi %arg1, %and3A_79 : i32
      %mul3A_81 = arith.constant 16 : i32
      %mul3A_82 = arith.muli %and3A_80, %mul3A_81 : i32
      %add3A_83 = arith.addi %add3A_78, %mul3A_82 : i32
      %add3A_84 = vector.broadcast %add3A_83 : i32 to vector<16xi32>
      %add3A_85 = arith.addi %add3A_84, %iota3A : vector<16xi32>
      %swap3A_86 = arith.constant 48 : index
      %swap3A_87 = tpu.vector_load %arg13[%swap3A_86] {strides = array<i32>} : memref<128xi32, #tpu.memory_space<vmem>>, vector<16xi32>,
      tpu.vector_store %arg13[%swap3A_86], %add3A_85 {strides = array<i32>} : memref<128xi32, #tpu.memory_space<vmem>>, vector<16xi32>,
      %mul3A_88 = arith.constant 2048 : i32
      %mul3A_89 = arith.muli %and3A_18, %mul3A_88 : i32
      %shift_right_arithmetic3A_90 = arith.constant 3 : i32
      %shift_right_arithmetic3A_91 = arith.shrsi %arg1, %shift_right_arithmetic3A_90 : i32
      %mul3A_92 = arith.constant 1024 : i32
      %mul3A_93 = arith.muli %shift_right_arithmetic3A_91, %mul3A_92 : i32
      %add3A_94 = arith.addi %mul3A_89, %mul3A_93 : i32
      %add3A_95 = arith.constant 512 : i32
      %add3A_96 = arith.addi %add3A_94, %add3A_95 : i32
      %and3A_97 = arith.constant 7 : i32
      %and3A_98 = arith.andi %arg1, %and3A_97 : i32
      %mul3A_99 = arith.constant 16 : i32
      %mul3A_100 = arith.muli %and3A_98, %mul3A_99 : i32
      %add3A_101 = arith.addi %add3A_96, %mul3A_100 : i32
      %add3A_102 = vector.broadcast %add3A_101 : i32 to vector<16xi32>
      %add3A_103 = arith.addi %add3A_102, %iota3A : vector<16xi32>
      %swap3A_104 = arith.constant 64 : index
      %swap3A_105 = tpu.vector_load %arg13[%swap3A_104] {strides = array<i32>} : memref<128xi32, #tpu.memory_space<vmem>>, vector<16xi32>,
      tpu.vector_store %arg13[%swap3A_104], %add3A_103 {strides = array<i32>} : memref<128xi32, #tpu.memory_space<vmem>>, vector<16xi32>,
      %mul3A_106 = arith.constant 2048 : i32
      %mul3A_107 = arith.muli %and3A_18, %mul3A_106 : i32
      %shift_right_arithmetic3A_108 = arith.constant 3 : i32
      %shift_right_arithmetic3A_109 = arith.shrsi %arg1, %shift_right_arithmetic3A_108 : i32
      %mul3A_110 = arith.constant 1024 : i32
      %mul3A_111 = arith.muli %shift_right_arithmetic3A_109, %mul3A_110 : i32
      %add3A_112 = arith.addi %mul3A_107, %mul3A_111 : i32
      %add3A_113 = arith.constant 640 : i32
      %add3A_114 = arith.addi %add3A_112, %add3A_113 : i32
      %and3A_115 = arith.constant 7 : i32
      %and3A_116 = arith.andi %arg1, %and3A_115 : i32
      %mul3A_117 = arith.constant 16 : i32
      %mul3A_118 = arith.muli %and3A_116, %mul3A_117 : i32
      %add3A_119 = arith.addi %add3A_114, %mul3A_118 : i32
      %add3A_120 = vector.broadcast %add3A_119 : i32 to vector<16xi32>
      %add3A_121 = arith.addi %add3A_120, %iota3A : vector<16xi32>
      %swap3A_122 = arith.constant 80 : index
      %swap3A_123 = tpu.vector_load %arg13[%swap3A_122] {strides = array<i32>} : memref<128xi32, #tpu.memory_space<vmem>>, vector<16xi32>,
      tpu.vector_store %arg13[%swap3A_122], %add3A_121 {strides = array<i32>} : memref<128xi32, #tpu.memory_space<vmem>>, vector<16xi32>,
      %mul3A_124 = arith.constant 2048 : i32
      %mul3A_125 = arith.muli %and3A_18, %mul3A_124 : i32
      %shift_right_arithmetic3A_126 = arith.constant 3 : i32
      %shift_right_arithmetic3A_127 = arith.shrsi %arg1, %shift_right_arithmetic3A_126 : i32
      %mul3A_128 = arith.constant 1024 : i32
      %mul3A_129 = arith.muli %shift_right_arithmetic3A_127, %mul3A_128 : i32
      %add3A_130 = arith.addi %mul3A_125, %mul3A_129 : i32
      %add3A_131 = arith.constant 768 : i32
      %add3A_132 = arith.addi %add3A_130, %add3A_131 : i32
      %and3A_133 = arith.constant 7 : i32
      %and3A_134 = arith.andi %arg1, %and3A_133 : i32
      %mul3A_135 = arith.constant 16 : i32
      %mul3A_136 = arith.muli %and3A_134, %mul3A_135 : i32
      %add3A_137 = arith.addi %add3A_132, %mul3A_136 : i32
      %add3A_138 = vector.broadcast %add3A_137 : i32 to vector<16xi32>
      %add3A_139 = arith.addi %add3A_138, %iota3A : vector<16xi32>
      %swap3A_140 = arith.constant 96 : index
      %swap3A_141 = tpu.vector_load %arg13[%swap3A_140] {strides = array<i32>} : memref<128xi32, #tpu.memory_space<vmem>>, vector<16xi32>,
      tpu.vector_store %arg13[%swap3A_140], %add3A_139 {strides = array<i32>} : memref<128xi32, #tpu.memory_space<vmem>>, vector<16xi32>,
      %mul3A_142 = arith.constant 2048 : i32
      %mul3A_143 = arith.muli %and3A_18, %mul3A_142 : i32
      %shift_right_arithmetic3A_144 = arith.constant 3 : i32
      %shift_right_arithmetic3A_145 = arith.shrsi %arg1, %shift_right_arithmetic3A_144 : i32
      %mul3A_146 = arith.constant 1024 : i32
      %mul3A_147 = arith.muli %shift_right_arithmetic3A_145, %mul3A_146 : i32
      %add3A_148 = arith.addi %mul3A_143, %mul3A_147 : i32
      %add3A_149 = arith.constant 896 : i32
      %add3A_150 = arith.addi %add3A_148, %add3A_149 : i32
      %and3A_151 = arith.constant 7 : i32
      %and3A_152 = arith.andi %arg1, %and3A_151 : i32
      %mul3A_153 = arith.constant 16 : i32
      %mul3A_154 = arith.muli %and3A_152, %mul3A_153 : i32
      %add3A_155 = arith.addi %add3A_150, %mul3A_154 : i32
      %add3A_156 = vector.broadcast %add3A_155 : i32 to vector<16xi32>
      %add3A_157 = arith.addi %add3A_156, %iota3A : vector<16xi32>
      %swap3A_158 = arith.constant 112 : index
      %swap3A_159 = tpu.vector_load %arg13[%swap3A_158] {strides = array<i32>} : memref<128xi32, #tpu.memory_space<vmem>>, vector<16xi32>,
      tpu.vector_store %arg13[%swap3A_158], %add3A_157 {strides = array<i32>} : memref<128xi32, #tpu.memory_space<vmem>>, vector<16xi32>,
      %dma_start3A = arith.constant 0 : i32
      %dma_start3A_160 = tpu.memref_slice %arg5[%dma_start3A] : memref<16384xi32, #tpu.memory_space<hbm>> -> memref<16384xi32, #tpu.memory_space<hbm>>
      tpu.enqueue_indirect_dma source(%dma_start3A_160 : memref<16384xi32, #tpu.memory_space<hbm>>) target(%arg14 : memref<128xi32, #tpu.memory_space<vmem>>) offsets(%arg13 : memref<128xi32, #tpu.memory_space<vmem>>) semaphore(%arg22 : memref<!tpu.dma_semaphore, #tpu.memory_space<semaphore_mem>>)
      %dma_start3A_161 = arith.constant 0 : i32
      %dma_start3A_162 = tpu.memref_slice %arg8[%dma_start3A_161] : memref<6144xi32, #tpu.memory_space<vmem>> -> memref<2048xi32, #tpu.memory_space<vmem>>
      %dma_start3A_163 = arith.constant 0 : i32
      %dma_start3A_164 = tpu.memref_slice %arg2[%dma_start3A_163] : memref<65536xi32, #tpu.memory_space<hbm>> -> memref<2048xi32, #tpu.memory_space<hbm>>
      %dma_start3A_165 = arith.constant 0 : i32
      %dma_start3A_166 = tpu.memref_slice %arg8[%dma_start3A_165] : memref<6144xi32, #tpu.memory_space<vmem>> -> memref<2048xi32, #tpu.memory_space<vmem>>
      %dma_start3A_167 = arith.constant 0 : i32
      %dma_start3A_168 = tpu.memref_slice %arg2[%dma_start3A_167] : memref<65536xi32, #tpu.memory_space<hbm>> -> memref<2048xi32, #tpu.memory_space<hbm>>
      tpu.enqueue_dma source(%dma_start3A_168 : memref<2048xi32, #tpu.memory_space<hbm>>) target(%dma_start3A_166 : memref<2048xi32, #tpu.memory_space<vmem>>) target_semaphore(%arg20 : memref<!tpu.dma_semaphore, #tpu.memory_space<semaphore_mem>>)
      %scan3A_169 = arith.constant 0 : i32
      %scan3A_170 = arith.constant 0 : i32
      %scan3A_171 = arith.constant 16 : i32
      %scan3A_172 = arith.addi %scan3A_170, %scan3A_171 : i32
      %scan3A_173 = arith.constant 1 : i32
      scf.for %scan3A_289 = %scan3A_170 to %scan3A_172 step %scan3A_173  : i32 {
        %mul3A_290 = arith.constant 2 : i32
        %mul3A_291 = arith.muli %mul3A_290, %scan3A_289 : i32
        %dma_wait3A_292 = arith.constant 0 : i32
        %dma_wait3A_293 = tpu.memref_slice %arg8[%dma_wait3A_292] : memref<6144xi32, #tpu.memory_space<vmem>> -> memref<2048xi32, #tpu.memory_space<vmem>>
        %dma_wait3A_294 = arith.constant 0 : i32
        %dma_wait3A_295 = tpu.memref_slice %arg2[%dma_wait3A_294] : memref<65536xi32, #tpu.memory_space<hbm>> -> memref<2048xi32, #tpu.memory_space<hbm>>
        %dma_wait3A_296 = arith.constant 0 : i32
        %dma_wait3A_297 = tpu.memref_slice %arg8[%dma_wait3A_296] : memref<6144xi32, #tpu.memory_space<vmem>> -> memref<2048xi32, #tpu.memory_space<vmem>>
        %dma_wait3A_298 = arith.constant 0 : i32
        %dma_wait3A_299 = tpu.memref_slice %arg2[%dma_wait3A_298] : memref<65536xi32, #tpu.memory_space<hbm>> -> memref<2048xi32, #tpu.memory_space<hbm>>
        tpu.wait_dma2 semaphore(%arg20 : memref<!tpu.dma_semaphore, #tpu.memory_space<semaphore_mem>>) src(%dma_wait3A_299 : memref<2048xi32, #tpu.memory_space<hbm>>) dst(%dma_wait3A_297 : memref<2048xi32, #tpu.memory_space<vmem>>)
        %add3A_300 = arith.constant 1 : i32
        %add3A_301 = arith.addi %mul3A_291, %add3A_300 : i32
        %mul3A_302 = arith.constant 2048 : i32
        %mul3A_303 = arith.muli %add3A_301, %mul3A_302 : i32
        %dma_start3A_304 = arith.constant 2048 : i32
        %dma_start3A_305 = tpu.memref_slice %arg8[%dma_start3A_304] : memref<6144xi32, #tpu.memory_space<vmem>> -> memref<2048xi32, #tpu.memory_space<vmem>>
        %dma_start3A_306 = tpu.memref_slice %arg2[%mul3A_303] : memref<65536xi32, #tpu.memory_space<hbm>> -> memref<2048xi32, #tpu.memory_space<hbm>>
        %dma_start3A_307 = arith.constant 2048 : i32
        %dma_start3A_308 = tpu.memref_slice %arg8[%dma_start3A_307] : memref<6144xi32, #tpu.memory_space<vmem>> -> memref<2048xi32, #tpu.memory_space<vmem>>
        %dma_start3A_309 = tpu.memref_slice %arg2[%mul3A_303] : memref<65536xi32, #tpu.memory_space<hbm>> -> memref<2048xi32, #tpu.memory_space<hbm>>
        tpu.enqueue_dma source(%dma_start3A_309 : memref<2048xi32, #tpu.memory_space<hbm>>) target(%dma_start3A_308 : memref<2048xi32, #tpu.memory_space<vmem>>) target_semaphore(%arg20 : memref<!tpu.dma_semaphore, #tpu.memory_space<semaphore_mem>>)
        %broadcast_in_dim3A_310 = arith.constant 0 : i32
        %broadcast_in_dim3A_311 = vector.broadcast %broadcast_in_dim3A_310 : i32 to vector<16xi32>
        %get3A_312 = arith.constant 0 : i32
        %get3A_313 = arith.index_cast %get3A_312 : i32 to index
        %get3A_314 = arith.constant 0 : index
        %get3A_315 = tpu.vector_load %arg9[%get3A_313, %get3A_314] {strides = array<i32>} : memref<26x128xi32, #tpu.memory_space<vmem>>, vector<16xi32>,
        %gather3A_316 = tpu.vector_load_idx %arg8[%get3A_315] : memref<6144xi32, #tpu.memory_space<vmem>>[vector<16xi32>], vector<16xi32>,
        %add3A_317 = arith.addi %broadcast_in_dim3A_311, %broadcast_in_dim3A_311 : vector<16xi32>
        %add3A_318 = arith.addi %add3A_317, %gather3A_316 : vector<16xi32>
        %get3A_319 = arith.constant 1 : i32
        %get3A_320 = arith.index_cast %get3A_319 : i32 to index
        %get3A_321 = arith.constant 0 : index
        %get3A_322 = tpu.vector_load %arg9[%get3A_320, %get3A_321] {strides = array<i32>} : memref<26x128xi32, #tpu.memory_space<vmem>>, vector<16xi32>,
        %gather3A_323 = tpu.vector_load_idx %arg8[%get3A_322] : memref<6144xi32, #tpu.memory_space<vmem>>[vector<16xi32>], vector<16xi32>,
        %add3A_324 = arith.addi %add3A_318, %add3A_318 : vector<16xi32>
        %add3A_325 = arith.addi %add3A_324, %gather3A_323 : vector<16xi32>
        %get3A_326 = arith.constant 2 : i32
        %get3A_327 = arith.index_cast %get3A_326 : i32 to index
        %get3A_328 = arith.constant 0 : index
        %get3A_329 = tpu.vector_load %arg9[%get3A_327, %get3A_328] {strides = array<i32>} : memref<26x128xi32, #tpu.memory_space<vmem>>, vector<16xi32>,
        %gather3A_330 = tpu.vector_load_idx %arg8[%get3A_329] : memref<6144xi32, #tpu.memory_space<vmem>>[vector<16xi32>], vector<16xi32>,
        %add3A_331 = arith.addi %add3A_325, %add3A_325 : vector<16xi32>
        %add3A_332 = arith.addi %add3A_331, %gather3A_330 : vector<16xi32>
        %get3A_333 = arith.constant 3 : i32
        %get3A_334 = arith.index_cast %get3A_333 : i32 to index
        %get3A_335 = arith.constant 0 : index
        %get3A_336 = tpu.vector_load %arg9[%get3A_334, %get3A_335] {strides = array<i32>} : memref<26x128xi32, #tpu.memory_space<vmem>>, vector<16xi32>,
        %gather3A_337 = tpu.vector_load_idx %arg8[%get3A_336] : memref<6144xi32, #tpu.memory_space<vmem>>[vector<16xi32>], vector<16xi32>,
        %add3A_338 = arith.addi %add3A_332, %add3A_332 : vector<16xi32>
        %add3A_339 = arith.addi %add3A_338, %gather3A_337 : vector<16xi32>
        %get3A_340 = arith.constant 4 : i32
        %get3A_341 = arith.index_cast %get3A_340 : i32 to index
        %get3A_342 = arith.constant 0 : index
        %get3A_343 = tpu.vector_load %arg9[%get3A_341, %get3A_342] {strides = array<i32>} : memref<26x128xi32, #tpu.memory_space<vmem>>, vector<16xi32>,
        %gather3A_344 = tpu.vector_load_idx %arg8[%get3A_343] : memref<6144xi32, #tpu.memory_space<vmem>>[vector<16xi32>], vector<16xi32>,
        %add3A_345 = arith.addi %add3A_339, %add3A_339 : vector<16xi32>
        %add3A_346 = arith.addi %add3A_345, %gather3A_344 : vector<16xi32>
        %get3A_347 = arith.constant 5 : i32
        %get3A_348 = arith.index_cast %get3A_347 : i32 to index
        %get3A_349 = arith.constant 0 : index
        %get3A_350 = tpu.vector_load %arg9[%get3A_348, %get3A_349] {strides = array<i32>} : memref<26x128xi32, #tpu.memory_space<vmem>>, vector<16xi32>,
        %gather3A_351 = tpu.vector_load_idx %arg8[%get3A_350] : memref<6144xi32, #tpu.memory_space<vmem>>[vector<16xi32>], vector<16xi32>,
        %add3A_352 = arith.addi %add3A_346, %add3A_346 : vector<16xi32>
        %add3A_353 = arith.addi %add3A_352, %gather3A_351 : vector<16xi32>
        %get3A_354 = arith.constant 6 : i32
        %get3A_355 = arith.index_cast %get3A_354 : i32 to index
        %get3A_356 = arith.constant 0 : index
        %get3A_357 = tpu.vector_load %arg9[%get3A_355, %get3A_356] {strides = array<i32>} : memref<26x128xi32, #tpu.memory_space<vmem>>, vector<16xi32>,
        %gather3A_358 = tpu.vector_load_idx %arg8[%get3A_357] : memref<6144xi32, #tpu.memory_space<vmem>>[vector<16xi32>], vector<16xi32>,
        %add3A_359 = arith.addi %add3A_353, %add3A_353 : vector<16xi32>
        %add3A_360 = arith.addi %add3A_359, %gather3A_358 : vector<16xi32>
        %get3A_361 = arith.constant 7 : i32
        %get3A_362 = arith.index_cast %get3A_361 : i32 to index
        %get3A_363 = arith.constant 0 : index
        %get3A_364 = tpu.vector_load %arg9[%get3A_362, %get3A_363] {strides = array<i32>} : memref<26x128xi32, #tpu.memory_space<vmem>>, vector<16xi32>,
        %gather3A_365 = tpu.vector_load_idx %arg8[%get3A_364] : memref<6144xi32, #tpu.memory_space<vmem>>[vector<16xi32>], vector<16xi32>,
        %add3A_366 = arith.addi %add3A_360, %add3A_360 : vector<16xi32>
        %add3A_367 = arith.addi %add3A_366, %gather3A_365 : vector<16xi32>
        %get3A_368 = arith.constant 8 : i32
        %get3A_369 = arith.index_cast %get3A_368 : i32 to index
        %get3A_370 = arith.constant 0 : index
        %get3A_371 = tpu.vector_load %arg9[%get3A_369, %get3A_370] {strides = array<i32>} : memref<26x128xi32, #tpu.memory_space<vmem>>, vector<16xi32>,
        %gather3A_372 = tpu.vector_load_idx %arg8[%get3A_371] : memref<6144xi32, #tpu.memory_space<vmem>>[vector<16xi32>], vector<16xi32>,
        %add3A_373 = arith.addi %add3A_367, %add3A_367 : vector<16xi32>
        %add3A_374 = arith.addi %add3A_373, %gather3A_372 : vector<16xi32>
        %get3A_375 = arith.constant 9 : i32
        %get3A_376 = arith.index_cast %get3A_375 : i32 to index
        %get3A_377 = arith.constant 0 : index
        %get3A_378 = tpu.vector_load %arg9[%get3A_376, %get3A_377] {strides = array<i32>} : memref<26x128xi32, #tpu.memory_space<vmem>>, vector<16xi32>,
        %gather3A_379 = tpu.vector_load_idx %arg8[%get3A_378] : memref<6144xi32, #tpu.memory_space<vmem>>[vector<16xi32>], vector<16xi32>,
        %add3A_380 = arith.addi %add3A_374, %add3A_374 : vector<16xi32>
        %add3A_381 = arith.addi %add3A_380, %gather3A_379 : vector<16xi32>
        %get3A_382 = arith.constant 10 : i32
        %get3A_383 = arith.index_cast %get3A_382 : i32 to index
        %get3A_384 = arith.constant 0 : index
        %get3A_385 = tpu.vector_load %arg9[%get3A_383, %get3A_384] {strides = array<i32>} : memref<26x128xi32, #tpu.memory_space<vmem>>, vector<16xi32>,
        %gather3A_386 = tpu.vector_load_idx %arg8[%get3A_385] : memref<6144xi32, #tpu.memory_space<vmem>>[vector<16xi32>], vector<16xi32>,
        %add3A_387 = arith.addi %add3A_381, %add3A_381 : vector<16xi32>
        %add3A_388 = arith.addi %add3A_387, %gather3A_386 : vector<16xi32>
        %get3A_389 = arith.constant 11 : i32
        %get3A_390 = arith.index_cast %get3A_389 : i32 to index
        %get3A_391 = arith.constant 0 : index
        %get3A_392 = tpu.vector_load %arg9[%get3A_390, %get3A_391] {strides = array<i32>} : memref<26x128xi32, #tpu.memory_space<vmem>>, vector<16xi32>,
        %gather3A_393 = tpu.vector_load_idx %arg8[%get3A_392] : memref<6144xi32, #tpu.memory_space<vmem>>[vector<16xi32>], vector<16xi32>,
        %add3A_394 = arith.addi %add3A_388, %add3A_388 : vector<16xi32>
        %add3A_395 = arith.addi %add3A_394, %gather3A_393 : vector<16xi32>
        %get3A_396 = arith.constant 12 : i32
        %get3A_397 = arith.index_cast %get3A_396 : i32 to index
        %get3A_398 = arith.constant 0 : index
        %get3A_399 = tpu.vector_load %arg9[%get3A_397, %get3A_398] {strides = array<i32>} : memref<26x128xi32, #tpu.memory_space<vmem>>, vector<16xi32>,
        %gather3A_400 = tpu.vector_load_idx %arg8[%get3A_399] : memref<6144xi32, #tpu.memory_space<vmem>>[vector<16xi32>], vector<16xi32>,
        %add3A_401 = arith.addi %add3A_395, %add3A_395 : vector<16xi32>
        %add3A_402 = arith.addi %add3A_401, %gather3A_400 : vector<16xi32>
        %mul3A_403 = arith.constant 128 : i32
        %mul3A_404 = arith.muli %arg1, %mul3A_403 : i32
        %add3A_405 = arith.constant 0 : i32
        %add3A_406 = arith.addi %mul3A_404, %add3A_405 : i32
        %add3A_407 = vector.broadcast %add3A_406 : i32 to vector<16xi32>
        %add3A_408 = arith.addi %add3A_407, %iota3A : vector<16xi32>
        %shift_right_arithmetic3A_409 = arith.constant 3 : i32
        %shift_right_arithmetic3A_410 = vector.broadcast %shift_right_arithmetic3A_409 : i32 to vector<16xi32>
        %shift_right_arithmetic3A_411 = arith.shrsi %add3A_408, %shift_right_arithmetic3A_410 : vector<16xi32>
        %shift_left3A_412 = arith.constant 16 : i32
        %shift_left3A_413 = vector.broadcast %shift_left3A_412 : i32 to vector<16xi32>
        %shift_left3A_414 = arith.shli %shift_right_arithmetic3A_411, %shift_left3A_413 : vector<16xi32>
        %shift_right_arithmetic3A_415 = arith.constant 7 : i32
        %shift_right_arithmetic3A_416 = vector.broadcast %shift_right_arithmetic3A_415 : i32 to vector<16xi32>
        %shift_right_arithmetic3A_417 = arith.shrsi %add3A_402, %shift_right_arithmetic3A_416 : vector<16xi32>
        %shift_left3A_418 = arith.constant 10 : i32
        %shift_left3A_419 = vector.broadcast %shift_left3A_418 : i32 to vector<16xi32>
        %shift_left3A_420 = arith.shli %shift_right_arithmetic3A_417, %shift_left3A_419 : vector<16xi32>
        %add3A_421 = arith.addi %shift_left3A_414, %shift_left3A_420 : vector<16xi32>
        %and3A_422 = arith.constant 7 : i32
        %and3A_423 = vector.broadcast %and3A_422 : i32 to vector<16xi32>
        %and3A_424 = arith.andi %add3A_408, %and3A_423 : vector<16xi32>
        %shift_left3A_425 = arith.constant 7 : i32
        %shift_left3A_426 = vector.broadcast %shift_left3A_425 : i32 to vector<16xi32>
        %shift_left3A_427 = arith.shli %and3A_424, %shift_left3A_426 : vector<16xi32>
        %add3A_428 = arith.addi %add3A_421, %shift_left3A_427 : vector<16xi32>
        %and3A_429 = arith.constant 127 : i32
        %and3A_430 = vector.broadcast %and3A_429 : i32 to vector<16xi32>
        %and3A_431 = arith.andi %add3A_402, %and3A_430 : vector<16xi32>
        %add3A_432 = arith.addi %add3A_428, %and3A_431 : vector<16xi32>
        %swap3A_433 = arith.constant 0 : index
        %swap3A_434 = tpu.vector_load %arg10[%swap3A_433] {strides = array<i32>} : memref<64xi32, #tpu.memory_space<vmem>>, vector<16xi32>,
        tpu.vector_store %arg10[%swap3A_433], %add3A_432 {strides = array<i32>} : memref<64xi32, #tpu.memory_space<vmem>>, vector<16xi32>,
        %broadcast_in_dim3A_435 = arith.constant 0 : i32
        %broadcast_in_dim3A_436 = vector.broadcast %broadcast_in_dim3A_435 : i32 to vector<16xi32>
        %get3A_437 = arith.constant 0 : i32
        %get3A_438 = arith.index_cast %get3A_437 : i32 to index
        %get3A_439 = arith.constant 16 : index
        %get3A_440 = tpu.vector_load %arg9[%get3A_438, %get3A_439] {strides = array<i32>} : memref<26x128xi32, #tpu.memory_space<vmem>>, vector<16xi32>,
        %gather3A_441 = tpu.vector_load_idx %arg8[%get3A_440] : memref<6144xi32, #tpu.memory_space<vmem>>[vector<16xi32>], vector<16xi32>,
        %add3A_442 = arith.addi %broadcast_in_dim3A_436, %broadcast_in_dim3A_436 : vector<16xi32>
        %add3A_443 = arith.addi %add3A_442, %gather3A_441 : vector<16xi32>
        %get3A_444 = arith.constant 1 : i32
        %get3A_445 = arith.index_cast %get3A_444 : i32 to index
        %get3A_446 = arith.constant 16 : index
        %get3A_447 = tpu.vector_load %arg9[%get3A_445, %get3A_446] {strides = array<i32>} : memref<26x128xi32, #tpu.memory_space<vmem>>, vector<16xi32>,
        %gather3A_448 = tpu.vector_load_idx %arg8[%get3A_447] : memref<6144xi32, #tpu.memory_space<vmem>>[vector<16xi32>], vector<16xi32>,
        %add3A_449 = arith.addi %add3A_443, %add3A_443 : vector<16xi32>
        %add3A_450 = arith.addi %add3A_449, %gather3A_448 : vector<16xi32>
        %get3A_451 = arith.constant 2 : i32
        %get3A_452 = arith.index_cast %get3A_451 : i32 to index
        %get3A_453 = arith.constant 16 : index
        %get3A_454 = tpu.vector_load %arg9[%get3A_452, %get3A_453] {strides = array<i32>} : memref<26x128xi32, #tpu.memory_space<vmem>>, vector<16xi32>,
        %gather3A_455 = tpu.vector_load_idx %arg8[%get3A_454] : memref<6144xi32, #tpu.memory_space<vmem>>[vector<16xi32>], vector<16xi32>,
        %add3A_456 = arith.addi %add3A_450, %add3A_450 : vector<16xi32>
        %add3A_457 = arith.addi %add3A_456, %gather3A_455 : vector<16xi32>
        %get3A_458 = arith.constant 3 : i32
        %get3A_459 = arith.index_cast %get3A_458 : i32 to index
        %get3A_460 = arith.constant 16 : index
        %get3A_461 = tpu.vector_load %arg9[%get3A_459, %get3A_460] {strides = array<i32>} : memref<26x128xi32, #tpu.memory_space<vmem>>, vector<16xi32>,
        %gather3A_462 = tpu.vector_load_idx %arg8[%get3A_461] : memref<6144xi32, #tpu.memory_space<vmem>>[vector<16xi32>], vector<16xi32>,
        %add3A_463 = arith.addi %add3A_457, %add3A_457 : vector<16xi32>
        %add3A_464 = arith.addi %add3A_463, %gather3A_462 : vector<16xi32>
        %get3A_465 = arith.constant 4 : i32
        %get3A_466 = arith.index_cast %get3A_465 : i32 to index
        %get3A_467 = arith.constant 16 : index
        %get3A_468 = tpu.vector_load %arg9[%get3A_466, %get3A_467] {strides = array<i32>} : memref<26x128xi32, #tpu.memory_space<vmem>>, vector<16xi32>,
        %gather3A_469 = tpu.vector_load_idx %arg8[%get3A_468] : memref<6144xi32, #tpu.memory_space<vmem>>[vector<16xi32>], vector<16xi32>,
        %add3A_470 = arith.addi %add3A_464, %add3A_464 : vector<16xi32>
        %add3A_471 = arith.addi %add3A_470, %gather3A_469 : vector<16xi32>
        %get3A_472 = arith.constant 5 : i32
        %get3A_473 = arith.index_cast %get3A_472 : i32 to index
        %get3A_474 = arith.constant 16 : index
        %get3A_475 = tpu.vector_load %arg9[%get3A_473, %get3A_474] {strides = array<i32>} : memref<26x128xi32, #tpu.memory_space<vmem>>, vector<16xi32>,
        %gather3A_476 = tpu.vector_load_idx %arg8[%get3A_475] : memref<6144xi32, #tpu.memory_space<vmem>>[vector<16xi32>], vector<16xi32>,
        %add3A_477 = arith.addi %add3A_471, %add3A_471 : vector<16xi32>
        %add3A_478 = arith.addi %add3A_477, %gather3A_476 : vector<16xi32>
        %get3A_479 = arith.constant 6 : i32
        %get3A_480 = arith.index_cast %get3A_479 : i32 to index
        %get3A_481 = arith.constant 16 : index
        %get3A_482 = tpu.vector_load %arg9[%get3A_480, %get3A_481] {strides = array<i32>} : memref<26x128xi32, #tpu.memory_space<vmem>>, vector<16xi32>,
        %gather3A_483 = tpu.vector_load_idx %arg8[%get3A_482] : memref<6144xi32, #tpu.memory_space<vmem>>[vector<16xi32>], vector<16xi32>,
        %add3A_484 = arith.addi %add3A_478, %add3A_478 : vector<16xi32>
        %add3A_485 = arith.addi %add3A_484, %gather3A_483 : vector<16xi32>
        %get3A_486 = arith.constant 7 : i32
        %get3A_487 = arith.index_cast %get3A_486 : i32 to index
        %get3A_488 = arith.constant 16 : index
        %get3A_489 = tpu.vector_load %arg9[%get3A_487, %get3A_488] {strides = array<i32>} : memref<26x128xi32, #tpu.memory_space<vmem>>, vector<16xi32>,
        %gather3A_490 = tpu.vector_load_idx %arg8[%get3A_489] : memref<6144xi32, #tpu.memory_space<vmem>>[vector<16xi32>], vector<16xi32>,
        %add3A_491 = arith.addi %add3A_485, %add3A_485 : vector<16xi32>
        %add3A_492 = arith.addi %add3A_491, %gather3A_490 : vector<16xi32>
        %get3A_493 = arith.constant 8 : i32
        %get3A_494 = arith.index_cast %get3A_493 : i32 to index
        %get3A_495 = arith.constant 16 : index
        %get3A_496 = tpu.vector_load %arg9[%get3A_494, %get3A_495] {strides = array<i32>} : memref<26x128xi32, #tpu.memory_space<vmem>>, vector<16xi32>,
        %gather3A_497 = tpu.vector_load_idx %arg8[%get3A_496] : memref<6144xi32, #tpu.memory_space<vmem>>[vector<16xi32>], vector<16xi32>,
        %add3A_498 = arith.addi %add3A_492, %add3A_492 : vector<16xi32>
        %add3A_499 = arith.addi %add3A_498, %gather3A_497 : vector<16xi32>
        %get3A_500 = arith.constant 9 : i32
        %get3A_501 = arith.index_cast %get3A_500 : i32 to index
        %get3A_502 = arith.constant 16 : index
        %get3A_503 = tpu.vector_load %arg9[%get3A_501, %get3A_502] {strides = array<i32>} : memref<26x128xi32, #tpu.memory_space<vmem>>, vector<16xi32>,
        %gather3A_504 = tpu.vector_load_idx %arg8[%get3A_503] : memref<6144xi32, #tpu.memory_space<vmem>>[vector<16xi32>], vector<16xi32>,
        %add3A_505 = arith.addi %add3A_499, %add3A_499 : vector<16xi32>
        %add3A_506 = arith.addi %add3A_505, %gather3A_504 : vector<16xi32>
        %get3A_507 = arith.constant 10 : i32
        %get3A_508 = arith.index_cast %get3A_507 : i32 to index
        %get3A_509 = arith.constant 16 : index
        %get3A_510 = tpu.vector_load %arg9[%get3A_508, %get3A_509] {strides = array<i32>} : memref<26x128xi32, #tpu.memory_space<vmem>>, vector<16xi32>,
        %gather3A_511 = tpu.vector_load_idx %arg8[%get3A_510] : memref<6144xi32, #tpu.memory_space<vmem>>[vector<16xi32>], vector<16xi32>,
        %add3A_512 = arith.addi %add3A_506, %add3A_506 : vector<16xi32>
        %add3A_513 = arith.addi %add3A_512, %gather3A_511 : vector<16xi32>
        %get3A_514 = arith.constant 11 : i32
        %get3A_515 = arith.index_cast %get3A_514 : i32 to index
        %get3A_516 = arith.constant 16 : index
        %get3A_517 = tpu.vector_load %arg9[%get3A_515, %get3A_516] {strides = array<i32>} : memref<26x128xi32, #tpu.memory_space<vmem>>, vector<16xi32>,
        %gather3A_518 = tpu.vector_load_idx %arg8[%get3A_517] : memref<6144xi32, #tpu.memory_space<vmem>>[vector<16xi32>], vector<16xi32>,
        %add3A_519 = arith.addi %add3A_513, %add3A_513 : vector<16xi32>
        %add3A_520 = arith.addi %add3A_519, %gather3A_518 : vector<16xi32>
        %get3A_521 = arith.constant 12 : i32
        %get3A_522 = arith.index_cast %get3A_521 : i32 to index
        %get3A_523 = arith.constant 16 : index
        %get3A_524 = tpu.vector_load %arg9[%get3A_522, %get3A_523] {strides = array<i32>} : memref<26x128xi32, #tpu.memory_space<vmem>>, vector<16xi32>,
        %gather3A_525 = tpu.vector_load_idx %arg8[%get3A_524] : memref<6144xi32, #tpu.memory_space<vmem>>[vector<16xi32>], vector<16xi32>,
        %add3A_526 = arith.addi %add3A_520, %add3A_520 : vector<16xi32>
        %add3A_527 = arith.addi %add3A_526, %gather3A_525 : vector<16xi32>
        %mul3A_528 = arith.constant 128 : i32
        %mul3A_529 = arith.muli %arg1, %mul3A_528 : i32
        %add3A_530 = arith.constant 16 : i32
        %add3A_531 = arith.addi %mul3A_529, %add3A_530 : i32
        %add3A_532 = vector.broadcast %add3A_531 : i32 to vector<16xi32>
        %add3A_533 = arith.addi %add3A_532, %iota3A : vector<16xi32>
        %shift_right_arithmetic3A_534 = arith.constant 3 : i32
        %shift_right_arithmetic3A_535 = vector.broadcast %shift_right_arithmetic3A_534 : i32 to vector<16xi32>
        %shift_right_arithmetic3A_536 = arith.shrsi %add3A_533, %shift_right_arithmetic3A_535 : vector<16xi32>
        %shift_left3A_537 = arith.constant 16 : i32
        %shift_left3A_538 = vector.broadcast %shift_left3A_537 : i32 to vector<16xi32>
        %shift_left3A_539 = arith.shli %shift_right_arithmetic3A_536, %shift_left3A_538 : vector<16xi32>
        %shift_right_arithmetic3A_540 = arith.constant 7 : i32
        %shift_right_arithmetic3A_541 = vector.broadcast %shift_right_arithmetic3A_540 : i32 to vector<16xi32>
        %shift_right_arithmetic3A_542 = arith.shrsi %add3A_527, %shift_right_arithmetic3A_541 : vector<16xi32>
        %shift_left3A_543 = arith.constant 10 : i32
        %shift_left3A_544 = vector.broadcast %shift_left3A_543 : i32 to vector<16xi32>
        %shift_left3A_545 = arith.shli %shift_right_arithmetic3A_542, %shift_left3A_544 : vector<16xi32>
        %add3A_546 = arith.addi %shift_left3A_539, %shift_left3A_545 : vector<16xi32>
        %and3A_547 = arith.constant 7 : i32
        %and3A_548 = vector.broadcast %and3A_547 : i32 to vector<16xi32>
        %and3A_549 = arith.andi %add3A_533, %and3A_548 : vector<16xi32>
        %shift_left3A_550 = arith.constant 7 : i32
        %shift_left3A_551 = vector.broadcast %shift_left3A_550 : i32 to vector<16xi32>
        %shift_left3A_552 = arith.shli %and3A_549, %shift_left3A_551 : vector<16xi32>
        %add3A_553 = arith.addi %add3A_546, %shift_left3A_552 : vector<16xi32>
        %and3A_554 = arith.constant 127 : i32
        %and3A_555 = vector.broadcast %and3A_554 : i32 to vector<16xi32>
        %and3A_556 = arith.andi %add3A_527, %and3A_555 : vector<16xi32>
        %add3A_557 = arith.addi %add3A_553, %and3A_556 : vector<16xi32>
        %swap3A_558 = arith.constant 16 : index
        %swap3A_559 = tpu.vector_load %arg10[%swap3A_558] {strides = array<i32>} : memref<64xi32, #tpu.memory_space<vmem>>, vector<16xi32>,
        tpu.vector_store %arg10[%swap3A_558], %add3A_557 {strides = array<i32>} : memref<64xi32, #tpu.memory_space<vmem>>, vector<16xi32>,
        %broadcast_in_dim3A_560 = arith.constant 0 : i32
        %broadcast_in_dim3A_561 = vector.broadcast %broadcast_in_dim3A_560 : i32 to vector<16xi32>
        %get3A_562 = arith.constant 0 : i32
        %get3A_563 = arith.index_cast %get3A_562 : i32 to index
        %get3A_564 = arith.constant 32 : index
        %get3A_565 = tpu.vector_load %arg9[%get3A_563, %get3A_564] {strides = array<i32>} : memref<26x128xi32, #tpu.memory_space<vmem>>, vector<16xi32>,
        %gather3A_566 = tpu.vector_load_idx %arg8[%get3A_565] : memref<6144xi32, #tpu.memory_space<vmem>>[vector<16xi32>], vector<16xi32>,
        %add3A_567 = arith.addi %broadcast_in_dim3A_561, %broadcast_in_dim3A_561 : vector<16xi32>
        %add3A_568 = arith.addi %add3A_567, %gather3A_566 : vector<16xi32>
        %get3A_569 = arith.constant 1 : i32
        %get3A_570 = arith.index_cast %get3A_569 : i32 to index
        %get3A_571 = arith.constant 32 : index
        %get3A_572 = tpu.vector_load %arg9[%get3A_570, %get3A_571] {strides = array<i32>} : memref<26x128xi32, #tpu.memory_space<vmem>>, vector<16xi32>,
        %gather3A_573 = tpu.vector_load_idx %arg8[%get3A_572] : memref<6144xi32, #tpu.memory_space<vmem>>[vector<16xi32>], vector<16xi32>,
        %add3A_574 = arith.addi %add3A_568, %add3A_568 : vector<16xi32>
        %add3A_575 = arith.addi %add3A_574, %gather3A_573 : vector<16xi32>
        %get3A_576 = arith.constant 2 : i32
        %get3A_577 = arith.index_cast %get3A_576 : i32 to index
        %get3A_578 = arith.constant 32 : index
        %get3A_579 = tpu.vector_load %arg9[%get3A_577, %get3A_578] {strides = array<i32>} : memref<26x128xi32, #tpu.memory_space<vmem>>, vector<16xi32>,
        %gather3A_580 = tpu.vector_load_idx %arg8[%get3A_579] : memref<6144xi32, #tpu.memory_space<vmem>>[vector<16xi32>], vector<16xi32>,
        %add3A_581 = arith.addi %add3A_575, %add3A_575 : vector<16xi32>
        %add3A_582 = arith.addi %add3A_581, %gather3A_580 : vector<16xi32>
        %get3A_583 = arith.constant 3 : i32
        %get3A_584 = arith.index_cast %get3A_583 : i32 to index
        %get3A_585 = arith.constant 32 : index
        %get3A_586 = tpu.vector_load %arg9[%get3A_584, %get3A_585] {strides = array<i32>} : memref<26x128xi32, #tpu.memory_space<vmem>>, vector<16xi32>,
        %gather3A_587 = tpu.vector_load_idx %arg8[%get3A_586] : memref<6144xi32, #tpu.memory_space<vmem>>[vector<16xi32>], vector<16xi32>,
        %add3A_588 = arith.addi %add3A_582, %add3A_582 : vector<16xi32>
        %add3A_589 = arith.addi %add3A_588, %gather3A_587 : vector<16xi32>
        %get3A_590 = arith.constant 4 : i32
        %get3A_591 = arith.index_cast %get3A_590 : i32 to index
        %get3A_592 = arith.constant 32 : index
        %get3A_593 = tpu.vector_load %arg9[%get3A_591, %get3A_592] {strides = array<i32>} : memref<26x128xi32, #tpu.memory_space<vmem>>, vector<16xi32>,
        %gather3A_594 = tpu.vector_load_idx %arg8[%get3A_593] : memref<6144xi32, #tpu.memory_space<vmem>>[vector<16xi32>], vector<16xi32>,
        %add3A_595 = arith.addi %add3A_589, %add3A_589 : vector<16xi32>
        %add3A_596 = arith.addi %add3A_595, %gather3A_594 : vector<16xi32>
        %get3A_597 = arith.constant 5 : i32
        %get3A_598 = arith.index_cast %get3A_597 : i32 to index
        %get3A_599 = arith.constant 32 : index
        %get3A_600 = tpu.vector_load %arg9[%get3A_598, %get3A_599] {strides = array<i32>} : memref<26x128xi32, #tpu.memory_space<vmem>>, vector<16xi32>,
        %gather3A_601 = tpu.vector_load_idx %arg8[%get3A_600] : memref<6144xi32, #tpu.memory_space<vmem>>[vector<16xi32>], vector<16xi32>,
        %add3A_602 = arith.addi %add3A_596, %add3A_596 : vector<16xi32>
        %add3A_603 = arith.addi %add3A_602, %gather3A_601 : vector<16xi32>
        %get3A_604 = arith.constant 6 : i32
        %get3A_605 = arith.index_cast %get3A_604 : i32 to index
        %get3A_606 = arith.constant 32 : index
        %get3A_607 = tpu.vector_load %arg9[%get3A_605, %get3A_606] {strides = array<i32>} : memref<26x128xi32, #tpu.memory_space<vmem>>, vector<16xi32>,
        %gather3A_608 = tpu.vector_load_idx %arg8[%get3A_607] : memref<6144xi32, #tpu.memory_space<vmem>>[vector<16xi32>], vector<16xi32>,
        %add3A_609 = arith.addi %add3A_603, %add3A_603 : vector<16xi32>
        %add3A_610 = arith.addi %add3A_609, %gather3A_608 : vector<16xi32>
        %get3A_611 = arith.constant 7 : i32
        %get3A_612 = arith.index_cast %get3A_611 : i32 to index
        %get3A_613 = arith.constant 32 : index
        %get3A_614 = tpu.vector_load %arg9[%get3A_612, %get3A_613] {strides = array<i32>} : memref<26x128xi32, #tpu.memory_space<vmem>>, vector<16xi32>,
        %gather3A_615 = tpu.vector_load_idx %arg8[%get3A_614] : memref<6144xi32, #tpu.memory_space<vmem>>[vector<16xi32>], vector<16xi32>,
        %add3A_616 = arith.addi %add3A_610, %add3A_610 : vector<16xi32>
        %add3A_617 = arith.addi %add3A_616, %gather3A_615 : vector<16xi32>
        %get3A_618 = arith.constant 8 : i32
        %get3A_619 = arith.index_cast %get3A_618 : i32 to index
        %get3A_620 = arith.constant 32 : index
        %get3A_621 = tpu.vector_load %arg9[%get3A_619, %get3A_620] {strides = array<i32>} : memref<26x128xi32, #tpu.memory_space<vmem>>, vector<16xi32>,
        %gather3A_622 = tpu.vector_load_idx %arg8[%get3A_621] : memref<6144xi32, #tpu.memory_space<vmem>>[vector<16xi32>], vector<16xi32>,
        %add3A_623 = arith.addi %add3A_617, %add3A_617 : vector<16xi32>
        %add3A_624 = arith.addi %add3A_623, %gather3A_622 : vector<16xi32>
        %get3A_625 = arith.constant 9 : i32
        %get3A_626 = arith.index_cast %get3A_625 : i32 to index
        %get3A_627 = arith.constant 32 : index
        %get3A_628 = tpu.vector_load %arg9[%get3A_626, %get3A_627] {strides = array<i32>} : memref<26x128xi32, #tpu.memory_space<vmem>>, vector<16xi32>,
        %gather3A_629 = tpu.vector_load_idx %arg8[%get3A_628] : memref<6144xi32, #tpu.memory_space<vmem>>[vector<16xi32>], vector<16xi32>,
        %add3A_630 = arith.addi %add3A_624, %add3A_624 : vector<16xi32>
        %add3A_631 = arith.addi %add3A_630, %gather3A_629 : vector<16xi32>
        %get3A_632 = arith.constant 10 : i32
        %get3A_633 = arith.index_cast %get3A_632 : i32 to index
        %get3A_634 = arith.constant 32 : index
        %get3A_635 = tpu.vector_load %arg9[%get3A_633, %get3A_634] {strides = array<i32>} : memref<26x128xi32, #tpu.memory_space<vmem>>, vector<16xi32>,
        %gather3A_636 = tpu.vector_load_idx %arg8[%get3A_635] : memref<6144xi32, #tpu.memory_space<vmem>>[vector<16xi32>], vector<16xi32>,
        %add3A_637 = arith.addi %add3A_631, %add3A_631 : vector<16xi32>
        %add3A_638 = arith.addi %add3A_637, %gather3A_636 : vector<16xi32>
        %get3A_639 = arith.constant 11 : i32
        %get3A_640 = arith.index_cast %get3A_639 : i32 to index
        %get3A_641 = arith.constant 32 : index
        %get3A_642 = tpu.vector_load %arg9[%get3A_640, %get3A_641] {strides = array<i32>} : memref<26x128xi32, #tpu.memory_space<vmem>>, vector<16xi32>,
        %gather3A_643 = tpu.vector_load_idx %arg8[%get3A_642] : memref<6144xi32, #tpu.memory_space<vmem>>[vector<16xi32>], vector<16xi32>,
        %add3A_644 = arith.addi %add3A_638, %add3A_638 : vector<16xi32>
        %add3A_645 = arith.addi %add3A_644, %gather3A_643 : vector<16xi32>
        %get3A_646 = arith.constant 12 : i32
        %get3A_647 = arith.index_cast %get3A_646 : i32 to index
        %get3A_648 = arith.constant 32 : index
        %get3A_649 = tpu.vector_load %arg9[%get3A_647, %get3A_648] {strides = array<i32>} : memref<26x128xi32, #tpu.memory_space<vmem>>, vector<16xi32>,
        %gather3A_650 = tpu.vector_load_idx %arg8[%get3A_649] : memref<6144xi32, #tpu.memory_space<vmem>>[vector<16xi32>], vector<16xi32>,
        %add3A_651 = arith.addi %add3A_645, %add3A_645 : vector<16xi32>
        %add3A_652 = arith.addi %add3A_651, %gather3A_650 : vector<16xi32>
        %mul3A_653 = arith.constant 128 : i32
        %mul3A_654 = arith.muli %arg1, %mul3A_653 : i32
        %add3A_655 = arith.constant 32 : i32
        %add3A_656 = arith.addi %mul3A_654, %add3A_655 : i32
        %add3A_657 = vector.broadcast %add3A_656 : i32 to vector<16xi32>
        %add3A_658 = arith.addi %add3A_657, %iota3A : vector<16xi32>
        %shift_right_arithmetic3A_659 = arith.constant 3 : i32
        %shift_right_arithmetic3A_660 = vector.broadcast %shift_right_arithmetic3A_659 : i32 to vector<16xi32>
        %shift_right_arithmetic3A_661 = arith.shrsi %add3A_658, %shift_right_arithmetic3A_660 : vector<16xi32>
        %shift_left3A_662 = arith.constant 16 : i32
        %shift_left3A_663 = vector.broadcast %shift_left3A_662 : i32 to vector<16xi32>
        %shift_left3A_664 = arith.shli %shift_right_arithmetic3A_661, %shift_left3A_663 : vector<16xi32>
        %shift_right_arithmetic3A_665 = arith.constant 7 : i32
        %shift_right_arithmetic3A_666 = vector.broadcast %shift_right_arithmetic3A_665 : i32 to vector<16xi32>
        %shift_right_arithmetic3A_667 = arith.shrsi %add3A_652, %shift_right_arithmetic3A_666 : vector<16xi32>
        %shift_left3A_668 = arith.constant 10 : i32
        %shift_left3A_669 = vector.broadcast %shift_left3A_668 : i32 to vector<16xi32>
        %shift_left3A_670 = arith.shli %shift_right_arithmetic3A_667, %shift_left3A_669 : vector<16xi32>
        %add3A_671 = arith.addi %shift_left3A_664, %shift_left3A_670 : vector<16xi32>
        %and3A_672 = arith.constant 7 : i32
        %and3A_673 = vector.broadcast %and3A_672 : i32 to vector<16xi32>
        %and3A_674 = arith.andi %add3A_658, %and3A_673 : vector<16xi32>
        %shift_left3A_675 = arith.constant 7 : i32
        %shift_left3A_676 = vector.broadcast %shift_left3A_675 : i32 to vector<16xi32>
        %shift_left3A_677 = arith.shli %and3A_674, %shift_left3A_676 : vector<16xi32>
        %add3A_678 = arith.addi %add3A_671, %shift_left3A_677 : vector<16xi32>
        %and3A_679 = arith.constant 127 : i32
        %and3A_680 = vector.broadcast %and3A_679 : i32 to vector<16xi32>
        %and3A_681 = arith.andi %add3A_652, %and3A_680 : vector<16xi32>
        %add3A_682 = arith.addi %add3A_678, %and3A_681 : vector<16xi32>
        %swap3A_683 = arith.constant 32 : index
        %swap3A_684 = tpu.vector_load %arg10[%swap3A_683] {strides = array<i32>} : memref<64xi32, #tpu.memory_space<vmem>>, vector<16xi32>,
        tpu.vector_store %arg10[%swap3A_683], %add3A_682 {strides = array<i32>} : memref<64xi32, #tpu.memory_space<vmem>>, vector<16xi32>,
        %broadcast_in_dim3A_685 = arith.constant 0 : i32
        %broadcast_in_dim3A_686 = vector.broadcast %broadcast_in_dim3A_685 : i32 to vector<16xi32>
        %get3A_687 = arith.constant 0 : i32
        %get3A_688 = arith.index_cast %get3A_687 : i32 to index
        %get3A_689 = arith.constant 48 : index
        %get3A_690 = tpu.vector_load %arg9[%get3A_688, %get3A_689] {strides = array<i32>} : memref<26x128xi32, #tpu.memory_space<vmem>>, vector<16xi32>,
        %gather3A_691 = tpu.vector_load_idx %arg8[%get3A_690] : memref<6144xi32, #tpu.memory_space<vmem>>[vector<16xi32>], vector<16xi32>,
        %add3A_692 = arith.addi %broadcast_in_dim3A_686, %broadcast_in_dim3A_686 : vector<16xi32>
        %add3A_693 = arith.addi %add3A_692, %gather3A_691 : vector<16xi32>
        %get3A_694 = arith.constant 1 : i32
        %get3A_695 = arith.index_cast %get3A_694 : i32 to index
        %get3A_696 = arith.constant 48 : index
        %get3A_697 = tpu.vector_load %arg9[%get3A_695, %get3A_696] {strides = array<i32>} : memref<26x128xi32, #tpu.memory_space<vmem>>, vector<16xi32>,
        %gather3A_698 = tpu.vector_load_idx %arg8[%get3A_697] : memref<6144xi32, #tpu.memory_space<vmem>>[vector<16xi32>], vector<16xi32>,
        %add3A_699 = arith.addi %add3A_693, %add3A_693 : vector<16xi32>
        %add3A_700 = arith.addi %add3A_699, %gather3A_698 : vector<16xi32>
        %get3A_701 = arith.constant 2 : i32
        %get3A_702 = arith.index_cast %get3A_701 : i32 to index
        %get3A_703 = arith.constant 48 : index
        %get3A_704 = tpu.vector_load %arg9[%get3A_702, %get3A_703] {strides = array<i32>} : memref<26x128xi32, #tpu.memory_space<vmem>>, vector<16xi32>,
        %gather3A_705 = tpu.vector_load_idx %arg8[%get3A_704] : memref<6144xi32, #tpu.memory_space<vmem>>[vector<16xi32>], vector<16xi32>,
        %add3A_706 = arith.addi %add3A_700, %add3A_700 : vector<16xi32>
        %add3A_707 = arith.addi %add3A_706, %gather3A_705 : vector<16xi32>
        %get3A_708 = arith.constant 3 : i32
        %get3A_709 = arith.index_cast %get3A_708 : i32 to index
        %get3A_710 = arith.constant 48 : index
        %get3A_711 = tpu.vector_load %arg9[%get3A_709, %get3A_710] {strides = array<i32>} : memref<26x128xi32, #tpu.memory_space<vmem>>, vector<16xi32>,
        %gather3A_712 = tpu.vector_load_idx %arg8[%get3A_711] : memref<6144xi32, #tpu.memory_space<vmem>>[vector<16xi32>], vector<16xi32>,
        %add3A_713 = arith.addi %add3A_707, %add3A_707 : vector<16xi32>
        %add3A_714 = arith.addi %add3A_713, %gather3A_712 : vector<16xi32>
        %get3A_715 = arith.constant 4 : i32
        %get3A_716 = arith.index_cast %get3A_715 : i32 to index
        %get3A_717 = arith.constant 48 : index
        %get3A_718 = tpu.vector_load %arg9[%get3A_716, %get3A_717] {strides = array<i32>} : memref<26x128xi32, #tpu.memory_space<vmem>>, vector<16xi32>,
        %gather3A_719 = tpu.vector_load_idx %arg8[%get3A_718] : memref<6144xi32, #tpu.memory_space<vmem>>[vector<16xi32>], vector<16xi32>,
        %add3A_720 = arith.addi %add3A_714, %add3A_714 : vector<16xi32>
        %add3A_721 = arith.addi %add3A_720, %gather3A_719 : vector<16xi32>
        %get3A_722 = arith.constant 5 : i32
        %get3A_723 = arith.index_cast %get3A_722 : i32 to index
        %get3A_724 = arith.constant 48 : index
        %get3A_725 = tpu.vector_load %arg9[%get3A_723, %get3A_724] {strides = array<i32>} : memref<26x128xi32, #tpu.memory_space<vmem>>, vector<16xi32>,
        %gather3A_726 = tpu.vector_load_idx %arg8[%get3A_725] : memref<6144xi32, #tpu.memory_space<vmem>>[vector<16xi32>], vector<16xi32>,
        %add3A_727 = arith.addi %add3A_721, %add3A_721 : vector<16xi32>
        %add3A_728 = arith.addi %add3A_727, %gather3A_726 : vector<16xi32>
        %get3A_729 = arith.constant 6 : i32
        %get3A_730 = arith.index_cast %get3A_729 : i32 to index
        %get3A_731 = arith.constant 48 : index
        %get3A_732 = tpu.vector_load %arg9[%get3A_730, %get3A_731] {strides = array<i32>} : memref<26x128xi32, #tpu.memory_space<vmem>>, vector<16xi32>,
        %gather3A_733 = tpu.vector_load_idx %arg8[%get3A_732] : memref<6144xi32, #tpu.memory_space<vmem>>[vector<16xi32>], vector<16xi32>,
        %add3A_734 = arith.addi %add3A_728, %add3A_728 : vector<16xi32>
        %add3A_735 = arith.addi %add3A_734, %gather3A_733 : vector<16xi32>
        %get3A_736 = arith.constant 7 : i32
        %get3A_737 = arith.index_cast %get3A_736 : i32 to index
        %get3A_738 = arith.constant 48 : index
        %get3A_739 = tpu.vector_load %arg9[%get3A_737, %get3A_738] {strides = array<i32>} : memref<26x128xi32, #tpu.memory_space<vmem>>, vector<16xi32>,
        %gather3A_740 = tpu.vector_load_idx %arg8[%get3A_739] : memref<6144xi32, #tpu.memory_space<vmem>>[vector<16xi32>], vector<16xi32>,
        %add3A_741 = arith.addi %add3A_735, %add3A_735 : vector<16xi32>
        %add3A_742 = arith.addi %add3A_741, %gather3A_740 : vector<16xi32>
        %get3A_743 = arith.constant 8 : i32
        %get3A_744 = arith.index_cast %get3A_743 : i32 to index
        %get3A_745 = arith.constant 48 : index
        %get3A_746 = tpu.vector_load %arg9[%get3A_744, %get3A_745] {strides = array<i32>} : memref<26x128xi32, #tpu.memory_space<vmem>>, vector<16xi32>,
        %gather3A_747 = tpu.vector_load_idx %arg8[%get3A_746] : memref<6144xi32, #tpu.memory_space<vmem>>[vector<16xi32>], vector<16xi32>,
        %add3A_748 = arith.addi %add3A_742, %add3A_742 : vector<16xi32>
        %add3A_749 = arith.addi %add3A_748, %gather3A_747 : vector<16xi32>
        %get3A_750 = arith.constant 9 : i32
        %get3A_751 = arith.index_cast %get3A_750 : i32 to index
        %get3A_752 = arith.constant 48 : index
        %get3A_753 = tpu.vector_load %arg9[%get3A_751, %get3A_752] {strides = array<i32>} : memref<26x128xi32, #tpu.memory_space<vmem>>, vector<16xi32>,
        %gather3A_754 = tpu.vector_load_idx %arg8[%get3A_753] : memref<6144xi32, #tpu.memory_space<vmem>>[vector<16xi32>], vector<16xi32>,
        %add3A_755 = arith.addi %add3A_749, %add3A_749 : vector<16xi32>
        %add3A_756 = arith.addi %add3A_755, %gather3A_754 : vector<16xi32>
        %get3A_757 = arith.constant 10 : i32
        %get3A_758 = arith.index_cast %get3A_757 : i32 to index
        %get3A_759 = arith.constant 48 : index
        %get3A_760 = tpu.vector_load %arg9[%get3A_758, %get3A_759] {strides = array<i32>} : memref<26x128xi32, #tpu.memory_space<vmem>>, vector<16xi32>,
        %gather3A_761 = tpu.vector_load_idx %arg8[%get3A_760] : memref<6144xi32, #tpu.memory_space<vmem>>[vector<16xi32>], vector<16xi32>,
        %add3A_762 = arith.addi %add3A_756, %add3A_756 : vector<16xi32>
        %add3A_763 = arith.addi %add3A_762, %gather3A_761 : vector<16xi32>
        %get3A_764 = arith.constant 11 : i32
        %get3A_765 = arith.index_cast %get3A_764 : i32 to index
        %get3A_766 = arith.constant 48 : index
        %get3A_767 = tpu.vector_load %arg9[%get3A_765, %get3A_766] {strides = array<i32>} : memref<26x128xi32, #tpu.memory_space<vmem>>, vector<16xi32>,
        %gather3A_768 = tpu.vector_load_idx %arg8[%get3A_767] : memref<6144xi32, #tpu.memory_space<vmem>>[vector<16xi32>], vector<16xi32>,
        %add3A_769 = arith.addi %add3A_763, %add3A_763 : vector<16xi32>
        %add3A_770 = arith.addi %add3A_769, %gather3A_768 : vector<16xi32>
        %get3A_771 = arith.constant 12 : i32
        %get3A_772 = arith.index_cast %get3A_771 : i32 to index
        %get3A_773 = arith.constant 48 : index
        %get3A_774 = tpu.vector_load %arg9[%get3A_772, %get3A_773] {strides = array<i32>} : memref<26x128xi32, #tpu.memory_space<vmem>>, vector<16xi32>,
        %gather3A_775 = tpu.vector_load_idx %arg8[%get3A_774] : memref<6144xi32, #tpu.memory_space<vmem>>[vector<16xi32>], vector<16xi32>,
        %add3A_776 = arith.addi %add3A_770, %add3A_770 : vector<16xi32>
        %add3A_777 = arith.addi %add3A_776, %gather3A_775 : vector<16xi32>
        %mul3A_778 = arith.constant 128 : i32
        %mul3A_779 = arith.muli %arg1, %mul3A_778 : i32
        %add3A_780 = arith.constant 48 : i32
        %add3A_781 = arith.addi %mul3A_779, %add3A_780 : i32
        %add3A_782 = vector.broadcast %add3A_781 : i32 to vector<16xi32>
        %add3A_783 = arith.addi %add3A_782, %iota3A : vector<16xi32>
        %shift_right_arithmetic3A_784 = arith.constant 3 : i32
        %shift_right_arithmetic3A_785 = vector.broadcast %shift_right_arithmetic3A_784 : i32 to vector<16xi32>
        %shift_right_arithmetic3A_786 = arith.shrsi %add3A_783, %shift_right_arithmetic3A_785 : vector<16xi32>
        %shift_left3A_787 = arith.constant 16 : i32
        %shift_left3A_788 = vector.broadcast %shift_left3A_787 : i32 to vector<16xi32>
        %shift_left3A_789 = arith.shli %shift_right_arithmetic3A_786, %shift_left3A_788 : vector<16xi32>
        %shift_right_arithmetic3A_790 = arith.constant 7 : i32
        %shift_right_arithmetic3A_791 = vector.broadcast %shift_right_arithmetic3A_790 : i32 to vector<16xi32>
        %shift_right_arithmetic3A_792 = arith.shrsi %add3A_777, %shift_right_arithmetic3A_791 : vector<16xi32>
        %shift_left3A_793 = arith.constant 10 : i32
        %shift_left3A_794 = vector.broadcast %shift_left3A_793 : i32 to vector<16xi32>
        %shift_left3A_795 = arith.shli %shift_right_arithmetic3A_792, %shift_left3A_794 : vector<16xi32>
        %add3A_796 = arith.addi %shift_left3A_789, %shift_left3A_795 : vector<16xi32>
        %and3A_797 = arith.constant 7 : i32
        %and3A_798 = vector.broadcast %and3A_797 : i32 to vector<16xi32>
        %and3A_799 = arith.andi %add3A_783, %and3A_798 : vector<16xi32>
        %shift_left3A_800 = arith.constant 7 : i32
        %shift_left3A_801 = vector.broadcast %shift_left3A_800 : i32 to vector<16xi32>
        %shift_left3A_802 = arith.shli %and3A_799, %shift_left3A_801 : vector<16xi32>
        %add3A_803 = arith.addi %add3A_796, %shift_left3A_802 : vector<16xi32>
        %and3A_804 = arith.constant 127 : i32
        %and3A_805 = vector.broadcast %and3A_804 : i32 to vector<16xi32>
        %and3A_806 = arith.andi %add3A_777, %and3A_805 : vector<16xi32>
        %add3A_807 = arith.addi %add3A_803, %and3A_806 : vector<16xi32>
        %swap3A_808 = arith.constant 48 : index
        %swap3A_809 = tpu.vector_load %arg10[%swap3A_808] {strides = array<i32>} : memref<64xi32, #tpu.memory_space<vmem>>, vector<16xi32>,
        tpu.vector_store %arg10[%swap3A_808], %add3A_807 {strides = array<i32>} : memref<64xi32, #tpu.memory_space<vmem>>, vector<16xi32>,
        %dma_start3A_810 = arith.constant 0 : i32
        %dma_start3A_811 = tpu.memref_slice %arg4[%dma_start3A_810] : memref<16777216xf32, #tpu.memory_space<hbm>> -> memref<16777216xf32, #tpu.memory_space<hbm>>
        tpu.enqueue_indirect_dma source(%dma_start3A_811 : memref<16777216xf32, #tpu.memory_space<hbm>>) target(%arg15 : memref<64xf32, #tpu.memory_space<vmem>>) offsets(%arg10 : memref<64xi32, #tpu.memory_space<vmem>>) semaphore(%arg21 : memref<!tpu.dma_semaphore, #tpu.memory_space<semaphore_mem>>)
        %broadcast_in_dim3A_812 = arith.constant 0 : i32
        %broadcast_in_dim3A_813 = vector.broadcast %broadcast_in_dim3A_812 : i32 to vector<16xi32>
        %get3A_814 = arith.constant 0 : i32
        %get3A_815 = arith.index_cast %get3A_814 : i32 to index
        %get3A_816 = arith.constant 64 : index
        %get3A_817 = tpu.vector_load %arg9[%get3A_815, %get3A_816] {strides = array<i32>} : memref<26x128xi32, #tpu.memory_space<vmem>>, vector<16xi32>,
        %gather3A_818 = tpu.vector_load_idx %arg8[%get3A_817] : memref<6144xi32, #tpu.memory_space<vmem>>[vector<16xi32>], vector<16xi32>,
        %add3A_819 = arith.addi %broadcast_in_dim3A_813, %broadcast_in_dim3A_813 : vector<16xi32>
        %add3A_820 = arith.addi %add3A_819, %gather3A_818 : vector<16xi32>
        %get3A_821 = arith.constant 1 : i32
        %get3A_822 = arith.index_cast %get3A_821 : i32 to index
        %get3A_823 = arith.constant 64 : index
        %get3A_824 = tpu.vector_load %arg9[%get3A_822, %get3A_823] {strides = array<i32>} : memref<26x128xi32, #tpu.memory_space<vmem>>, vector<16xi32>,
        %gather3A_825 = tpu.vector_load_idx %arg8[%get3A_824] : memref<6144xi32, #tpu.memory_space<vmem>>[vector<16xi32>], vector<16xi32>,
        %add3A_826 = arith.addi %add3A_820, %add3A_820 : vector<16xi32>
        %add3A_827 = arith.addi %add3A_826, %gather3A_825 : vector<16xi32>
        %get3A_828 = arith.constant 2 : i32
        %get3A_829 = arith.index_cast %get3A_828 : i32 to index
        %get3A_830 = arith.constant 64 : index
        %get3A_831 = tpu.vector_load %arg9[%get3A_829, %get3A_830] {strides = array<i32>} : memref<26x128xi32, #tpu.memory_space<vmem>>, vector<16xi32>,
        %gather3A_832 = tpu.vector_load_idx %arg8[%get3A_831] : memref<6144xi32, #tpu.memory_space<vmem>>[vector<16xi32>], vector<16xi32>,
        %add3A_833 = arith.addi %add3A_827, %add3A_827 : vector<16xi32>
        %add3A_834 = arith.addi %add3A_833, %gather3A_832 : vector<16xi32>
        %get3A_835 = arith.constant 3 : i32
        %get3A_836 = arith.index_cast %get3A_835 : i32 to index
        %get3A_837 = arith.constant 64 : index
        %get3A_838 = tpu.vector_load %arg9[%get3A_836, %get3A_837] {strides = array<i32>} : memref<26x128xi32, #tpu.memory_space<vmem>>, vector<16xi32>,
        %gather3A_839 = tpu.vector_load_idx %arg8[%get3A_838] : memref<6144xi32, #tpu.memory_space<vmem>>[vector<16xi32>], vector<16xi32>,
        %add3A_840 = arith.addi %add3A_834, %add3A_834 : vector<16xi32>
        %add3A_841 = arith.addi %add3A_840, %gather3A_839 : vector<16xi32>
        %get3A_842 = arith.constant 4 : i32
        %get3A_843 = arith.index_cast %get3A_842 : i32 to index
        %get3A_844 = arith.constant 64 : index
        %get3A_845 = tpu.vector_load %arg9[%get3A_843, %get3A_844] {strides = array<i32>} : memref<26x128xi32, #tpu.memory_space<vmem>>, vector<16xi32>,
        %gather3A_846 = tpu.vector_load_idx %arg8[%get3A_845] : memref<6144xi32, #tpu.memory_space<vmem>>[vector<16xi32>], vector<16xi32>,
        %add3A_847 = arith.addi %add3A_841, %add3A_841 : vector<16xi32>
        %add3A_848 = arith.addi %add3A_847, %gather3A_846 : vector<16xi32>
        %get3A_849 = arith.constant 5 : i32
        %get3A_850 = arith.index_cast %get3A_849 : i32 to index
        %get3A_851 = arith.constant 64 : index
        %get3A_852 = tpu.vector_load %arg9[%get3A_850, %get3A_851] {strides = array<i32>} : memref<26x128xi32, #tpu.memory_space<vmem>>, vector<16xi32>,
        %gather3A_853 = tpu.vector_load_idx %arg8[%get3A_852] : memref<6144xi32, #tpu.memory_space<vmem>>[vector<16xi32>], vector<16xi32>,
        %add3A_854 = arith.addi %add3A_848, %add3A_848 : vector<16xi32>
        %add3A_855 = arith.addi %add3A_854, %gather3A_853 : vector<16xi32>
        %get3A_856 = arith.constant 6 : i32
        %get3A_857 = arith.index_cast %get3A_856 : i32 to index
        %get3A_858 = arith.constant 64 : index
        %get3A_859 = tpu.vector_load %arg9[%get3A_857, %get3A_858] {strides = array<i32>} : memref<26x128xi32, #tpu.memory_space<vmem>>, vector<16xi32>,
        %gather3A_860 = tpu.vector_load_idx %arg8[%get3A_859] : memref<6144xi32, #tpu.memory_space<vmem>>[vector<16xi32>], vector<16xi32>,
        %add3A_861 = arith.addi %add3A_855, %add3A_855 : vector<16xi32>
        %add3A_862 = arith.addi %add3A_861, %gather3A_860 : vector<16xi32>
        %get3A_863 = arith.constant 7 : i32
        %get3A_864 = arith.index_cast %get3A_863 : i32 to index
        %get3A_865 = arith.constant 64 : index
        %get3A_866 = tpu.vector_load %arg9[%get3A_864, %get3A_865] {strides = array<i32>} : memref<26x128xi32, #tpu.memory_space<vmem>>, vector<16xi32>,
        %gather3A_867 = tpu.vector_load_idx %arg8[%get3A_866] : memref<6144xi32, #tpu.memory_space<vmem>>[vector<16xi32>], vector<16xi32>,
        %add3A_868 = arith.addi %add3A_862, %add3A_862 : vector<16xi32>
        %add3A_869 = arith.addi %add3A_868, %gather3A_867 : vector<16xi32>
        %get3A_870 = arith.constant 8 : i32
        %get3A_871 = arith.index_cast %get3A_870 : i32 to index
        %get3A_872 = arith.constant 64 : index
        %get3A_873 = tpu.vector_load %arg9[%get3A_871, %get3A_872] {strides = array<i32>} : memref<26x128xi32, #tpu.memory_space<vmem>>, vector<16xi32>,
        %gather3A_874 = tpu.vector_load_idx %arg8[%get3A_873] : memref<6144xi32, #tpu.memory_space<vmem>>[vector<16xi32>], vector<16xi32>,
        %add3A_875 = arith.addi %add3A_869, %add3A_869 : vector<16xi32>
        %add3A_876 = arith.addi %add3A_875, %gather3A_874 : vector<16xi32>
        %get3A_877 = arith.constant 9 : i32
        %get3A_878 = arith.index_cast %get3A_877 : i32 to index
        %get3A_879 = arith.constant 64 : index
        %get3A_880 = tpu.vector_load %arg9[%get3A_878, %get3A_879] {strides = array<i32>} : memref<26x128xi32, #tpu.memory_space<vmem>>, vector<16xi32>,
        %gather3A_881 = tpu.vector_load_idx %arg8[%get3A_880] : memref<6144xi32, #tpu.memory_space<vmem>>[vector<16xi32>], vector<16xi32>,
        %add3A_882 = arith.addi %add3A_876, %add3A_876 : vector<16xi32>
        %add3A_883 = arith.addi %add3A_882, %gather3A_881 : vector<16xi32>
        %get3A_884 = arith.constant 10 : i32
        %get3A_885 = arith.index_cast %get3A_884 : i32 to index
        %get3A_886 = arith.constant 64 : index
        %get3A_887 = tpu.vector_load %arg9[%get3A_885, %get3A_886] {strides = array<i32>} : memref<26x128xi32, #tpu.memory_space<vmem>>, vector<16xi32>,
        %gather3A_888 = tpu.vector_load_idx %arg8[%get3A_887] : memref<6144xi32, #tpu.memory_space<vmem>>[vector<16xi32>], vector<16xi32>,
        %add3A_889 = arith.addi %add3A_883, %add3A_883 : vector<16xi32>
        %add3A_890 = arith.addi %add3A_889, %gather3A_888 : vector<16xi32>
        %get3A_891 = arith.constant 11 : i32
        %get3A_892 = arith.index_cast %get3A_891 : i32 to index
        %get3A_893 = arith.constant 64 : index
        %get3A_894 = tpu.vector_load %arg9[%get3A_892, %get3A_893] {strides = array<i32>} : memref<26x128xi32, #tpu.memory_space<vmem>>, vector<16xi32>,
        %gather3A_895 = tpu.vector_load_idx %arg8[%get3A_894] : memref<6144xi32, #tpu.memory_space<vmem>>[vector<16xi32>], vector<16xi32>,
        %add3A_896 = arith.addi %add3A_890, %add3A_890 : vector<16xi32>
        %add3A_897 = arith.addi %add3A_896, %gather3A_895 : vector<16xi32>
        %get3A_898 = arith.constant 12 : i32
        %get3A_899 = arith.index_cast %get3A_898 : i32 to index
        %get3A_900 = arith.constant 64 : index
        %get3A_901 = tpu.vector_load %arg9[%get3A_899, %get3A_900] {strides = array<i32>} : memref<26x128xi32, #tpu.memory_space<vmem>>, vector<16xi32>,
        %gather3A_902 = tpu.vector_load_idx %arg8[%get3A_901] : memref<6144xi32, #tpu.memory_space<vmem>>[vector<16xi32>], vector<16xi32>,
        %add3A_903 = arith.addi %add3A_897, %add3A_897 : vector<16xi32>
        %add3A_904 = arith.addi %add3A_903, %gather3A_902 : vector<16xi32>
        %mul3A_905 = arith.constant 128 : i32
        %mul3A_906 = arith.muli %arg1, %mul3A_905 : i32
        %add3A_907 = arith.constant 64 : i32
        %add3A_908 = arith.addi %mul3A_906, %add3A_907 : i32
        %add3A_909 = vector.broadcast %add3A_908 : i32 to vector<16xi32>
        %add3A_910 = arith.addi %add3A_909, %iota3A : vector<16xi32>
        %shift_right_arithmetic3A_911 = arith.constant 3 : i32
        %shift_right_arithmetic3A_912 = vector.broadcast %shift_right_arithmetic3A_911 : i32 to vector<16xi32>
        %shift_right_arithmetic3A_913 = arith.shrsi %add3A_910, %shift_right_arithmetic3A_912 : vector<16xi32>
        %shift_left3A_914 = arith.constant 16 : i32
        %shift_left3A_915 = vector.broadcast %shift_left3A_914 : i32 to vector<16xi32>
        %shift_left3A_916 = arith.shli %shift_right_arithmetic3A_913, %shift_left3A_915 : vector<16xi32>
        %shift_right_arithmetic3A_917 = arith.constant 7 : i32
        %shift_right_arithmetic3A_918 = vector.broadcast %shift_right_arithmetic3A_917 : i32 to vector<16xi32>
        %shift_right_arithmetic3A_919 = arith.shrsi %add3A_904, %shift_right_arithmetic3A_918 : vector<16xi32>
        %shift_left3A_920 = arith.constant 10 : i32
        %shift_left3A_921 = vector.broadcast %shift_left3A_920 : i32 to vector<16xi32>
        %shift_left3A_922 = arith.shli %shift_right_arithmetic3A_919, %shift_left3A_921 : vector<16xi32>
        %add3A_923 = arith.addi %shift_left3A_916, %shift_left3A_922 : vector<16xi32>
        %and3A_924 = arith.constant 7 : i32
        %and3A_925 = vector.broadcast %and3A_924 : i32 to vector<16xi32>
        %and3A_926 = arith.andi %add3A_910, %and3A_925 : vector<16xi32>
        %shift_left3A_927 = arith.constant 7 : i32
        %shift_left3A_928 = vector.broadcast %shift_left3A_927 : i32 to vector<16xi32>
        %shift_left3A_929 = arith.shli %and3A_926, %shift_left3A_928 : vector<16xi32>
        %add3A_930 = arith.addi %add3A_923, %shift_left3A_929 : vector<16xi32>
        %and3A_931 = arith.constant 127 : i32
        %and3A_932 = vector.broadcast %and3A_931 : i32 to vector<16xi32>
        %and3A_933 = arith.andi %add3A_904, %and3A_932 : vector<16xi32>
        %add3A_934 = arith.addi %add3A_930, %and3A_933 : vector<16xi32>
        %swap3A_935 = arith.constant 0 : index
        %swap3A_936 = tpu.vector_load %arg11[%swap3A_935] {strides = array<i32>} : memref<64xi32, #tpu.memory_space<vmem>>, vector<16xi32>,
        tpu.vector_store %arg11[%swap3A_935], %add3A_934 {strides = array<i32>} : memref<64xi32, #tpu.memory_space<vmem>>, vector<16xi32>,
        %broadcast_in_dim3A_937 = arith.constant 0 : i32
        %broadcast_in_dim3A_938 = vector.broadcast %broadcast_in_dim3A_937 : i32 to vector<16xi32>
        %get3A_939 = arith.constant 0 : i32
        %get3A_940 = arith.index_cast %get3A_939 : i32 to index
        %get3A_941 = arith.constant 80 : index
        %get3A_942 = tpu.vector_load %arg9[%get3A_940, %get3A_941] {strides = array<i32>} : memref<26x128xi32, #tpu.memory_space<vmem>>, vector<16xi32>,
        %gather3A_943 = tpu.vector_load_idx %arg8[%get3A_942] : memref<6144xi32, #tpu.memory_space<vmem>>[vector<16xi32>], vector<16xi32>,
        %add3A_944 = arith.addi %broadcast_in_dim3A_938, %broadcast_in_dim3A_938 : vector<16xi32>
        %add3A_945 = arith.addi %add3A_944, %gather3A_943 : vector<16xi32>
        %get3A_946 = arith.constant 1 : i32
        %get3A_947 = arith.index_cast %get3A_946 : i32 to index
        %get3A_948 = arith.constant 80 : index
        %get3A_949 = tpu.vector_load %arg9[%get3A_947, %get3A_948] {strides = array<i32>} : memref<26x128xi32, #tpu.memory_space<vmem>>, vector<16xi32>,
        %gather3A_950 = tpu.vector_load_idx %arg8[%get3A_949] : memref<6144xi32, #tpu.memory_space<vmem>>[vector<16xi32>], vector<16xi32>,
        %add3A_951 = arith.addi %add3A_945, %add3A_945 : vector<16xi32>
        %add3A_952 = arith.addi %add3A_951, %gather3A_950 : vector<16xi32>
        %get3A_953 = arith.constant 2 : i32
        %get3A_954 = arith.index_cast %get3A_953 : i32 to index
        %get3A_955 = arith.constant 80 : index
        %get3A_956 = tpu.vector_load %arg9[%get3A_954, %get3A_955] {strides = array<i32>} : memref<26x128xi32, #tpu.memory_space<vmem>>, vector<16xi32>,
        %gather3A_957 = tpu.vector_load_idx %arg8[%get3A_956] : memref<6144xi32, #tpu.memory_space<vmem>>[vector<16xi32>], vector<16xi32>,
        %add3A_958 = arith.addi %add3A_952, %add3A_952 : vector<16xi32>
        %add3A_959 = arith.addi %add3A_958, %gather3A_957 : vector<16xi32>
        %get3A_960 = arith.constant 3 : i32
        %get3A_961 = arith.index_cast %get3A_960 : i32 to index
        %get3A_962 = arith.constant 80 : index
        %get3A_963 = tpu.vector_load %arg9[%get3A_961, %get3A_962] {strides = array<i32>} : memref<26x128xi32, #tpu.memory_space<vmem>>, vector<16xi32>,
        %gather3A_964 = tpu.vector_load_idx %arg8[%get3A_963] : memref<6144xi32, #tpu.memory_space<vmem>>[vector<16xi32>], vector<16xi32>,
        %add3A_965 = arith.addi %add3A_959, %add3A_959 : vector<16xi32>
        %add3A_966 = arith.addi %add3A_965, %gather3A_964 : vector<16xi32>
        %get3A_967 = arith.constant 4 : i32
        %get3A_968 = arith.index_cast %get3A_967 : i32 to index
        %get3A_969 = arith.constant 80 : index
        %get3A_970 = tpu.vector_load %arg9[%get3A_968, %get3A_969] {strides = array<i32>} : memref<26x128xi32, #tpu.memory_space<vmem>>, vector<16xi32>,
        %gather3A_971 = tpu.vector_load_idx %arg8[%get3A_970] : memref<6144xi32, #tpu.memory_space<vmem>>[vector<16xi32>], vector<16xi32>,
        %add3A_972 = arith.addi %add3A_966, %add3A_966 : vector<16xi32>
        %add3A_973 = arith.addi %add3A_972, %gather3A_971 : vector<16xi32>
        %get3A_974 = arith.constant 5 : i32
        %get3A_975 = arith.index_cast %get3A_974 : i32 to index
        %get3A_976 = arith.constant 80 : index
        %get3A_977 = tpu.vector_load %arg9[%get3A_975, %get3A_976] {strides = array<i32>} : memref<26x128xi32, #tpu.memory_space<vmem>>, vector<16xi32>,
        %gather3A_978 = tpu.vector_load_idx %arg8[%get3A_977] : memref<6144xi32, #tpu.memory_space<vmem>>[vector<16xi32>], vector<16xi32>,
        %add3A_979 = arith.addi %add3A_973, %add3A_973 : vector<16xi32>
        %add3A_980 = arith.addi %add3A_979, %gather3A_978 : vector<16xi32>
        %get3A_981 = arith.constant 6 : i32
        %get3A_982 = arith.index_cast %get3A_981 : i32 to index
        %get3A_983 = arith.constant 80 : index
        %get3A_984 = tpu.vector_load %arg9[%get3A_982, %get3A_983] {strides = array<i32>} : memref<26x128xi32, #tpu.memory_space<vmem>>, vector<16xi32>,
        %gather3A_985 = tpu.vector_load_idx %arg8[%get3A_984] : memref<6144xi32, #tpu.memory_space<vmem>>[vector<16xi32>], vector<16xi32>,
        %add3A_986 = arith.addi %add3A_980, %add3A_980 : vector<16xi32>
        %add3A_987 = arith.addi %add3A_986, %gather3A_985 : vector<16xi32>
        %get3A_988 = arith.constant 7 : i32
        %get3A_989 = arith.index_cast %get3A_988 : i32 to index
        %get3A_990 = arith.constant 80 : index
        %get3A_991 = tpu.vector_load %arg9[%get3A_989, %get3A_990] {strides = array<i32>} : memref<26x128xi32, #tpu.memory_space<vmem>>, vector<16xi32>,
        %gather3A_992 = tpu.vector_load_idx %arg8[%get3A_991] : memref<6144xi32, #tpu.memory_space<vmem>>[vector<16xi32>], vector<16xi32>,
        %add3A_993 = arith.addi %add3A_987, %add3A_987 : vector<16xi32>
        %add3A_994 = arith.addi %add3A_993, %gather3A_992 : vector<16xi32>
        %get3A_995 = arith.constant 8 : i32
        %get3A_996 = arith.index_cast %get3A_995 : i32 to index
        %get3A_997 = arith.constant 80 : index
        %get3A_998 = tpu.vector_load %arg9[%get3A_996, %get3A_997] {strides = array<i32>} : memref<26x128xi32, #tpu.memory_space<vmem>>, vector<16xi32>,
        %gather3A_999 = tpu.vector_load_idx %arg8[%get3A_998] : memref<6144xi32, #tpu.memory_space<vmem>>[vector<16xi32>], vector<16xi32>,
        %add3A_1000 = arith.addi %add3A_994, %add3A_994 : vector<16xi32>
        %add3A_1001 = arith.addi %add3A_1000, %gather3A_999 : vector<16xi32>
        %get3A_1002 = arith.constant 9 : i32
        %get3A_1003 = arith.index_cast %get3A_1002 : i32 to index
        %get3A_1004 = arith.constant 80 : index
        %get3A_1005 = tpu.vector_load %arg9[%get3A_1003, %get3A_1004] {strides = array<i32>} : memref<26x128xi32, #tpu.memory_space<vmem>>, vector<16xi32>,
        %gather3A_1006 = tpu.vector_load_idx %arg8[%get3A_1005] : memref<6144xi32, #tpu.memory_space<vmem>>[vector<16xi32>], vector<16xi32>,
        %add3A_1007 = arith.addi %add3A_1001, %add3A_1001 : vector<16xi32>
        %add3A_1008 = arith.addi %add3A_1007, %gather3A_1006 : vector<16xi32>
        %get3A_1009 = arith.constant 10 : i32
        %get3A_1010 = arith.index_cast %get3A_1009 : i32 to index
        %get3A_1011 = arith.constant 80 : index
        %get3A_1012 = tpu.vector_load %arg9[%get3A_1010, %get3A_1011] {strides = array<i32>} : memref<26x128xi32, #tpu.memory_space<vmem>>, vector<16xi32>,
        %gather3A_1013 = tpu.vector_load_idx %arg8[%get3A_1012] : memref<6144xi32, #tpu.memory_space<vmem>>[vector<16xi32>], vector<16xi32>,
        %add3A_1014 = arith.addi %add3A_1008, %add3A_1008 : vector<16xi32>
        %add3A_1015 = arith.addi %add3A_1014, %gather3A_1013 : vector<16xi32>
        %get3A_1016 = arith.constant 11 : i32
        %get3A_1017 = arith.index_cast %get3A_1016 : i32 to index
        %get3A_1018 = arith.constant 80 : index
        %get3A_1019 = tpu.vector_load %arg9[%get3A_1017, %get3A_1018] {strides = array<i32>} : memref<26x128xi32, #tpu.memory_space<vmem>>, vector<16xi32>,
        %gather3A_1020 = tpu.vector_load_idx %arg8[%get3A_1019] : memref<6144xi32, #tpu.memory_space<vmem>>[vector<16xi32>], vector<16xi32>,
        %add3A_1021 = arith.addi %add3A_1015, %add3A_1015 : vector<16xi32>
        %add3A_1022 = arith.addi %add3A_1021, %gather3A_1020 : vector<16xi32>
        %get3A_1023 = arith.constant 12 : i32
        %get3A_1024 = arith.index_cast %get3A_1023 : i32 to index
        %get3A_1025 = arith.constant 80 : index
        %get3A_1026 = tpu.vector_load %arg9[%get3A_1024, %get3A_1025] {strides = array<i32>} : memref<26x128xi32, #tpu.memory_space<vmem>>, vector<16xi32>,
        %gather3A_1027 = tpu.vector_load_idx %arg8[%get3A_1026] : memref<6144xi32, #tpu.memory_space<vmem>>[vector<16xi32>], vector<16xi32>,
        %add3A_1028 = arith.addi %add3A_1022, %add3A_1022 : vector<16xi32>
        %add3A_1029 = arith.addi %add3A_1028, %gather3A_1027 : vector<16xi32>
        %mul3A_1030 = arith.constant 128 : i32
        %mul3A_1031 = arith.muli %arg1, %mul3A_1030 : i32
        %add3A_1032 = arith.constant 80 : i32
        %add3A_1033 = arith.addi %mul3A_1031, %add3A_1032 : i32
        %add3A_1034 = vector.broadcast %add3A_1033 : i32 to vector<16xi32>
        %add3A_1035 = arith.addi %add3A_1034, %iota3A : vector<16xi32>
        %shift_right_arithmetic3A_1036 = arith.constant 3 : i32
        %shift_right_arithmetic3A_1037 = vector.broadcast %shift_right_arithmetic3A_1036 : i32 to vector<16xi32>
        %shift_right_arithmetic3A_1038 = arith.shrsi %add3A_1035, %shift_right_arithmetic3A_1037 : vector<16xi32>
        %shift_left3A_1039 = arith.constant 16 : i32
        %shift_left3A_1040 = vector.broadcast %shift_left3A_1039 : i32 to vector<16xi32>
        %shift_left3A_1041 = arith.shli %shift_right_arithmetic3A_1038, %shift_left3A_1040 : vector<16xi32>
        %shift_right_arithmetic3A_1042 = arith.constant 7 : i32
        %shift_right_arithmetic3A_1043 = vector.broadcast %shift_right_arithmetic3A_1042 : i32 to vector<16xi32>
        %shift_right_arithmetic3A_1044 = arith.shrsi %add3A_1029, %shift_right_arithmetic3A_1043 : vector<16xi32>
        %shift_left3A_1045 = arith.constant 10 : i32
        %shift_left3A_1046 = vector.broadcast %shift_left3A_1045 : i32 to vector<16xi32>
        %shift_left3A_1047 = arith.shli %shift_right_arithmetic3A_1044, %shift_left3A_1046 : vector<16xi32>
        %add3A_1048 = arith.addi %shift_left3A_1041, %shift_left3A_1047 : vector<16xi32>
        %and3A_1049 = arith.constant 7 : i32
        %and3A_1050 = vector.broadcast %and3A_1049 : i32 to vector<16xi32>
        %and3A_1051 = arith.andi %add3A_1035, %and3A_1050 : vector<16xi32>
        %shift_left3A_1052 = arith.constant 7 : i32
        %shift_left3A_1053 = vector.broadcast %shift_left3A_1052 : i32 to vector<16xi32>
        %shift_left3A_1054 = arith.shli %and3A_1051, %shift_left3A_1053 : vector<16xi32>
        %add3A_1055 = arith.addi %add3A_1048, %shift_left3A_1054 : vector<16xi32>
        %and3A_1056 = arith.constant 127 : i32
        %and3A_1057 = vector.broadcast %and3A_1056 : i32 to vector<16xi32>
        %and3A_1058 = arith.andi %add3A_1029, %and3A_1057 : vector<16xi32>
        %add3A_1059 = arith.addi %add3A_1055, %and3A_1058 : vector<16xi32>
        %swap3A_1060 = arith.constant 16 : index
        %swap3A_1061 = tpu.vector_load %arg11[%swap3A_1060] {strides = array<i32>} : memref<64xi32, #tpu.memory_space<vmem>>, vector<16xi32>,
        tpu.vector_store %arg11[%swap3A_1060], %add3A_1059 {strides = array<i32>} : memref<64xi32, #tpu.memory_space<vmem>>, vector<16xi32>,
        %broadcast_in_dim3A_1062 = arith.constant 0 : i32
        %broadcast_in_dim3A_1063 = vector.broadcast %broadcast_in_dim3A_1062 : i32 to vector<16xi32>
        %get3A_1064 = arith.constant 0 : i32
        %get3A_1065 = arith.index_cast %get3A_1064 : i32 to index
        %get3A_1066 = arith.constant 96 : index
        %get3A_1067 = tpu.vector_load %arg9[%get3A_1065, %get3A_1066] {strides = array<i32>} : memref<26x128xi32, #tpu.memory_space<vmem>>, vector<16xi32>,
        %gather3A_1068 = tpu.vector_load_idx %arg8[%get3A_1067] : memref<6144xi32, #tpu.memory_space<vmem>>[vector<16xi32>], vector<16xi32>,
        %add3A_1069 = arith.addi %broadcast_in_dim3A_1063, %broadcast_in_dim3A_1063 : vector<16xi32>
        %add3A_1070 = arith.addi %add3A_1069, %gather3A_1068 : vector<16xi32>
        %get3A_1071 = arith.constant 1 : i32
        %get3A_1072 = arith.index_cast %get3A_1071 : i32 to index
        %get3A_1073 = arith.constant 96 : index
        %get3A_1074 = tpu.vector_load %arg9[%get3A_1072, %get3A_1073] {strides = array<i32>} : memref<26x128xi32, #tpu.memory_space<vmem>>, vector<16xi32>,
        %gather3A_1075 = tpu.vector_load_idx %arg8[%get3A_1074] : memref<6144xi32, #tpu.memory_space<vmem>>[vector<16xi32>], vector<16xi32>,
        %add3A_1076 = arith.addi %add3A_1070, %add3A_1070 : vector<16xi32>
        %add3A_1077 = arith.addi %add3A_1076, %gather3A_1075 : vector<16xi32>
        %get3A_1078 = arith.constant 2 : i32
        %get3A_1079 = arith.index_cast %get3A_1078 : i32 to index
        %get3A_1080 = arith.constant 96 : index
        %get3A_1081 = tpu.vector_load %arg9[%get3A_1079, %get3A_1080] {strides = array<i32>} : memref<26x128xi32, #tpu.memory_space<vmem>>, vector<16xi32>,
        %gather3A_1082 = tpu.vector_load_idx %arg8[%get3A_1081] : memref<6144xi32, #tpu.memory_space<vmem>>[vector<16xi32>], vector<16xi32>,
        %add3A_1083 = arith.addi %add3A_1077, %add3A_1077 : vector<16xi32>
        %add3A_1084 = arith.addi %add3A_1083, %gather3A_1082 : vector<16xi32>
        %get3A_1085 = arith.constant 3 : i32
        %get3A_1086 = arith.index_cast %get3A_1085 : i32 to index
        %get3A_1087 = arith.constant 96 : index
        %get3A_1088 = tpu.vector_load %arg9[%get3A_1086, %get3A_1087] {strides = array<i32>} : memref<26x128xi32, #tpu.memory_space<vmem>>, vector<16xi32>,
        %gather3A_1089 = tpu.vector_load_idx %arg8[%get3A_1088] : memref<6144xi32, #tpu.memory_space<vmem>>[vector<16xi32>], vector<16xi32>,
        %add3A_1090 = arith.addi %add3A_1084, %add3A_1084 : vector<16xi32>
        %add3A_1091 = arith.addi %add3A_1090, %gather3A_1089 : vector<16xi32>
        %get3A_1092 = arith.constant 4 : i32
        %get3A_1093 = arith.index_cast %get3A_1092 : i32 to index
        %get3A_1094 = arith.constant 96 : index
        %get3A_1095 = tpu.vector_load %arg9[%get3A_1093, %get3A_1094] {strides = array<i32>} : memref<26x128xi32, #tpu.memory_space<vmem>>, vector<16xi32>,
        %gather3A_1096 = tpu.vector_load_idx %arg8[%get3A_1095] : memref<6144xi32, #tpu.memory_space<vmem>>[vector<16xi32>], vector<16xi32>,
        %add3A_1097 = arith.addi %add3A_1091, %add3A_1091 : vector<16xi32>
        %add3A_1098 = arith.addi %add3A_1097, %gather3A_1096 : vector<16xi32>
        %get3A_1099 = arith.constant 5 : i32
        %get3A_1100 = arith.index_cast %get3A_1099 : i32 to index
        %get3A_1101 = arith.constant 96 : index
        %get3A_1102 = tpu.vector_load %arg9[%get3A_1100, %get3A_1101] {strides = array<i32>} : memref<26x128xi32, #tpu.memory_space<vmem>>, vector<16xi32>,
        %gather3A_1103 = tpu.vector_load_idx %arg8[%get3A_1102] : memref<6144xi32, #tpu.memory_space<vmem>>[vector<16xi32>], vector<16xi32>,
        %add3A_1104 = arith.addi %add3A_1098, %add3A_1098 : vector<16xi32>
        %add3A_1105 = arith.addi %add3A_1104, %gather3A_1103 : vector<16xi32>
        %get3A_1106 = arith.constant 6 : i32
        %get3A_1107 = arith.index_cast %get3A_1106 : i32 to index
        %get3A_1108 = arith.constant 96 : index
        %get3A_1109 = tpu.vector_load %arg9[%get3A_1107, %get3A_1108] {strides = array<i32>} : memref<26x128xi32, #tpu.memory_space<vmem>>, vector<16xi32>,
        %gather3A_1110 = tpu.vector_load_idx %arg8[%get3A_1109] : memref<6144xi32, #tpu.memory_space<vmem>>[vector<16xi32>], vector<16xi32>,
        %add3A_1111 = arith.addi %add3A_1105, %add3A_1105 : vector<16xi32>
        %add3A_1112 = arith.addi %add3A_1111, %gather3A_1110 : vector<16xi32>
        %get3A_1113 = arith.constant 7 : i32
        %get3A_1114 = arith.index_cast %get3A_1113 : i32 to index
        %get3A_1115 = arith.constant 96 : index
        %get3A_1116 = tpu.vector_load %arg9[%get3A_1114, %get3A_1115] {strides = array<i32>} : memref<26x128xi32, #tpu.memory_space<vmem>>, vector<16xi32>,
        %gather3A_1117 = tpu.vector_load_idx %arg8[%get3A_1116] : memref<6144xi32, #tpu.memory_space<vmem>>[vector<16xi32>], vector<16xi32>,
        %add3A_1118 = arith.addi %add3A_1112, %add3A_1112 : vector<16xi32>
        %add3A_1119 = arith.addi %add3A_1118, %gather3A_1117 : vector<16xi32>
        %get3A_1120 = arith.constant 8 : i32
        %get3A_1121 = arith.index_cast %get3A_1120 : i32 to index
        %get3A_1122 = arith.constant 96 : index
        %get3A_1123 = tpu.vector_load %arg9[%get3A_1121, %get3A_1122] {strides = array<i32>} : memref<26x128xi32, #tpu.memory_space<vmem>>, vector<16xi32>,
        %gather3A_1124 = tpu.vector_load_idx %arg8[%get3A_1123] : memref<6144xi32, #tpu.memory_space<vmem>>[vector<16xi32>], vector<16xi32>,
        %add3A_1125 = arith.addi %add3A_1119, %add3A_1119 : vector<16xi32>
        %add3A_1126 = arith.addi %add3A_1125, %gather3A_1124 : vector<16xi32>
        %get3A_1127 = arith.constant 9 : i32
        %get3A_1128 = arith.index_cast %get3A_1127 : i32 to index
        %get3A_1129 = arith.constant 96 : index
        %get3A_1130 = tpu.vector_load %arg9[%get3A_1128, %get3A_1129] {strides = array<i32>} : memref<26x128xi32, #tpu.memory_space<vmem>>, vector<16xi32>,
        %gather3A_1131 = tpu.vector_load_idx %arg8[%get3A_1130] : memref<6144xi32, #tpu.memory_space<vmem>>[vector<16xi32>], vector<16xi32>,
        %add3A_1132 = arith.addi %add3A_1126, %add3A_1126 : vector<16xi32>
        %add3A_1133 = arith.addi %add3A_1132, %gather3A_1131 : vector<16xi32>
        %get3A_1134 = arith.constant 10 : i32
        %get3A_1135 = arith.index_cast %get3A_1134 : i32 to index
        %get3A_1136 = arith.constant 96 : index
        %get3A_1137 = tpu.vector_load %arg9[%get3A_1135, %get3A_1136] {strides = array<i32>} : memref<26x128xi32, #tpu.memory_space<vmem>>, vector<16xi32>,
        %gather3A_1138 = tpu.vector_load_idx %arg8[%get3A_1137] : memref<6144xi32, #tpu.memory_space<vmem>>[vector<16xi32>], vector<16xi32>,
        %add3A_1139 = arith.addi %add3A_1133, %add3A_1133 : vector<16xi32>
        %add3A_1140 = arith.addi %add3A_1139, %gather3A_1138 : vector<16xi32>
        %get3A_1141 = arith.constant 11 : i32
        %get3A_1142 = arith.index_cast %get3A_1141 : i32 to index
        %get3A_1143 = arith.constant 96 : index
        %get3A_1144 = tpu.vector_load %arg9[%get3A_1142, %get3A_1143] {strides = array<i32>} : memref<26x128xi32, #tpu.memory_space<vmem>>, vector<16xi32>,
        %gather3A_1145 = tpu.vector_load_idx %arg8[%get3A_1144] : memref<6144xi32, #tpu.memory_space<vmem>>[vector<16xi32>], vector<16xi32>,
        %add3A_1146 = arith.addi %add3A_1140, %add3A_1140 : vector<16xi32>
        %add3A_1147 = arith.addi %add3A_1146, %gather3A_1145 : vector<16xi32>
        %get3A_1148 = arith.constant 12 : i32
        %get3A_1149 = arith.index_cast %get3A_1148 : i32 to index
        %get3A_1150 = arith.constant 96 : index
        %get3A_1151 = tpu.vector_load %arg9[%get3A_1149, %get3A_1150] {strides = array<i32>} : memref<26x128xi32, #tpu.memory_space<vmem>>, vector<16xi32>,
        %gather3A_1152 = tpu.vector_load_idx %arg8[%get3A_1151] : memref<6144xi32, #tpu.memory_space<vmem>>[vector<16xi32>], vector<16xi32>,
        %add3A_1153 = arith.addi %add3A_1147, %add3A_1147 : vector<16xi32>
        %add3A_1154 = arith.addi %add3A_1153, %gather3A_1152 : vector<16xi32>
        %mul3A_1155 = arith.constant 128 : i32
        %mul3A_1156 = arith.muli %arg1, %mul3A_1155 : i32
        %add3A_1157 = arith.constant 96 : i32
        %add3A_1158 = arith.addi %mul3A_1156, %add3A_1157 : i32
        %add3A_1159 = vector.broadcast %add3A_1158 : i32 to vector<16xi32>
        %add3A_1160 = arith.addi %add3A_1159, %iota3A : vector<16xi32>
        %shift_right_arithmetic3A_1161 = arith.constant 3 : i32
        %shift_right_arithmetic3A_1162 = vector.broadcast %shift_right_arithmetic3A_1161 : i32 to vector<16xi32>
        %shift_right_arithmetic3A_1163 = arith.shrsi %add3A_1160, %shift_right_arithmetic3A_1162 : vector<16xi32>
        %shift_left3A_1164 = arith.constant 16 : i32
        %shift_left3A_1165 = vector.broadcast %shift_left3A_1164 : i32 to vector<16xi32>
        %shift_left3A_1166 = arith.shli %shift_right_arithmetic3A_1163, %shift_left3A_1165 : vector<16xi32>
        %shift_right_arithmetic3A_1167 = arith.constant 7 : i32
        %shift_right_arithmetic3A_1168 = vector.broadcast %shift_right_arithmetic3A_1167 : i32 to vector<16xi32>
        %shift_right_arithmetic3A_1169 = arith.shrsi %add3A_1154, %shift_right_arithmetic3A_1168 : vector<16xi32>
        %shift_left3A_1170 = arith.constant 10 : i32
        %shift_left3A_1171 = vector.broadcast %shift_left3A_1170 : i32 to vector<16xi32>
        %shift_left3A_1172 = arith.shli %shift_right_arithmetic3A_1169, %shift_left3A_1171 : vector<16xi32>
        %add3A_1173 = arith.addi %shift_left3A_1166, %shift_left3A_1172 : vector<16xi32>
        %and3A_1174 = arith.constant 7 : i32
        %and3A_1175 = vector.broadcast %and3A_1174 : i32 to vector<16xi32>
        %and3A_1176 = arith.andi %add3A_1160, %and3A_1175 : vector<16xi32>
        %shift_left3A_1177 = arith.constant 7 : i32
        %shift_left3A_1178 = vector.broadcast %shift_left3A_1177 : i32 to vector<16xi32>
        %shift_left3A_1179 = arith.shli %and3A_1176, %shift_left3A_1178 : vector<16xi32>
        %add3A_1180 = arith.addi %add3A_1173, %shift_left3A_1179 : vector<16xi32>
        %and3A_1181 = arith.constant 127 : i32
        %and3A_1182 = vector.broadcast %and3A_1181 : i32 to vector<16xi32>
        %and3A_1183 = arith.andi %add3A_1154, %and3A_1182 : vector<16xi32>
        %add3A_1184 = arith.addi %add3A_1180, %and3A_1183 : vector<16xi32>
        %swap3A_1185 = arith.constant 32 : index
        %swap3A_1186 = tpu.vector_load %arg11[%swap3A_1185] {strides = array<i32>} : memref<64xi32, #tpu.memory_space<vmem>>, vector<16xi32>,
        tpu.vector_store %arg11[%swap3A_1185], %add3A_1184 {strides = array<i32>} : memref<64xi32, #tpu.memory_space<vmem>>, vector<16xi32>,
        %broadcast_in_dim3A_1187 = arith.constant 0 : i32
        %broadcast_in_dim3A_1188 = vector.broadcast %broadcast_in_dim3A_1187 : i32 to vector<16xi32>
        %get3A_1189 = arith.constant 0 : i32
        %get3A_1190 = arith.index_cast %get3A_1189 : i32 to index
        %get3A_1191 = arith.constant 112 : index
        %get3A_1192 = tpu.vector_load %arg9[%get3A_1190, %get3A_1191] {strides = array<i32>} : memref<26x128xi32, #tpu.memory_space<vmem>>, vector<16xi32>,
        %gather3A_1193 = tpu.vector_load_idx %arg8[%get3A_1192] : memref<6144xi32, #tpu.memory_space<vmem>>[vector<16xi32>], vector<16xi32>,
        %add3A_1194 = arith.addi %broadcast_in_dim3A_1188, %broadcast_in_dim3A_1188 : vector<16xi32>
        %add3A_1195 = arith.addi %add3A_1194, %gather3A_1193 : vector<16xi32>
        %get3A_1196 = arith.constant 1 : i32
        %get3A_1197 = arith.index_cast %get3A_1196 : i32 to index
        %get3A_1198 = arith.constant 112 : index
        %get3A_1199 = tpu.vector_load %arg9[%get3A_1197, %get3A_1198] {strides = array<i32>} : memref<26x128xi32, #tpu.memory_space<vmem>>, vector<16xi32>,
        %gather3A_1200 = tpu.vector_load_idx %arg8[%get3A_1199] : memref<6144xi32, #tpu.memory_space<vmem>>[vector<16xi32>], vector<16xi32>,
        %add3A_1201 = arith.addi %add3A_1195, %add3A_1195 : vector<16xi32>
        %add3A_1202 = arith.addi %add3A_1201, %gather3A_1200 : vector<16xi32>
        %get3A_1203 = arith.constant 2 : i32
        %get3A_1204 = arith.index_cast %get3A_1203 : i32 to index
        %get3A_1205 = arith.constant 112 : index
        %get3A_1206 = tpu.vector_load %arg9[%get3A_1204, %get3A_1205] {strides = array<i32>} : memref<26x128xi32, #tpu.memory_space<vmem>>, vector<16xi32>,
        %gather3A_1207 = tpu.vector_load_idx %arg8[%get3A_1206] : memref<6144xi32, #tpu.memory_space<vmem>>[vector<16xi32>], vector<16xi32>,
        %add3A_1208 = arith.addi %add3A_1202, %add3A_1202 : vector<16xi32>
        %add3A_1209 = arith.addi %add3A_1208, %gather3A_1207 : vector<16xi32>
        %get3A_1210 = arith.constant 3 : i32
        %get3A_1211 = arith.index_cast %get3A_1210 : i32 to index
        %get3A_1212 = arith.constant 112 : index
        %get3A_1213 = tpu.vector_load %arg9[%get3A_1211, %get3A_1212] {strides = array<i32>} : memref<26x128xi32, #tpu.memory_space<vmem>>, vector<16xi32>,
        %gather3A_1214 = tpu.vector_load_idx %arg8[%get3A_1213] : memref<6144xi32, #tpu.memory_space<vmem>>[vector<16xi32>], vector<16xi32>,
        %add3A_1215 = arith.addi %add3A_1209, %add3A_1209 : vector<16xi32>
        %add3A_1216 = arith.addi %add3A_1215, %gather3A_1214 : vector<16xi32>
        %get3A_1217 = arith.constant 4 : i32
        %get3A_1218 = arith.index_cast %get3A_1217 : i32 to index
        %get3A_1219 = arith.constant 112 : index
        %get3A_1220 = tpu.vector_load %arg9[%get3A_1218, %get3A_1219] {strides = array<i32>} : memref<26x128xi32, #tpu.memory_space<vmem>>, vector<16xi32>,
        %gather3A_1221 = tpu.vector_load_idx %arg8[%get3A_1220] : memref<6144xi32, #tpu.memory_space<vmem>>[vector<16xi32>], vector<16xi32>,
        %add3A_1222 = arith.addi %add3A_1216, %add3A_1216 : vector<16xi32>
        %add3A_1223 = arith.addi %add3A_1222, %gather3A_1221 : vector<16xi32>
        %get3A_1224 = arith.constant 5 : i32
        %get3A_1225 = arith.index_cast %get3A_1224 : i32 to index
        %get3A_1226 = arith.constant 112 : index
        %get3A_1227 = tpu.vector_load %arg9[%get3A_1225, %get3A_1226] {strides = array<i32>} : memref<26x128xi32, #tpu.memory_space<vmem>>, vector<16xi32>,
        %gather3A_1228 = tpu.vector_load_idx %arg8[%get3A_1227] : memref<6144xi32, #tpu.memory_space<vmem>>[vector<16xi32>], vector<16xi32>,
        %add3A_1229 = arith.addi %add3A_1223, %add3A_1223 : vector<16xi32>
        %add3A_1230 = arith.addi %add3A_1229, %gather3A_1228 : vector<16xi32>
        %get3A_1231 = arith.constant 6 : i32
        %get3A_1232 = arith.index_cast %get3A_1231 : i32 to index
        %get3A_1233 = arith.constant 112 : index
        %get3A_1234 = tpu.vector_load %arg9[%get3A_1232, %get3A_1233] {strides = array<i32>} : memref<26x128xi32, #tpu.memory_space<vmem>>, vector<16xi32>,
        %gather3A_1235 = tpu.vector_load_idx %arg8[%get3A_1234] : memref<6144xi32, #tpu.memory_space<vmem>>[vector<16xi32>], vector<16xi32>,
        %add3A_1236 = arith.addi %add3A_1230, %add3A_1230 : vector<16xi32>
        %add3A_1237 = arith.addi %add3A_1236, %gather3A_1235 : vector<16xi32>
        %get3A_1238 = arith.constant 7 : i32
        %get3A_1239 = arith.index_cast %get3A_1238 : i32 to index
        %get3A_1240 = arith.constant 112 : index
        %get3A_1241 = tpu.vector_load %arg9[%get3A_1239, %get3A_1240] {strides = array<i32>} : memref<26x128xi32, #tpu.memory_space<vmem>>, vector<16xi32>,
        %gather3A_1242 = tpu.vector_load_idx %arg8[%get3A_1241] : memref<6144xi32, #tpu.memory_space<vmem>>[vector<16xi32>], vector<16xi32>,
        %add3A_1243 = arith.addi %add3A_1237, %add3A_1237 : vector<16xi32>
        %add3A_1244 = arith.addi %add3A_1243, %gather3A_1242 : vector<16xi32>
        %get3A_1245 = arith.constant 8 : i32
        %get3A_1246 = arith.index_cast %get3A_1245 : i32 to index
        %get3A_1247 = arith.constant 112 : index
        %get3A_1248 = tpu.vector_load %arg9[%get3A_1246, %get3A_1247] {strides = array<i32>} : memref<26x128xi32, #tpu.memory_space<vmem>>, vector<16xi32>,
        %gather3A_1249 = tpu.vector_load_idx %arg8[%get3A_1248] : memref<6144xi32, #tpu.memory_space<vmem>>[vector<16xi32>], vector<16xi32>,
        %add3A_1250 = arith.addi %add3A_1244, %add3A_1244 : vector<16xi32>
        %add3A_1251 = arith.addi %add3A_1250, %gather3A_1249 : vector<16xi32>
        %get3A_1252 = arith.constant 9 : i32
        %get3A_1253 = arith.index_cast %get3A_1252 : i32 to index
        %get3A_1254 = arith.constant 112 : index
        %get3A_1255 = tpu.vector_load %arg9[%get3A_1253, %get3A_1254] {strides = array<i32>} : memref<26x128xi32, #tpu.memory_space<vmem>>, vector<16xi32>,
        %gather3A_1256 = tpu.vector_load_idx %arg8[%get3A_1255] : memref<6144xi32, #tpu.memory_space<vmem>>[vector<16xi32>], vector<16xi32>,
        %add3A_1257 = arith.addi %add3A_1251, %add3A_1251 : vector<16xi32>
        %add3A_1258 = arith.addi %add3A_1257, %gather3A_1256 : vector<16xi32>
        %get3A_1259 = arith.constant 10 : i32
        %get3A_1260 = arith.index_cast %get3A_1259 : i32 to index
        %get3A_1261 = arith.constant 112 : index
        %get3A_1262 = tpu.vector_load %arg9[%get3A_1260, %get3A_1261] {strides = array<i32>} : memref<26x128xi32, #tpu.memory_space<vmem>>, vector<16xi32>,
        %gather3A_1263 = tpu.vector_load_idx %arg8[%get3A_1262] : memref<6144xi32, #tpu.memory_space<vmem>>[vector<16xi32>], vector<16xi32>,
        %add3A_1264 = arith.addi %add3A_1258, %add3A_1258 : vector<16xi32>
        %add3A_1265 = arith.addi %add3A_1264, %gather3A_1263 : vector<16xi32>
        %get3A_1266 = arith.constant 11 : i32
        %get3A_1267 = arith.index_cast %get3A_1266 : i32 to index
        %get3A_1268 = arith.constant 112 : index
        %get3A_1269 = tpu.vector_load %arg9[%get3A_1267, %get3A_1268] {strides = array<i32>} : memref<26x128xi32, #tpu.memory_space<vmem>>, vector<16xi32>,
        %gather3A_1270 = tpu.vector_load_idx %arg8[%get3A_1269] : memref<6144xi32, #tpu.memory_space<vmem>>[vector<16xi32>], vector<16xi32>,
        %add3A_1271 = arith.addi %add3A_1265, %add3A_1265 : vector<16xi32>
        %add3A_1272 = arith.addi %add3A_1271, %gather3A_1270 : vector<16xi32>
        %get3A_1273 = arith.constant 12 : i32
        %get3A_1274 = arith.index_cast %get3A_1273 : i32 to index
        %get3A_1275 = arith.constant 112 : index
        %get3A_1276 = tpu.vector_load %arg9[%get3A_1274, %get3A_1275] {strides = array<i32>} : memref<26x128xi32, #tpu.memory_space<vmem>>, vector<16xi32>,
        %gather3A_1277 = tpu.vector_load_idx %arg8[%get3A_1276] : memref<6144xi32, #tpu.memory_space<vmem>>[vector<16xi32>], vector<16xi32>,
        %add3A_1278 = arith.addi %add3A_1272, %add3A_1272 : vector<16xi32>
        %add3A_1279 = arith.addi %add3A_1278, %gather3A_1277 : vector<16xi32>
        %mul3A_1280 = arith.constant 128 : i32
        %mul3A_1281 = arith.muli %arg1, %mul3A_1280 : i32
        %add3A_1282 = arith.constant 112 : i32
        %add3A_1283 = arith.addi %mul3A_1281, %add3A_1282 : i32
        %add3A_1284 = vector.broadcast %add3A_1283 : i32 to vector<16xi32>
        %add3A_1285 = arith.addi %add3A_1284, %iota3A : vector<16xi32>
        %shift_right_arithmetic3A_1286 = arith.constant 3 : i32
        %shift_right_arithmetic3A_1287 = vector.broadcast %shift_right_arithmetic3A_1286 : i32 to vector<16xi32>
        %shift_right_arithmetic3A_1288 = arith.shrsi %add3A_1285, %shift_right_arithmetic3A_1287 : vector<16xi32>
        %shift_left3A_1289 = arith.constant 16 : i32
        %shift_left3A_1290 = vector.broadcast %shift_left3A_1289 : i32 to vector<16xi32>
        %shift_left3A_1291 = arith.shli %shift_right_arithmetic3A_1288, %shift_left3A_1290 : vector<16xi32>
        %shift_right_arithmetic3A_1292 = arith.constant 7 : i32
        %shift_right_arithmetic3A_1293 = vector.broadcast %shift_right_arithmetic3A_1292 : i32 to vector<16xi32>
        %shift_right_arithmetic3A_1294 = arith.shrsi %add3A_1279, %shift_right_arithmetic3A_1293 : vector<16xi32>
        %shift_left3A_1295 = arith.constant 10 : i32
        %shift_left3A_1296 = vector.broadcast %shift_left3A_1295 : i32 to vector<16xi32>
        %shift_left3A_1297 = arith.shli %shift_right_arithmetic3A_1294, %shift_left3A_1296 : vector<16xi32>
        %add3A_1298 = arith.addi %shift_left3A_1291, %shift_left3A_1297 : vector<16xi32>
        %and3A_1299 = arith.constant 7 : i32
        %and3A_1300 = vector.broadcast %and3A_1299 : i32 to vector<16xi32>
        %and3A_1301 = arith.andi %add3A_1285, %and3A_1300 : vector<16xi32>
        %shift_left3A_1302 = arith.constant 7 : i32
        %shift_left3A_1303 = vector.broadcast %shift_left3A_1302 : i32 to vector<16xi32>
        %shift_left3A_1304 = arith.shli %and3A_1301, %shift_left3A_1303 : vector<16xi32>
        %add3A_1305 = arith.addi %add3A_1298, %shift_left3A_1304 : vector<16xi32>
        %and3A_1306 = arith.constant 127 : i32
        %and3A_1307 = vector.broadcast %and3A_1306 : i32 to vector<16xi32>
        %and3A_1308 = arith.andi %add3A_1279, %and3A_1307 : vector<16xi32>
        %add3A_1309 = arith.addi %add3A_1305, %and3A_1308 : vector<16xi32>
        %swap3A_1310 = arith.constant 48 : index
        %swap3A_1311 = tpu.vector_load %arg11[%swap3A_1310] {strides = array<i32>} : memref<64xi32, #tpu.memory_space<vmem>>, vector<16xi32>,
        tpu.vector_store %arg11[%swap3A_1310], %add3A_1309 {strides = array<i32>} : memref<64xi32, #tpu.memory_space<vmem>>, vector<16xi32>,
        %dma_start3A_1312 = arith.constant 0 : i32
        %dma_start3A_1313 = tpu.memref_slice %arg4[%dma_start3A_1312] : memref<16777216xf32, #tpu.memory_space<hbm>> -> memref<16777216xf32, #tpu.memory_space<hbm>>
        tpu.enqueue_indirect_dma source(%dma_start3A_1313 : memref<16777216xf32, #tpu.memory_space<hbm>>) target(%arg16 : memref<64xf32, #tpu.memory_space<vmem>>) offsets(%arg11 : memref<64xi32, #tpu.memory_space<vmem>>) semaphore(%arg21 : memref<!tpu.dma_semaphore, #tpu.memory_space<semaphore_mem>>)
        %dma_wait3A_1314 = arith.constant 0 : i32
        %dma_wait3A_1315 = tpu.memref_slice %arg4[%dma_wait3A_1314] : memref<16777216xf32, #tpu.memory_space<hbm>> -> memref<16777216xf32, #tpu.memory_space<hbm>>
        tpu.wait_indirect_dma semaphore(%arg21 : memref<!tpu.dma_semaphore, #tpu.memory_space<semaphore_mem>>) src(%dma_wait3A_1315 : memref<16777216xf32, #tpu.memory_space<hbm>>) dst(%arg15 : memref<64xf32, #tpu.memory_space<vmem>>)
        %get3A_1316 = arith.constant 0 : index
        %get3A_1317 = tpu.vector_load %arg15[%get3A_1316] {strides = array<i32>} : memref<64xf32, #tpu.memory_space<vmem>>, vector<16xf32>,
        %gt3A = arith.constant 5.000000e-01 : f32
        %gt3A_1318 = vector.broadcast %gt3A : f32 to vector<16xf32>
        %gt3A_1319 = arith.cmpf ogt, %get3A_1317, %gt3A_1318 : vector<16xf32>
        %convert_element_type3A_1320 = arith.extui %gt3A_1319 : vector<16xi1> to vector<16xi32>
        %swap3A_1321 = arith.constant 0 : index
        %swap3A_1322 = tpu.vector_load %arg12[%swap3A_1321] {strides = array<i32>} : memref<128xi32, #tpu.memory_space<vmem>>, vector<16xi32>,
        tpu.vector_store %arg12[%swap3A_1321], %convert_element_type3A_1320 {strides = array<i32>} : memref<128xi32, #tpu.memory_space<vmem>>, vector<16xi32>,
        %get3A_1323 = arith.constant 16 : index
        %get3A_1324 = tpu.vector_load %arg15[%get3A_1323] {strides = array<i32>} : memref<64xf32, #tpu.memory_space<vmem>>, vector<16xf32>,
        %gt3A_1325 = arith.constant 5.000000e-01 : f32
        %gt3A_1326 = vector.broadcast %gt3A_1325 : f32 to vector<16xf32>
        %gt3A_1327 = arith.cmpf ogt, %get3A_1324, %gt3A_1326 : vector<16xf32>
        %convert_element_type3A_1328 = arith.extui %gt3A_1327 : vector<16xi1> to vector<16xi32>
        %swap3A_1329 = arith.constant 16 : index
        %swap3A_1330 = tpu.vector_load %arg12[%swap3A_1329] {strides = array<i32>} : memref<128xi32, #tpu.memory_space<vmem>>, vector<16xi32>,
        tpu.vector_store %arg12[%swap3A_1329], %convert_element_type3A_1328 {strides = array<i32>} : memref<128xi32, #tpu.memory_space<vmem>>, vector<16xi32>,
        %get3A_1331 = arith.constant 32 : index
        %get3A_1332 = tpu.vector_load %arg15[%get3A_1331] {strides = array<i32>} : memref<64xf32, #tpu.memory_space<vmem>>, vector<16xf32>,
        %gt3A_1333 = arith.constant 5.000000e-01 : f32
        %gt3A_1334 = vector.broadcast %gt3A_1333 : f32 to vector<16xf32>
        %gt3A_1335 = arith.cmpf ogt, %get3A_1332, %gt3A_1334 : vector<16xf32>
        %convert_element_type3A_1336 = arith.extui %gt3A_1335 : vector<16xi1> to vector<16xi32>
        %swap3A_1337 = arith.constant 32 : index
        %swap3A_1338 = tpu.vector_load %arg12[%swap3A_1337] {strides = array<i32>} : memref<128xi32, #tpu.memory_space<vmem>>, vector<16xi32>,
        tpu.vector_store %arg12[%swap3A_1337], %convert_element_type3A_1336 {strides = array<i32>} : memref<128xi32, #tpu.memory_space<vmem>>, vector<16xi32>,
        %get3A_1339 = arith.constant 48 : index
        %get3A_1340 = tpu.vector_load %arg15[%get3A_1339] {strides = array<i32>} : memref<64xf32, #tpu.memory_space<vmem>>, vector<16xf32>,
        %gt3A_1341 = arith.constant 5.000000e-01 : f32
        %gt3A_1342 = vector.broadcast %gt3A_1341 : f32 to vector<16xf32>
        %gt3A_1343 = arith.cmpf ogt, %get3A_1340, %gt3A_1342 : vector<16xf32>
        %convert_element_type3A_1344 = arith.extui %gt3A_1343 : vector<16xi1> to vector<16xi32>
        %swap3A_1345 = arith.constant 48 : index
        %swap3A_1346 = tpu.vector_load %arg12[%swap3A_1345] {strides = array<i32>} : memref<128xi32, #tpu.memory_space<vmem>>, vector<16xi32>,
        tpu.vector_store %arg12[%swap3A_1345], %convert_element_type3A_1344 {strides = array<i32>} : memref<128xi32, #tpu.memory_space<vmem>>, vector<16xi32>,
        %dma_wait3A_1347 = arith.constant 0 : i32
        %dma_wait3A_1348 = tpu.memref_slice %arg4[%dma_wait3A_1347] : memref<16777216xf32, #tpu.memory_space<hbm>> -> memref<16777216xf32, #tpu.memory_space<hbm>>
        tpu.wait_indirect_dma semaphore(%arg21 : memref<!tpu.dma_semaphore, #tpu.memory_space<semaphore_mem>>) src(%dma_wait3A_1348 : memref<16777216xf32, #tpu.memory_space<hbm>>) dst(%arg16 : memref<64xf32, #tpu.memory_space<vmem>>)
        %get3A_1349 = arith.constant 0 : index
        %get3A_1350 = tpu.vector_load %arg16[%get3A_1349] {strides = array<i32>} : memref<64xf32, #tpu.memory_space<vmem>>, vector<16xf32>,
        %gt3A_1351 = arith.constant 5.000000e-01 : f32
        %gt3A_1352 = vector.broadcast %gt3A_1351 : f32 to vector<16xf32>
        %gt3A_1353 = arith.cmpf ogt, %get3A_1350, %gt3A_1352 : vector<16xf32>
        %convert_element_type3A_1354 = arith.extui %gt3A_1353 : vector<16xi1> to vector<16xi32>
        %swap3A_1355 = arith.constant 64 : index
        %swap3A_1356 = tpu.vector_load %arg12[%swap3A_1355] {strides = array<i32>} : memref<128xi32, #tpu.memory_space<vmem>>, vector<16xi32>,
        tpu.vector_store %arg12[%swap3A_1355], %convert_element_type3A_1354 {strides = array<i32>} : memref<128xi32, #tpu.memory_space<vmem>>, vector<16xi32>,
        %get3A_1357 = arith.constant 16 : index
        %get3A_1358 = tpu.vector_load %arg16[%get3A_1357] {strides = array<i32>} : memref<64xf32, #tpu.memory_space<vmem>>, vector<16xf32>,
        %gt3A_1359 = arith.constant 5.000000e-01 : f32
        %gt3A_1360 = vector.broadcast %gt3A_1359 : f32 to vector<16xf32>
        %gt3A_1361 = arith.cmpf ogt, %get3A_1358, %gt3A_1360 : vector<16xf32>
        %convert_element_type3A_1362 = arith.extui %gt3A_1361 : vector<16xi1> to vector<16xi32>
        %swap3A_1363 = arith.constant 80 : index
        %swap3A_1364 = tpu.vector_load %arg12[%swap3A_1363] {strides = array<i32>} : memref<128xi32, #tpu.memory_space<vmem>>, vector<16xi32>,
        tpu.vector_store %arg12[%swap3A_1363], %convert_element_type3A_1362 {strides = array<i32>} : memref<128xi32, #tpu.memory_space<vmem>>, vector<16xi32>,
        %get3A_1365 = arith.constant 32 : index
        %get3A_1366 = tpu.vector_load %arg16[%get3A_1365] {strides = array<i32>} : memref<64xf32, #tpu.memory_space<vmem>>, vector<16xf32>,
        %gt3A_1367 = arith.constant 5.000000e-01 : f32
        %gt3A_1368 = vector.broadcast %gt3A_1367 : f32 to vector<16xf32>
        %gt3A_1369 = arith.cmpf ogt, %get3A_1366, %gt3A_1368 : vector<16xf32>
        %convert_element_type3A_1370 = arith.extui %gt3A_1369 : vector<16xi1> to vector<16xi32>
        %swap3A_1371 = arith.constant 96 : index
        %swap3A_1372 = tpu.vector_load %arg12[%swap3A_1371] {strides = array<i32>} : memref<128xi32, #tpu.memory_space<vmem>>, vector<16xi32>,
        tpu.vector_store %arg12[%swap3A_1371], %convert_element_type3A_1370 {strides = array<i32>} : memref<128xi32, #tpu.memory_space<vmem>>, vector<16xi32>,
        %get3A_1373 = arith.constant 48 : index
        %get3A_1374 = tpu.vector_load %arg16[%get3A_1373] {strides = array<i32>} : memref<64xf32, #tpu.memory_space<vmem>>, vector<16xf32>,
        %gt3A_1375 = arith.constant 5.000000e-01 : f32
        %gt3A_1376 = vector.broadcast %gt3A_1375 : f32 to vector<16xf32>
        %gt3A_1377 = arith.cmpf ogt, %get3A_1374, %gt3A_1376 : vector<16xf32>
        %convert_element_type3A_1378 = arith.extui %gt3A_1377 : vector<16xi1> to vector<16xi32>
        %swap3A_1379 = arith.constant 112 : index
        %swap3A_1380 = tpu.vector_load %arg12[%swap3A_1379] {strides = array<i32>} : memref<128xi32, #tpu.memory_space<vmem>>, vector<16xi32>,
        tpu.vector_store %arg12[%swap3A_1379], %convert_element_type3A_1378 {strides = array<i32>} : memref<128xi32, #tpu.memory_space<vmem>>, vector<16xi32>,
        %mul3A_1381 = arith.constant 128 : i32
        %mul3A_1382 = arith.muli %arg1, %mul3A_1381 : i32
        %add3A_1383 = arith.constant 0 : i32
        %add3A_1384 = arith.addi %add3A_1383, %mul3A_1382 : i32
        "tpu.region"() ({
          %run_scoped3A = tpu.sem_alloc : memref<!tpu.dma_semaphore, #tpu.memory_space<semaphore_mem>>
          %dma_start3A_2481 = tpu.memref_slice %arg19[%add3A_1384] : memref<4096xi32, #tpu.memory_space<vmem_shared>> -> memref<128xi32, #tpu.memory_space<vmem_shared>>
          %dma_start3A_2482 = tpu.memref_slice %arg19[%add3A_1384] : memref<4096xi32, #tpu.memory_space<vmem_shared>> -> memref<128xi32, #tpu.memory_space<vmem_shared>>
          tpu.enqueue_dma source(%arg12 : memref<128xi32, #tpu.memory_space<vmem>>) target(%dma_start3A_2482 : memref<128xi32, #tpu.memory_space<vmem_shared>>) target_semaphore(%run_scoped3A : memref<!tpu.dma_semaphore, #tpu.memory_space<semaphore_mem>>)
          %dma_wait3A_2483 = tpu.memref_slice %arg19[%add3A_1384] : memref<4096xi32, #tpu.memory_space<vmem_shared>> -> memref<128xi32, #tpu.memory_space<vmem_shared>>
          %dma_wait3A_2484 = tpu.memref_slice %arg19[%add3A_1384] : memref<4096xi32, #tpu.memory_space<vmem_shared>> -> memref<128xi32, #tpu.memory_space<vmem_shared>>
          tpu.wait_dma2 semaphore(%run_scoped3A : memref<!tpu.dma_semaphore, #tpu.memory_space<semaphore_mem>>) src(%arg12 : memref<128xi32, #tpu.memory_space<vmem>>) dst(%dma_wait3A_2484 : memref<128xi32, #tpu.memory_space<vmem_shared>>)
          tpu.yield
        }) : () -> ()
        %barrier3A = arith.constant 0 : index
        tpu.barrier barrier_id(%barrier3A)
        "tpu.region"() ({
          %run_scoped3A = tpu.sem_alloc : memref<!tpu.dma_semaphore, #tpu.memory_space<semaphore_mem>>
          %dma_start3A_2481 = arith.constant 4096 : i32
          %dma_start3A_2482 = tpu.memref_slice %arg8[%dma_start3A_2481] : memref<6144xi32, #tpu.memory_space<vmem>> -> memref<2048xi32, #tpu.memory_space<vmem>>
          %dma_start3A_2483 = arith.constant 0 : i32
          %dma_start3A_2484 = tpu.memref_slice %arg19[%dma_start3A_2483] : memref<4096xi32, #tpu.memory_space<vmem_shared>> -> memref<2048xi32, #tpu.memory_space<vmem_shared>>
          %dma_start3A_2485 = arith.constant 4096 : i32
          %dma_start3A_2486 = tpu.memref_slice %arg8[%dma_start3A_2485] : memref<6144xi32, #tpu.memory_space<vmem>> -> memref<2048xi32, #tpu.memory_space<vmem>>
          %dma_start3A_2487 = arith.constant 0 : i32
          %dma_start3A_2488 = tpu.memref_slice %arg19[%dma_start3A_2487] : memref<4096xi32, #tpu.memory_space<vmem_shared>> -> memref<2048xi32, #tpu.memory_space<vmem_shared>>
          tpu.enqueue_dma source(%dma_start3A_2488 : memref<2048xi32, #tpu.memory_space<vmem_shared>>) target(%dma_start3A_2486 : memref<2048xi32, #tpu.memory_space<vmem>>) target_semaphore(%run_scoped3A : memref<!tpu.dma_semaphore, #tpu.memory_space<semaphore_mem>>)
          %dma_wait3A_2489 = arith.constant 4096 : i32
          %dma_wait3A_2490 = tpu.memref_slice %arg8[%dma_wait3A_2489] : memref<6144xi32, #tpu.memory_space<vmem>> -> memref<2048xi32, #tpu.memory_space<vmem>>
          %dma_wait3A_2491 = arith.constant 0 : i32
          %dma_wait3A_2492 = tpu.memref_slice %arg19[%dma_wait3A_2491] : memref<4096xi32, #tpu.memory_space<vmem_shared>> -> memref<2048xi32, #tpu.memory_space<vmem_shared>>
          %dma_wait3A_2493 = arith.constant 4096 : i32
          %dma_wait3A_2494 = tpu.memref_slice %arg8[%dma_wait3A_2493] : memref<6144xi32, #tpu.memory_space<vmem>> -> memref<2048xi32, #tpu.memory_space<vmem>>
          %dma_wait3A_2495 = arith.constant 0 : i32
          %dma_wait3A_2496 = tpu.memref_slice %arg19[%dma_wait3A_2495] : memref<4096xi32, #tpu.memory_space<vmem_shared>> -> memref<2048xi32, #tpu.memory_space<vmem_shared>>
          tpu.wait_dma2 semaphore(%run_scoped3A : memref<!tpu.dma_semaphore, #tpu.memory_space<semaphore_mem>>) src(%dma_wait3A_2496 : memref<2048xi32, #tpu.memory_space<vmem_shared>>) dst(%dma_wait3A_2494 : memref<2048xi32, #tpu.memory_space<vmem>>)
          tpu.yield
        }) : () -> ()
        %dma_wait3A_1385 = arith.constant 0 : i32
        %dma_wait3A_1386 = tpu.memref_slice %arg8[%dma_wait3A_1385] : memref<6144xi32, #tpu.memory_space<vmem>> -> memref<2048xi32, #tpu.memory_space<vmem>>
        %dma_wait3A_1387 = arith.constant 0 : i32
        %dma_wait3A_1388 = tpu.memref_slice %arg2[%dma_wait3A_1387] : memref<65536xi32, #tpu.memory_space<hbm>> -> memref<2048xi32, #tpu.memory_space<hbm>>
        %dma_wait3A_1389 = arith.constant 0 : i32
        %dma_wait3A_1390 = tpu.memref_slice %arg8[%dma_wait3A_1389] : memref<6144xi32, #tpu.memory_space<vmem>> -> memref<2048xi32, #tpu.memory_space<vmem>>
        %dma_wait3A_1391 = arith.constant 0 : i32
        %dma_wait3A_1392 = tpu.memref_slice %arg2[%dma_wait3A_1391] : memref<65536xi32, #tpu.memory_space<hbm>> -> memref<2048xi32, #tpu.memory_space<hbm>>
        tpu.wait_dma2 semaphore(%arg20 : memref<!tpu.dma_semaphore, #tpu.memory_space<semaphore_mem>>) src(%dma_wait3A_1392 : memref<2048xi32, #tpu.memory_space<hbm>>) dst(%dma_wait3A_1390 : memref<2048xi32, #tpu.memory_space<vmem>>)
        %add3A_1393 = arith.constant 2 : i32
        %add3A_1394 = arith.addi %mul3A_291, %add3A_1393 : i32
        %min3A = arith.constant 31 : i32
        %min3A_1395 = arith.minsi %add3A_1394, %min3A : i32
        %mul3A_1396 = arith.constant 2048 : i32
        %mul3A_1397 = arith.muli %min3A_1395, %mul3A_1396 : i32
        %dma_start3A_1398 = arith.constant 0 : i32
        %dma_start3A_1399 = tpu.memref_slice %arg8[%dma_start3A_1398] : memref<6144xi32, #tpu.memory_space<vmem>> -> memref<2048xi32, #tpu.memory_space<vmem>>
        %dma_start3A_1400 = tpu.memref_slice %arg2[%mul3A_1397] : memref<65536xi32, #tpu.memory_space<hbm>> -> memref<2048xi32, #tpu.memory_space<hbm>>
        %dma_start3A_1401 = arith.constant 0 : i32
        %dma_start3A_1402 = tpu.memref_slice %arg8[%dma_start3A_1401] : memref<6144xi32, #tpu.memory_space<vmem>> -> memref<2048xi32, #tpu.memory_space<vmem>>
        %dma_start3A_1403 = tpu.memref_slice %arg2[%mul3A_1397] : memref<65536xi32, #tpu.memory_space<hbm>> -> memref<2048xi32, #tpu.memory_space<hbm>>
        tpu.enqueue_dma source(%dma_start3A_1403 : memref<2048xi32, #tpu.memory_space<hbm>>) target(%dma_start3A_1402 : memref<2048xi32, #tpu.memory_space<vmem>>) target_semaphore(%arg20 : memref<!tpu.dma_semaphore, #tpu.memory_space<semaphore_mem>>)
        %broadcast_in_dim3A_1404 = arith.constant 0 : i32
        %broadcast_in_dim3A_1405 = vector.broadcast %broadcast_in_dim3A_1404 : i32 to vector<16xi32>
        %get3A_1406 = arith.constant 13 : i32
        %get3A_1407 = arith.index_cast %get3A_1406 : i32 to index
        %get3A_1408 = arith.constant 0 : index
        %get3A_1409 = tpu.vector_load %arg9[%get3A_1407, %get3A_1408] {strides = array<i32>} : memref<26x128xi32, #tpu.memory_space<vmem>>, vector<16xi32>,
        %gather3A_1410 = tpu.vector_load_idx %arg8[%get3A_1409] : memref<6144xi32, #tpu.memory_space<vmem>>[vector<16xi32>], vector<16xi32>,
        %add3A_1411 = arith.addi %broadcast_in_dim3A_1405, %broadcast_in_dim3A_1405 : vector<16xi32>
        %add3A_1412 = arith.addi %add3A_1411, %gather3A_1410 : vector<16xi32>
        %get3A_1413 = arith.constant 14 : i32
        %get3A_1414 = arith.index_cast %get3A_1413 : i32 to index
        %get3A_1415 = arith.constant 0 : index
        %get3A_1416 = tpu.vector_load %arg9[%get3A_1414, %get3A_1415] {strides = array<i32>} : memref<26x128xi32, #tpu.memory_space<vmem>>, vector<16xi32>,
        %gather3A_1417 = tpu.vector_load_idx %arg8[%get3A_1416] : memref<6144xi32, #tpu.memory_space<vmem>>[vector<16xi32>], vector<16xi32>,
        %add3A_1418 = arith.addi %add3A_1412, %add3A_1412 : vector<16xi32>
        %add3A_1419 = arith.addi %add3A_1418, %gather3A_1417 : vector<16xi32>
        %get3A_1420 = arith.constant 15 : i32
        %get3A_1421 = arith.index_cast %get3A_1420 : i32 to index
        %get3A_1422 = arith.constant 0 : index
        %get3A_1423 = tpu.vector_load %arg9[%get3A_1421, %get3A_1422] {strides = array<i32>} : memref<26x128xi32, #tpu.memory_space<vmem>>, vector<16xi32>,
        %gather3A_1424 = tpu.vector_load_idx %arg8[%get3A_1423] : memref<6144xi32, #tpu.memory_space<vmem>>[vector<16xi32>], vector<16xi32>,
        %add3A_1425 = arith.addi %add3A_1419, %add3A_1419 : vector<16xi32>
        %add3A_1426 = arith.addi %add3A_1425, %gather3A_1424 : vector<16xi32>
        %get3A_1427 = arith.constant 16 : i32
        %get3A_1428 = arith.index_cast %get3A_1427 : i32 to index
        %get3A_1429 = arith.constant 0 : index
        %get3A_1430 = tpu.vector_load %arg9[%get3A_1428, %get3A_1429] {strides = array<i32>} : memref<26x128xi32, #tpu.memory_space<vmem>>, vector<16xi32>,
        %gather3A_1431 = tpu.vector_load_idx %arg8[%get3A_1430] : memref<6144xi32, #tpu.memory_space<vmem>>[vector<16xi32>], vector<16xi32>,
        %add3A_1432 = arith.addi %add3A_1426, %add3A_1426 : vector<16xi32>
        %add3A_1433 = arith.addi %add3A_1432, %gather3A_1431 : vector<16xi32>
        %get3A_1434 = arith.constant 17 : i32
        %get3A_1435 = arith.index_cast %get3A_1434 : i32 to index
        %get3A_1436 = arith.constant 0 : index
        %get3A_1437 = tpu.vector_load %arg9[%get3A_1435, %get3A_1436] {strides = array<i32>} : memref<26x128xi32, #tpu.memory_space<vmem>>, vector<16xi32>,
        %gather3A_1438 = tpu.vector_load_idx %arg8[%get3A_1437] : memref<6144xi32, #tpu.memory_space<vmem>>[vector<16xi32>], vector<16xi32>,
        %add3A_1439 = arith.addi %add3A_1433, %add3A_1433 : vector<16xi32>
        %add3A_1440 = arith.addi %add3A_1439, %gather3A_1438 : vector<16xi32>
        %get3A_1441 = arith.constant 18 : i32
        %get3A_1442 = arith.index_cast %get3A_1441 : i32 to index
        %get3A_1443 = arith.constant 0 : index
        %get3A_1444 = tpu.vector_load %arg9[%get3A_1442, %get3A_1443] {strides = array<i32>} : memref<26x128xi32, #tpu.memory_space<vmem>>, vector<16xi32>,
        %gather3A_1445 = tpu.vector_load_idx %arg8[%get3A_1444] : memref<6144xi32, #tpu.memory_space<vmem>>[vector<16xi32>], vector<16xi32>,
        %add3A_1446 = arith.addi %add3A_1440, %add3A_1440 : vector<16xi32>
        %add3A_1447 = arith.addi %add3A_1446, %gather3A_1445 : vector<16xi32>
        %get3A_1448 = arith.constant 19 : i32
        %get3A_1449 = arith.index_cast %get3A_1448 : i32 to index
        %get3A_1450 = arith.constant 0 : index
        %get3A_1451 = tpu.vector_load %arg9[%get3A_1449, %get3A_1450] {strides = array<i32>} : memref<26x128xi32, #tpu.memory_space<vmem>>, vector<16xi32>,
        %gather3A_1452 = tpu.vector_load_idx %arg8[%get3A_1451] : memref<6144xi32, #tpu.memory_space<vmem>>[vector<16xi32>], vector<16xi32>,
        %add3A_1453 = arith.addi %add3A_1447, %add3A_1447 : vector<16xi32>
        %add3A_1454 = arith.addi %add3A_1453, %gather3A_1452 : vector<16xi32>
        %get3A_1455 = arith.constant 20 : i32
        %get3A_1456 = arith.index_cast %get3A_1455 : i32 to index
        %get3A_1457 = arith.constant 0 : index
        %get3A_1458 = tpu.vector_load %arg9[%get3A_1456, %get3A_1457] {strides = array<i32>} : memref<26x128xi32, #tpu.memory_space<vmem>>, vector<16xi32>,
        %gather3A_1459 = tpu.vector_load_idx %arg8[%get3A_1458] : memref<6144xi32, #tpu.memory_space<vmem>>[vector<16xi32>], vector<16xi32>,
        %add3A_1460 = arith.addi %add3A_1454, %add3A_1454 : vector<16xi32>
        %add3A_1461 = arith.addi %add3A_1460, %gather3A_1459 : vector<16xi32>
        %get3A_1462 = arith.constant 21 : i32
        %get3A_1463 = arith.index_cast %get3A_1462 : i32 to index
        %get3A_1464 = arith.constant 0 : index
        %get3A_1465 = tpu.vector_load %arg9[%get3A_1463, %get3A_1464] {strides = array<i32>} : memref<26x128xi32, #tpu.memory_space<vmem>>, vector<16xi32>,
        %gather3A_1466 = tpu.vector_load_idx %arg8[%get3A_1465] : memref<6144xi32, #tpu.memory_space<vmem>>[vector<16xi32>], vector<16xi32>,
        %add3A_1467 = arith.addi %add3A_1461, %add3A_1461 : vector<16xi32>
        %add3A_1468 = arith.addi %add3A_1467, %gather3A_1466 : vector<16xi32>
        %get3A_1469 = arith.constant 22 : i32
        %get3A_1470 = arith.index_cast %get3A_1469 : i32 to index
        %get3A_1471 = arith.constant 0 : index
        %get3A_1472 = tpu.vector_load %arg9[%get3A_1470, %get3A_1471] {strides = array<i32>} : memref<26x128xi32, #tpu.memory_space<vmem>>, vector<16xi32>,
        %gather3A_1473 = tpu.vector_load_idx %arg8[%get3A_1472] : memref<6144xi32, #tpu.memory_space<vmem>>[vector<16xi32>], vector<16xi32>,
        %add3A_1474 = arith.addi %add3A_1468, %add3A_1468 : vector<16xi32>
        %add3A_1475 = arith.addi %add3A_1474, %gather3A_1473 : vector<16xi32>
        %get3A_1476 = arith.constant 23 : i32
        %get3A_1477 = arith.index_cast %get3A_1476 : i32 to index
        %get3A_1478 = arith.constant 0 : index
        %get3A_1479 = tpu.vector_load %arg9[%get3A_1477, %get3A_1478] {strides = array<i32>} : memref<26x128xi32, #tpu.memory_space<vmem>>, vector<16xi32>,
        %gather3A_1480 = tpu.vector_load_idx %arg8[%get3A_1479] : memref<6144xi32, #tpu.memory_space<vmem>>[vector<16xi32>], vector<16xi32>,
        %add3A_1481 = arith.addi %add3A_1475, %add3A_1475 : vector<16xi32>
        %add3A_1482 = arith.addi %add3A_1481, %gather3A_1480 : vector<16xi32>
        %get3A_1483 = arith.constant 24 : i32
        %get3A_1484 = arith.index_cast %get3A_1483 : i32 to index
        %get3A_1485 = arith.constant 0 : index
        %get3A_1486 = tpu.vector_load %arg9[%get3A_1484, %get3A_1485] {strides = array<i32>} : memref<26x128xi32, #tpu.memory_space<vmem>>, vector<16xi32>,
        %gather3A_1487 = tpu.vector_load_idx %arg8[%get3A_1486] : memref<6144xi32, #tpu.memory_space<vmem>>[vector<16xi32>], vector<16xi32>,
        %add3A_1488 = arith.addi %add3A_1482, %add3A_1482 : vector<16xi32>
        %add3A_1489 = arith.addi %add3A_1488, %gather3A_1487 : vector<16xi32>
        %get3A_1490 = arith.constant 25 : i32
        %get3A_1491 = arith.index_cast %get3A_1490 : i32 to index
        %get3A_1492 = arith.constant 0 : index
        %get3A_1493 = tpu.vector_load %arg9[%get3A_1491, %get3A_1492] {strides = array<i32>} : memref<26x128xi32, #tpu.memory_space<vmem>>, vector<16xi32>,
        %gather3A_1494 = tpu.vector_load_idx %arg8[%get3A_1493] : memref<6144xi32, #tpu.memory_space<vmem>>[vector<16xi32>], vector<16xi32>,
        %add3A_1495 = arith.addi %add3A_1489, %add3A_1489 : vector<16xi32>
        %add3A_1496 = arith.addi %add3A_1495, %gather3A_1494 : vector<16xi32>
        %mul3A_1497 = arith.constant 128 : i32
        %mul3A_1498 = arith.muli %arg1, %mul3A_1497 : i32
        %add3A_1499 = arith.constant 0 : i32
        %add3A_1500 = arith.addi %mul3A_1498, %add3A_1499 : i32
        %add3A_1501 = vector.broadcast %add3A_1500 : i32 to vector<16xi32>
        %add3A_1502 = arith.addi %add3A_1501, %iota3A : vector<16xi32>
        %shift_right_arithmetic3A_1503 = arith.constant 3 : i32
        %shift_right_arithmetic3A_1504 = vector.broadcast %shift_right_arithmetic3A_1503 : i32 to vector<16xi32>
        %shift_right_arithmetic3A_1505 = arith.shrsi %add3A_1502, %shift_right_arithmetic3A_1504 : vector<16xi32>
        %shift_left3A_1506 = arith.constant 16 : i32
        %shift_left3A_1507 = vector.broadcast %shift_left3A_1506 : i32 to vector<16xi32>
        %shift_left3A_1508 = arith.shli %shift_right_arithmetic3A_1505, %shift_left3A_1507 : vector<16xi32>
        %shift_right_arithmetic3A_1509 = arith.constant 7 : i32
        %shift_right_arithmetic3A_1510 = vector.broadcast %shift_right_arithmetic3A_1509 : i32 to vector<16xi32>
        %shift_right_arithmetic3A_1511 = arith.shrsi %add3A_1496, %shift_right_arithmetic3A_1510 : vector<16xi32>
        %shift_left3A_1512 = arith.constant 10 : i32
        %shift_left3A_1513 = vector.broadcast %shift_left3A_1512 : i32 to vector<16xi32>
        %shift_left3A_1514 = arith.shli %shift_right_arithmetic3A_1511, %shift_left3A_1513 : vector<16xi32>
        %add3A_1515 = arith.addi %shift_left3A_1508, %shift_left3A_1514 : vector<16xi32>
        %and3A_1516 = arith.constant 7 : i32
        %and3A_1517 = vector.broadcast %and3A_1516 : i32 to vector<16xi32>
        %and3A_1518 = arith.andi %add3A_1502, %and3A_1517 : vector<16xi32>
        %shift_left3A_1519 = arith.constant 7 : i32
        %shift_left3A_1520 = vector.broadcast %shift_left3A_1519 : i32 to vector<16xi32>
        %shift_left3A_1521 = arith.shli %and3A_1518, %shift_left3A_1520 : vector<16xi32>
        %add3A_1522 = arith.addi %add3A_1515, %shift_left3A_1521 : vector<16xi32>
        %and3A_1523 = arith.constant 127 : i32
        %and3A_1524 = vector.broadcast %and3A_1523 : i32 to vector<16xi32>
        %and3A_1525 = arith.andi %add3A_1496, %and3A_1524 : vector<16xi32>
        %add3A_1526 = arith.addi %add3A_1522, %and3A_1525 : vector<16xi32>
        %swap3A_1527 = arith.constant 0 : index
        %swap3A_1528 = tpu.vector_load %arg10[%swap3A_1527] {strides = array<i32>} : memref<64xi32, #tpu.memory_space<vmem>>, vector<16xi32>,
        tpu.vector_store %arg10[%swap3A_1527], %add3A_1526 {strides = array<i32>} : memref<64xi32, #tpu.memory_space<vmem>>, vector<16xi32>,
        %broadcast_in_dim3A_1529 = arith.constant 0 : i32
        %broadcast_in_dim3A_1530 = vector.broadcast %broadcast_in_dim3A_1529 : i32 to vector<16xi32>
        %get3A_1531 = arith.constant 13 : i32
        %get3A_1532 = arith.index_cast %get3A_1531 : i32 to index
        %get3A_1533 = arith.constant 16 : index
        %get3A_1534 = tpu.vector_load %arg9[%get3A_1532, %get3A_1533] {strides = array<i32>} : memref<26x128xi32, #tpu.memory_space<vmem>>, vector<16xi32>,
        %gather3A_1535 = tpu.vector_load_idx %arg8[%get3A_1534] : memref<6144xi32, #tpu.memory_space<vmem>>[vector<16xi32>], vector<16xi32>,
        %add3A_1536 = arith.addi %broadcast_in_dim3A_1530, %broadcast_in_dim3A_1530 : vector<16xi32>
        %add3A_1537 = arith.addi %add3A_1536, %gather3A_1535 : vector<16xi32>
        %get3A_1538 = arith.constant 14 : i32
        %get3A_1539 = arith.index_cast %get3A_1538 : i32 to index
        %get3A_1540 = arith.constant 16 : index
        %get3A_1541 = tpu.vector_load %arg9[%get3A_1539, %get3A_1540] {strides = array<i32>} : memref<26x128xi32, #tpu.memory_space<vmem>>, vector<16xi32>,
        %gather3A_1542 = tpu.vector_load_idx %arg8[%get3A_1541] : memref<6144xi32, #tpu.memory_space<vmem>>[vector<16xi32>], vector<16xi32>,
        %add3A_1543 = arith.addi %add3A_1537, %add3A_1537 : vector<16xi32>
        %add3A_1544 = arith.addi %add3A_1543, %gather3A_1542 : vector<16xi32>
        %get3A_1545 = arith.constant 15 : i32
        %get3A_1546 = arith.index_cast %get3A_1545 : i32 to index
        %get3A_1547 = arith.constant 16 : index
        %get3A_1548 = tpu.vector_load %arg9[%get3A_1546, %get3A_1547] {strides = array<i32>} : memref<26x128xi32, #tpu.memory_space<vmem>>, vector<16xi32>,
        %gather3A_1549 = tpu.vector_load_idx %arg8[%get3A_1548] : memref<6144xi32, #tpu.memory_space<vmem>>[vector<16xi32>], vector<16xi32>,
        %add3A_1550 = arith.addi %add3A_1544, %add3A_1544 : vector<16xi32>
        %add3A_1551 = arith.addi %add3A_1550, %gather3A_1549 : vector<16xi32>
        %get3A_1552 = arith.constant 16 : i32
        %get3A_1553 = arith.index_cast %get3A_1552 : i32 to index
        %get3A_1554 = arith.constant 16 : index
        %get3A_1555 = tpu.vector_load %arg9[%get3A_1553, %get3A_1554] {strides = array<i32>} : memref<26x128xi32, #tpu.memory_space<vmem>>, vector<16xi32>,
        %gather3A_1556 = tpu.vector_load_idx %arg8[%get3A_1555] : memref<6144xi32, #tpu.memory_space<vmem>>[vector<16xi32>], vector<16xi32>,
        %add3A_1557 = arith.addi %add3A_1551, %add3A_1551 : vector<16xi32>
        %add3A_1558 = arith.addi %add3A_1557, %gather3A_1556 : vector<16xi32>
        %get3A_1559 = arith.constant 17 : i32
        %get3A_1560 = arith.index_cast %get3A_1559 : i32 to index
        %get3A_1561 = arith.constant 16 : index
        %get3A_1562 = tpu.vector_load %arg9[%get3A_1560, %get3A_1561] {strides = array<i32>} : memref<26x128xi32, #tpu.memory_space<vmem>>, vector<16xi32>,
        %gather3A_1563 = tpu.vector_load_idx %arg8[%get3A_1562] : memref<6144xi32, #tpu.memory_space<vmem>>[vector<16xi32>], vector<16xi32>,
        %add3A_1564 = arith.addi %add3A_1558, %add3A_1558 : vector<16xi32>
        %add3A_1565 = arith.addi %add3A_1564, %gather3A_1563 : vector<16xi32>
        %get3A_1566 = arith.constant 18 : i32
        %get3A_1567 = arith.index_cast %get3A_1566 : i32 to index
        %get3A_1568 = arith.constant 16 : index
        %get3A_1569 = tpu.vector_load %arg9[%get3A_1567, %get3A_1568] {strides = array<i32>} : memref<26x128xi32, #tpu.memory_space<vmem>>, vector<16xi32>,
        %gather3A_1570 = tpu.vector_load_idx %arg8[%get3A_1569] : memref<6144xi32, #tpu.memory_space<vmem>>[vector<16xi32>], vector<16xi32>,
        %add3A_1571 = arith.addi %add3A_1565, %add3A_1565 : vector<16xi32>
        %add3A_1572 = arith.addi %add3A_1571, %gather3A_1570 : vector<16xi32>
        %get3A_1573 = arith.constant 19 : i32
        %get3A_1574 = arith.index_cast %get3A_1573 : i32 to index
        %get3A_1575 = arith.constant 16 : index
        %get3A_1576 = tpu.vector_load %arg9[%get3A_1574, %get3A_1575] {strides = array<i32>} : memref<26x128xi32, #tpu.memory_space<vmem>>, vector<16xi32>,
        %gather3A_1577 = tpu.vector_load_idx %arg8[%get3A_1576] : memref<6144xi32, #tpu.memory_space<vmem>>[vector<16xi32>], vector<16xi32>,
        %add3A_1578 = arith.addi %add3A_1572, %add3A_1572 : vector<16xi32>
        %add3A_1579 = arith.addi %add3A_1578, %gather3A_1577 : vector<16xi32>
        %get3A_1580 = arith.constant 20 : i32
        %get3A_1581 = arith.index_cast %get3A_1580 : i32 to index
        %get3A_1582 = arith.constant 16 : index
        %get3A_1583 = tpu.vector_load %arg9[%get3A_1581, %get3A_1582] {strides = array<i32>} : memref<26x128xi32, #tpu.memory_space<vmem>>, vector<16xi32>,
        %gather3A_1584 = tpu.vector_load_idx %arg8[%get3A_1583] : memref<6144xi32, #tpu.memory_space<vmem>>[vector<16xi32>], vector<16xi32>,
        %add3A_1585 = arith.addi %add3A_1579, %add3A_1579 : vector<16xi32>
        %add3A_1586 = arith.addi %add3A_1585, %gather3A_1584 : vector<16xi32>
        %get3A_1587 = arith.constant 21 : i32
        %get3A_1588 = arith.index_cast %get3A_1587 : i32 to index
        %get3A_1589 = arith.constant 16 : index
        %get3A_1590 = tpu.vector_load %arg9[%get3A_1588, %get3A_1589] {strides = array<i32>} : memref<26x128xi32, #tpu.memory_space<vmem>>, vector<16xi32>,
        %gather3A_1591 = tpu.vector_load_idx %arg8[%get3A_1590] : memref<6144xi32, #tpu.memory_space<vmem>>[vector<16xi32>], vector<16xi32>,
        %add3A_1592 = arith.addi %add3A_1586, %add3A_1586 : vector<16xi32>
        %add3A_1593 = arith.addi %add3A_1592, %gather3A_1591 : vector<16xi32>
        %get3A_1594 = arith.constant 22 : i32
        %get3A_1595 = arith.index_cast %get3A_1594 : i32 to index
        %get3A_1596 = arith.constant 16 : index
        %get3A_1597 = tpu.vector_load %arg9[%get3A_1595, %get3A_1596] {strides = array<i32>} : memref<26x128xi32, #tpu.memory_space<vmem>>, vector<16xi32>,
        %gather3A_1598 = tpu.vector_load_idx %arg8[%get3A_1597] : memref<6144xi32, #tpu.memory_space<vmem>>[vector<16xi32>], vector<16xi32>,
        %add3A_1599 = arith.addi %add3A_1593, %add3A_1593 : vector<16xi32>
        %add3A_1600 = arith.addi %add3A_1599, %gather3A_1598 : vector<16xi32>
        %get3A_1601 = arith.constant 23 : i32
        %get3A_1602 = arith.index_cast %get3A_1601 : i32 to index
        %get3A_1603 = arith.constant 16 : index
        %get3A_1604 = tpu.vector_load %arg9[%get3A_1602, %get3A_1603] {strides = array<i32>} : memref<26x128xi32, #tpu.memory_space<vmem>>, vector<16xi32>,
        %gather3A_1605 = tpu.vector_load_idx %arg8[%get3A_1604] : memref<6144xi32, #tpu.memory_space<vmem>>[vector<16xi32>], vector<16xi32>,
        %add3A_1606 = arith.addi %add3A_1600, %add3A_1600 : vector<16xi32>
        %add3A_1607 = arith.addi %add3A_1606, %gather3A_1605 : vector<16xi32>
        %get3A_1608 = arith.constant 24 : i32
        %get3A_1609 = arith.index_cast %get3A_1608 : i32 to index
        %get3A_1610 = arith.constant 16 : index
        %get3A_1611 = tpu.vector_load %arg9[%get3A_1609, %get3A_1610] {strides = array<i32>} : memref<26x128xi32, #tpu.memory_space<vmem>>, vector<16xi32>,
        %gather3A_1612 = tpu.vector_load_idx %arg8[%get3A_1611] : memref<6144xi32, #tpu.memory_space<vmem>>[vector<16xi32>], vector<16xi32>,
        %add3A_1613 = arith.addi %add3A_1607, %add3A_1607 : vector<16xi32>
        %add3A_1614 = arith.addi %add3A_1613, %gather3A_1612 : vector<16xi32>
        %get3A_1615 = arith.constant 25 : i32
        %get3A_1616 = arith.index_cast %get3A_1615 : i32 to index
        %get3A_1617 = arith.constant 16 : index
        %get3A_1618 = tpu.vector_load %arg9[%get3A_1616, %get3A_1617] {strides = array<i32>} : memref<26x128xi32, #tpu.memory_space<vmem>>, vector<16xi32>,
        %gather3A_1619 = tpu.vector_load_idx %arg8[%get3A_1618] : memref<6144xi32, #tpu.memory_space<vmem>>[vector<16xi32>], vector<16xi32>,
        %add3A_1620 = arith.addi %add3A_1614, %add3A_1614 : vector<16xi32>
        %add3A_1621 = arith.addi %add3A_1620, %gather3A_1619 : vector<16xi32>
        %mul3A_1622 = arith.constant 128 : i32
        %mul3A_1623 = arith.muli %arg1, %mul3A_1622 : i32
        %add3A_1624 = arith.constant 16 : i32
        %add3A_1625 = arith.addi %mul3A_1623, %add3A_1624 : i32
        %add3A_1626 = vector.broadcast %add3A_1625 : i32 to vector<16xi32>
        %add3A_1627 = arith.addi %add3A_1626, %iota3A : vector<16xi32>
        %shift_right_arithmetic3A_1628 = arith.constant 3 : i32
        %shift_right_arithmetic3A_1629 = vector.broadcast %shift_right_arithmetic3A_1628 : i32 to vector<16xi32>
        %shift_right_arithmetic3A_1630 = arith.shrsi %add3A_1627, %shift_right_arithmetic3A_1629 : vector<16xi32>
        %shift_left3A_1631 = arith.constant 16 : i32
        %shift_left3A_1632 = vector.broadcast %shift_left3A_1631 : i32 to vector<16xi32>
        %shift_left3A_1633 = arith.shli %shift_right_arithmetic3A_1630, %shift_left3A_1632 : vector<16xi32>
        %shift_right_arithmetic3A_1634 = arith.constant 7 : i32
        %shift_right_arithmetic3A_1635 = vector.broadcast %shift_right_arithmetic3A_1634 : i32 to vector<16xi32>
        %shift_right_arithmetic3A_1636 = arith.shrsi %add3A_1621, %shift_right_arithmetic3A_1635 : vector<16xi32>
        %shift_left3A_1637 = arith.constant 10 : i32
        %shift_left3A_1638 = vector.broadcast %shift_left3A_1637 : i32 to vector<16xi32>
        %shift_left3A_1639 = arith.shli %shift_right_arithmetic3A_1636, %shift_left3A_1638 : vector<16xi32>
        %add3A_1640 = arith.addi %shift_left3A_1633, %shift_left3A_1639 : vector<16xi32>
        %and3A_1641 = arith.constant 7 : i32
        %and3A_1642 = vector.broadcast %and3A_1641 : i32 to vector<16xi32>
        %and3A_1643 = arith.andi %add3A_1627, %and3A_1642 : vector<16xi32>
        %shift_left3A_1644 = arith.constant 7 : i32
        %shift_left3A_1645 = vector.broadcast %shift_left3A_1644 : i32 to vector<16xi32>
        %shift_left3A_1646 = arith.shli %and3A_1643, %shift_left3A_1645 : vector<16xi32>
        %add3A_1647 = arith.addi %add3A_1640, %shift_left3A_1646 : vector<16xi32>
        %and3A_1648 = arith.constant 127 : i32
        %and3A_1649 = vector.broadcast %and3A_1648 : i32 to vector<16xi32>
        %and3A_1650 = arith.andi %add3A_1621, %and3A_1649 : vector<16xi32>
        %add3A_1651 = arith.addi %add3A_1647, %and3A_1650 : vector<16xi32>
        %swap3A_1652 = arith.constant 16 : index
        %swap3A_1653 = tpu.vector_load %arg10[%swap3A_1652] {strides = array<i32>} : memref<64xi32, #tpu.memory_space<vmem>>, vector<16xi32>,
        tpu.vector_store %arg10[%swap3A_1652], %add3A_1651 {strides = array<i32>} : memref<64xi32, #tpu.memory_space<vmem>>, vector<16xi32>,
        %broadcast_in_dim3A_1654 = arith.constant 0 : i32
        %broadcast_in_dim3A_1655 = vector.broadcast %broadcast_in_dim3A_1654 : i32 to vector<16xi32>
        %get3A_1656 = arith.constant 13 : i32
        %get3A_1657 = arith.index_cast %get3A_1656 : i32 to index
        %get3A_1658 = arith.constant 32 : index
        %get3A_1659 = tpu.vector_load %arg9[%get3A_1657, %get3A_1658] {strides = array<i32>} : memref<26x128xi32, #tpu.memory_space<vmem>>, vector<16xi32>,
        %gather3A_1660 = tpu.vector_load_idx %arg8[%get3A_1659] : memref<6144xi32, #tpu.memory_space<vmem>>[vector<16xi32>], vector<16xi32>,
        %add3A_1661 = arith.addi %broadcast_in_dim3A_1655, %broadcast_in_dim3A_1655 : vector<16xi32>
        %add3A_1662 = arith.addi %add3A_1661, %gather3A_1660 : vector<16xi32>
        %get3A_1663 = arith.constant 14 : i32
        %get3A_1664 = arith.index_cast %get3A_1663 : i32 to index
        %get3A_1665 = arith.constant 32 : index
        %get3A_1666 = tpu.vector_load %arg9[%get3A_1664, %get3A_1665] {strides = array<i32>} : memref<26x128xi32, #tpu.memory_space<vmem>>, vector<16xi32>,
        %gather3A_1667 = tpu.vector_load_idx %arg8[%get3A_1666] : memref<6144xi32, #tpu.memory_space<vmem>>[vector<16xi32>], vector<16xi32>,
        %add3A_1668 = arith.addi %add3A_1662, %add3A_1662 : vector<16xi32>
        %add3A_1669 = arith.addi %add3A_1668, %gather3A_1667 : vector<16xi32>
        %get3A_1670 = arith.constant 15 : i32
        %get3A_1671 = arith.index_cast %get3A_1670 : i32 to index
        %get3A_1672 = arith.constant 32 : index
        %get3A_1673 = tpu.vector_load %arg9[%get3A_1671, %get3A_1672] {strides = array<i32>} : memref<26x128xi32, #tpu.memory_space<vmem>>, vector<16xi32>,
        %gather3A_1674 = tpu.vector_load_idx %arg8[%get3A_1673] : memref<6144xi32, #tpu.memory_space<vmem>>[vector<16xi32>], vector<16xi32>,
        %add3A_1675 = arith.addi %add3A_1669, %add3A_1669 : vector<16xi32>
        %add3A_1676 = arith.addi %add3A_1675, %gather3A_1674 : vector<16xi32>
        %get3A_1677 = arith.constant 16 : i32
        %get3A_1678 = arith.index_cast %get3A_1677 : i32 to index
        %get3A_1679 = arith.constant 32 : index
        %get3A_1680 = tpu.vector_load %arg9[%get3A_1678, %get3A_1679] {strides = array<i32>} : memref<26x128xi32, #tpu.memory_space<vmem>>, vector<16xi32>,
        %gather3A_1681 = tpu.vector_load_idx %arg8[%get3A_1680] : memref<6144xi32, #tpu.memory_space<vmem>>[vector<16xi32>], vector<16xi32>,
        %add3A_1682 = arith.addi %add3A_1676, %add3A_1676 : vector<16xi32>
        %add3A_1683 = arith.addi %add3A_1682, %gather3A_1681 : vector<16xi32>
        %get3A_1684 = arith.constant 17 : i32
        %get3A_1685 = arith.index_cast %get3A_1684 : i32 to index
        %get3A_1686 = arith.constant 32 : index
        %get3A_1687 = tpu.vector_load %arg9[%get3A_1685, %get3A_1686] {strides = array<i32>} : memref<26x128xi32, #tpu.memory_space<vmem>>, vector<16xi32>,
        %gather3A_1688 = tpu.vector_load_idx %arg8[%get3A_1687] : memref<6144xi32, #tpu.memory_space<vmem>>[vector<16xi32>], vector<16xi32>,
        %add3A_1689 = arith.addi %add3A_1683, %add3A_1683 : vector<16xi32>
        %add3A_1690 = arith.addi %add3A_1689, %gather3A_1688 : vector<16xi32>
        %get3A_1691 = arith.constant 18 : i32
        %get3A_1692 = arith.index_cast %get3A_1691 : i32 to index
        %get3A_1693 = arith.constant 32 : index
        %get3A_1694 = tpu.vector_load %arg9[%get3A_1692, %get3A_1693] {strides = array<i32>} : memref<26x128xi32, #tpu.memory_space<vmem>>, vector<16xi32>,
        %gather3A_1695 = tpu.vector_load_idx %arg8[%get3A_1694] : memref<6144xi32, #tpu.memory_space<vmem>>[vector<16xi32>], vector<16xi32>,
        %add3A_1696 = arith.addi %add3A_1690, %add3A_1690 : vector<16xi32>
        %add3A_1697 = arith.addi %add3A_1696, %gather3A_1695 : vector<16xi32>
        %get3A_1698 = arith.constant 19 : i32
        %get3A_1699 = arith.index_cast %get3A_1698 : i32 to index
        %get3A_1700 = arith.constant 32 : index
        %get3A_1701 = tpu.vector_load %arg9[%get3A_1699, %get3A_1700] {strides = array<i32>} : memref<26x128xi32, #tpu.memory_space<vmem>>, vector<16xi32>,
        %gather3A_1702 = tpu.vector_load_idx %arg8[%get3A_1701] : memref<6144xi32, #tpu.memory_space<vmem>>[vector<16xi32>], vector<16xi32>,
        %add3A_1703 = arith.addi %add3A_1697, %add3A_1697 : vector<16xi32>
        %add3A_1704 = arith.addi %add3A_1703, %gather3A_1702 : vector<16xi32>
        %get3A_1705 = arith.constant 20 : i32
        %get3A_1706 = arith.index_cast %get3A_1705 : i32 to index
        %get3A_1707 = arith.constant 32 : index
        %get3A_1708 = tpu.vector_load %arg9[%get3A_1706, %get3A_1707] {strides = array<i32>} : memref<26x128xi32, #tpu.memory_space<vmem>>, vector<16xi32>,
        %gather3A_1709 = tpu.vector_load_idx %arg8[%get3A_1708] : memref<6144xi32, #tpu.memory_space<vmem>>[vector<16xi32>], vector<16xi32>,
        %add3A_1710 = arith.addi %add3A_1704, %add3A_1704 : vector<16xi32>
        %add3A_1711 = arith.addi %add3A_1710, %gather3A_1709 : vector<16xi32>
        %get3A_1712 = arith.constant 21 : i32
        %get3A_1713 = arith.index_cast %get3A_1712 : i32 to index
        %get3A_1714 = arith.constant 32 : index
        %get3A_1715 = tpu.vector_load %arg9[%get3A_1713, %get3A_1714] {strides = array<i32>} : memref<26x128xi32, #tpu.memory_space<vmem>>, vector<16xi32>,
        %gather3A_1716 = tpu.vector_load_idx %arg8[%get3A_1715] : memref<6144xi32, #tpu.memory_space<vmem>>[vector<16xi32>], vector<16xi32>,
        %add3A_1717 = arith.addi %add3A_1711, %add3A_1711 : vector<16xi32>
        %add3A_1718 = arith.addi %add3A_1717, %gather3A_1716 : vector<16xi32>
        %get3A_1719 = arith.constant 22 : i32
        %get3A_1720 = arith.index_cast %get3A_1719 : i32 to index
        %get3A_1721 = arith.constant 32 : index
        %get3A_1722 = tpu.vector_load %arg9[%get3A_1720, %get3A_1721] {strides = array<i32>} : memref<26x128xi32, #tpu.memory_space<vmem>>, vector<16xi32>,
        %gather3A_1723 = tpu.vector_load_idx %arg8[%get3A_1722] : memref<6144xi32, #tpu.memory_space<vmem>>[vector<16xi32>], vector<16xi32>,
        %add3A_1724 = arith.addi %add3A_1718, %add3A_1718 : vector<16xi32>
        %add3A_1725 = arith.addi %add3A_1724, %gather3A_1723 : vector<16xi32>
        %get3A_1726 = arith.constant 23 : i32
        %get3A_1727 = arith.index_cast %get3A_1726 : i32 to index
        %get3A_1728 = arith.constant 32 : index
        %get3A_1729 = tpu.vector_load %arg9[%get3A_1727, %get3A_1728] {strides = array<i32>} : memref<26x128xi32, #tpu.memory_space<vmem>>, vector<16xi32>,
        %gather3A_1730 = tpu.vector_load_idx %arg8[%get3A_1729] : memref<6144xi32, #tpu.memory_space<vmem>>[vector<16xi32>], vector<16xi32>,
        %add3A_1731 = arith.addi %add3A_1725, %add3A_1725 : vector<16xi32>
        %add3A_1732 = arith.addi %add3A_1731, %gather3A_1730 : vector<16xi32>
        %get3A_1733 = arith.constant 24 : i32
        %get3A_1734 = arith.index_cast %get3A_1733 : i32 to index
        %get3A_1735 = arith.constant 32 : index
        %get3A_1736 = tpu.vector_load %arg9[%get3A_1734, %get3A_1735] {strides = array<i32>} : memref<26x128xi32, #tpu.memory_space<vmem>>, vector<16xi32>,
        %gather3A_1737 = tpu.vector_load_idx %arg8[%get3A_1736] : memref<6144xi32, #tpu.memory_space<vmem>>[vector<16xi32>], vector<16xi32>,
        %add3A_1738 = arith.addi %add3A_1732, %add3A_1732 : vector<16xi32>
        %add3A_1739 = arith.addi %add3A_1738, %gather3A_1737 : vector<16xi32>
        %get3A_1740 = arith.constant 25 : i32
        %get3A_1741 = arith.index_cast %get3A_1740 : i32 to index
        %get3A_1742 = arith.constant 32 : index
        %get3A_1743 = tpu.vector_load %arg9[%get3A_1741, %get3A_1742] {strides = array<i32>} : memref<26x128xi32, #tpu.memory_space<vmem>>, vector<16xi32>,
        %gather3A_1744 = tpu.vector_load_idx %arg8[%get3A_1743] : memref<6144xi32, #tpu.memory_space<vmem>>[vector<16xi32>], vector<16xi32>,
        %add3A_1745 = arith.addi %add3A_1739, %add3A_1739 : vector<16xi32>
        %add3A_1746 = arith.addi %add3A_1745, %gather3A_1744 : vector<16xi32>
        %mul3A_1747 = arith.constant 128 : i32
        %mul3A_1748 = arith.muli %arg1, %mul3A_1747 : i32
        %add3A_1749 = arith.constant 32 : i32
        %add3A_1750 = arith.addi %mul3A_1748, %add3A_1749 : i32
        %add3A_1751 = vector.broadcast %add3A_1750 : i32 to vector<16xi32>
        %add3A_1752 = arith.addi %add3A_1751, %iota3A : vector<16xi32>
        %shift_right_arithmetic3A_1753 = arith.constant 3 : i32
        %shift_right_arithmetic3A_1754 = vector.broadcast %shift_right_arithmetic3A_1753 : i32 to vector<16xi32>
        %shift_right_arithmetic3A_1755 = arith.shrsi %add3A_1752, %shift_right_arithmetic3A_1754 : vector<16xi32>
        %shift_left3A_1756 = arith.constant 16 : i32
        %shift_left3A_1757 = vector.broadcast %shift_left3A_1756 : i32 to vector<16xi32>
        %shift_left3A_1758 = arith.shli %shift_right_arithmetic3A_1755, %shift_left3A_1757 : vector<16xi32>
        %shift_right_arithmetic3A_1759 = arith.constant 7 : i32
        %shift_right_arithmetic3A_1760 = vector.broadcast %shift_right_arithmetic3A_1759 : i32 to vector<16xi32>
        %shift_right_arithmetic3A_1761 = arith.shrsi %add3A_1746, %shift_right_arithmetic3A_1760 : vector<16xi32>
        %shift_left3A_1762 = arith.constant 10 : i32
        %shift_left3A_1763 = vector.broadcast %shift_left3A_1762 : i32 to vector<16xi32>
        %shift_left3A_1764 = arith.shli %shift_right_arithmetic3A_1761, %shift_left3A_1763 : vector<16xi32>
        %add3A_1765 = arith.addi %shift_left3A_1758, %shift_left3A_1764 : vector<16xi32>
        %and3A_1766 = arith.constant 7 : i32
        %and3A_1767 = vector.broadcast %and3A_1766 : i32 to vector<16xi32>
        %and3A_1768 = arith.andi %add3A_1752, %and3A_1767 : vector<16xi32>
        %shift_left3A_1769 = arith.constant 7 : i32
        %shift_left3A_1770 = vector.broadcast %shift_left3A_1769 : i32 to vector<16xi32>
        %shift_left3A_1771 = arith.shli %and3A_1768, %shift_left3A_1770 : vector<16xi32>
        %add3A_1772 = arith.addi %add3A_1765, %shift_left3A_1771 : vector<16xi32>
        %and3A_1773 = arith.constant 127 : i32
        %and3A_1774 = vector.broadcast %and3A_1773 : i32 to vector<16xi32>
        %and3A_1775 = arith.andi %add3A_1746, %and3A_1774 : vector<16xi32>
        %add3A_1776 = arith.addi %add3A_1772, %and3A_1775 : vector<16xi32>
        %swap3A_1777 = arith.constant 32 : index
        %swap3A_1778 = tpu.vector_load %arg10[%swap3A_1777] {strides = array<i32>} : memref<64xi32, #tpu.memory_space<vmem>>, vector<16xi32>,
        tpu.vector_store %arg10[%swap3A_1777], %add3A_1776 {strides = array<i32>} : memref<64xi32, #tpu.memory_space<vmem>>, vector<16xi32>,
        %broadcast_in_dim3A_1779 = arith.constant 0 : i32
        %broadcast_in_dim3A_1780 = vector.broadcast %broadcast_in_dim3A_1779 : i32 to vector<16xi32>
        %get3A_1781 = arith.constant 13 : i32
        %get3A_1782 = arith.index_cast %get3A_1781 : i32 to index
        %get3A_1783 = arith.constant 48 : index
        %get3A_1784 = tpu.vector_load %arg9[%get3A_1782, %get3A_1783] {strides = array<i32>} : memref<26x128xi32, #tpu.memory_space<vmem>>, vector<16xi32>,
        %gather3A_1785 = tpu.vector_load_idx %arg8[%get3A_1784] : memref<6144xi32, #tpu.memory_space<vmem>>[vector<16xi32>], vector<16xi32>,
        %add3A_1786 = arith.addi %broadcast_in_dim3A_1780, %broadcast_in_dim3A_1780 : vector<16xi32>
        %add3A_1787 = arith.addi %add3A_1786, %gather3A_1785 : vector<16xi32>
        %get3A_1788 = arith.constant 14 : i32
        %get3A_1789 = arith.index_cast %get3A_1788 : i32 to index
        %get3A_1790 = arith.constant 48 : index
        %get3A_1791 = tpu.vector_load %arg9[%get3A_1789, %get3A_1790] {strides = array<i32>} : memref<26x128xi32, #tpu.memory_space<vmem>>, vector<16xi32>,
        %gather3A_1792 = tpu.vector_load_idx %arg8[%get3A_1791] : memref<6144xi32, #tpu.memory_space<vmem>>[vector<16xi32>], vector<16xi32>,
        %add3A_1793 = arith.addi %add3A_1787, %add3A_1787 : vector<16xi32>
        %add3A_1794 = arith.addi %add3A_1793, %gather3A_1792 : vector<16xi32>
        %get3A_1795 = arith.constant 15 : i32
        %get3A_1796 = arith.index_cast %get3A_1795 : i32 to index
        %get3A_1797 = arith.constant 48 : index
        %get3A_1798 = tpu.vector_load %arg9[%get3A_1796, %get3A_1797] {strides = array<i32>} : memref<26x128xi32, #tpu.memory_space<vmem>>, vector<16xi32>,
        %gather3A_1799 = tpu.vector_load_idx %arg8[%get3A_1798] : memref<6144xi32, #tpu.memory_space<vmem>>[vector<16xi32>], vector<16xi32>,
        %add3A_1800 = arith.addi %add3A_1794, %add3A_1794 : vector<16xi32>
        %add3A_1801 = arith.addi %add3A_1800, %gather3A_1799 : vector<16xi32>
        %get3A_1802 = arith.constant 16 : i32
        %get3A_1803 = arith.index_cast %get3A_1802 : i32 to index
        %get3A_1804 = arith.constant 48 : index
        %get3A_1805 = tpu.vector_load %arg9[%get3A_1803, %get3A_1804] {strides = array<i32>} : memref<26x128xi32, #tpu.memory_space<vmem>>, vector<16xi32>,
        %gather3A_1806 = tpu.vector_load_idx %arg8[%get3A_1805] : memref<6144xi32, #tpu.memory_space<vmem>>[vector<16xi32>], vector<16xi32>,
        %add3A_1807 = arith.addi %add3A_1801, %add3A_1801 : vector<16xi32>
        %add3A_1808 = arith.addi %add3A_1807, %gather3A_1806 : vector<16xi32>
        %get3A_1809 = arith.constant 17 : i32
        %get3A_1810 = arith.index_cast %get3A_1809 : i32 to index
        %get3A_1811 = arith.constant 48 : index
        %get3A_1812 = tpu.vector_load %arg9[%get3A_1810, %get3A_1811] {strides = array<i32>} : memref<26x128xi32, #tpu.memory_space<vmem>>, vector<16xi32>,
        %gather3A_1813 = tpu.vector_load_idx %arg8[%get3A_1812] : memref<6144xi32, #tpu.memory_space<vmem>>[vector<16xi32>], vector<16xi32>,
        %add3A_1814 = arith.addi %add3A_1808, %add3A_1808 : vector<16xi32>
        %add3A_1815 = arith.addi %add3A_1814, %gather3A_1813 : vector<16xi32>
        %get3A_1816 = arith.constant 18 : i32
        %get3A_1817 = arith.index_cast %get3A_1816 : i32 to index
        %get3A_1818 = arith.constant 48 : index
        %get3A_1819 = tpu.vector_load %arg9[%get3A_1817, %get3A_1818] {strides = array<i32>} : memref<26x128xi32, #tpu.memory_space<vmem>>, vector<16xi32>,
        %gather3A_1820 = tpu.vector_load_idx %arg8[%get3A_1819] : memref<6144xi32, #tpu.memory_space<vmem>>[vector<16xi32>], vector<16xi32>,
        %add3A_1821 = arith.addi %add3A_1815, %add3A_1815 : vector<16xi32>
        %add3A_1822 = arith.addi %add3A_1821, %gather3A_1820 : vector<16xi32>
        %get3A_1823 = arith.constant 19 : i32
        %get3A_1824 = arith.index_cast %get3A_1823 : i32 to index
        %get3A_1825 = arith.constant 48 : index
        %get3A_1826 = tpu.vector_load %arg9[%get3A_1824, %get3A_1825] {strides = array<i32>} : memref<26x128xi32, #tpu.memory_space<vmem>>, vector<16xi32>,
        %gather3A_1827 = tpu.vector_load_idx %arg8[%get3A_1826] : memref<6144xi32, #tpu.memory_space<vmem>>[vector<16xi32>], vector<16xi32>,
        %add3A_1828 = arith.addi %add3A_1822, %add3A_1822 : vector<16xi32>
        %add3A_1829 = arith.addi %add3A_1828, %gather3A_1827 : vector<16xi32>
        %get3A_1830 = arith.constant 20 : i32
        %get3A_1831 = arith.index_cast %get3A_1830 : i32 to index
        %get3A_1832 = arith.constant 48 : index
        %get3A_1833 = tpu.vector_load %arg9[%get3A_1831, %get3A_1832] {strides = array<i32>} : memref<26x128xi32, #tpu.memory_space<vmem>>, vector<16xi32>,
        %gather3A_1834 = tpu.vector_load_idx %arg8[%get3A_1833] : memref<6144xi32, #tpu.memory_space<vmem>>[vector<16xi32>], vector<16xi32>,
        %add3A_1835 = arith.addi %add3A_1829, %add3A_1829 : vector<16xi32>
        %add3A_1836 = arith.addi %add3A_1835, %gather3A_1834 : vector<16xi32>
        %get3A_1837 = arith.constant 21 : i32
        %get3A_1838 = arith.index_cast %get3A_1837 : i32 to index
        %get3A_1839 = arith.constant 48 : index
        %get3A_1840 = tpu.vector_load %arg9[%get3A_1838, %get3A_1839] {strides = array<i32>} : memref<26x128xi32, #tpu.memory_space<vmem>>, vector<16xi32>,
        %gather3A_1841 = tpu.vector_load_idx %arg8[%get3A_1840] : memref<6144xi32, #tpu.memory_space<vmem>>[vector<16xi32>], vector<16xi32>,
        %add3A_1842 = arith.addi %add3A_1836, %add3A_1836 : vector<16xi32>
        %add3A_1843 = arith.addi %add3A_1842, %gather3A_1841 : vector<16xi32>
        %get3A_1844 = arith.constant 22 : i32
        %get3A_1845 = arith.index_cast %get3A_1844 : i32 to index
        %get3A_1846 = arith.constant 48 : index
        %get3A_1847 = tpu.vector_load %arg9[%get3A_1845, %get3A_1846] {strides = array<i32>} : memref<26x128xi32, #tpu.memory_space<vmem>>, vector<16xi32>,
        %gather3A_1848 = tpu.vector_load_idx %arg8[%get3A_1847] : memref<6144xi32, #tpu.memory_space<vmem>>[vector<16xi32>], vector<16xi32>,
        %add3A_1849 = arith.addi %add3A_1843, %add3A_1843 : vector<16xi32>
        %add3A_1850 = arith.addi %add3A_1849, %gather3A_1848 : vector<16xi32>
        %get3A_1851 = arith.constant 23 : i32
        %get3A_1852 = arith.index_cast %get3A_1851 : i32 to index
        %get3A_1853 = arith.constant 48 : index
        %get3A_1854 = tpu.vector_load %arg9[%get3A_1852, %get3A_1853] {strides = array<i32>} : memref<26x128xi32, #tpu.memory_space<vmem>>, vector<16xi32>,
        %gather3A_1855 = tpu.vector_load_idx %arg8[%get3A_1854] : memref<6144xi32, #tpu.memory_space<vmem>>[vector<16xi32>], vector<16xi32>,
        %add3A_1856 = arith.addi %add3A_1850, %add3A_1850 : vector<16xi32>
        %add3A_1857 = arith.addi %add3A_1856, %gather3A_1855 : vector<16xi32>
        %get3A_1858 = arith.constant 24 : i32
        %get3A_1859 = arith.index_cast %get3A_1858 : i32 to index
        %get3A_1860 = arith.constant 48 : index
        %get3A_1861 = tpu.vector_load %arg9[%get3A_1859, %get3A_1860] {strides = array<i32>} : memref<26x128xi32, #tpu.memory_space<vmem>>, vector<16xi32>,
        %gather3A_1862 = tpu.vector_load_idx %arg8[%get3A_1861] : memref<6144xi32, #tpu.memory_space<vmem>>[vector<16xi32>], vector<16xi32>,
        %add3A_1863 = arith.addi %add3A_1857, %add3A_1857 : vector<16xi32>
        %add3A_1864 = arith.addi %add3A_1863, %gather3A_1862 : vector<16xi32>
        %get3A_1865 = arith.constant 25 : i32
        %get3A_1866 = arith.index_cast %get3A_1865 : i32 to index
        %get3A_1867 = arith.constant 48 : index
        %get3A_1868 = tpu.vector_load %arg9[%get3A_1866, %get3A_1867] {strides = array<i32>} : memref<26x128xi32, #tpu.memory_space<vmem>>, vector<16xi32>,
        %gather3A_1869 = tpu.vector_load_idx %arg8[%get3A_1868] : memref<6144xi32, #tpu.memory_space<vmem>>[vector<16xi32>], vector<16xi32>,
        %add3A_1870 = arith.addi %add3A_1864, %add3A_1864 : vector<16xi32>
        %add3A_1871 = arith.addi %add3A_1870, %gather3A_1869 : vector<16xi32>
        %mul3A_1872 = arith.constant 128 : i32
        %mul3A_1873 = arith.muli %arg1, %mul3A_1872 : i32
        %add3A_1874 = arith.constant 48 : i32
        %add3A_1875 = arith.addi %mul3A_1873, %add3A_1874 : i32
        %add3A_1876 = vector.broadcast %add3A_1875 : i32 to vector<16xi32>
        %add3A_1877 = arith.addi %add3A_1876, %iota3A : vector<16xi32>
        %shift_right_arithmetic3A_1878 = arith.constant 3 : i32
        %shift_right_arithmetic3A_1879 = vector.broadcast %shift_right_arithmetic3A_1878 : i32 to vector<16xi32>
        %shift_right_arithmetic3A_1880 = arith.shrsi %add3A_1877, %shift_right_arithmetic3A_1879 : vector<16xi32>
        %shift_left3A_1881 = arith.constant 16 : i32
        %shift_left3A_1882 = vector.broadcast %shift_left3A_1881 : i32 to vector<16xi32>
        %shift_left3A_1883 = arith.shli %shift_right_arithmetic3A_1880, %shift_left3A_1882 : vector<16xi32>
        %shift_right_arithmetic3A_1884 = arith.constant 7 : i32
        %shift_right_arithmetic3A_1885 = vector.broadcast %shift_right_arithmetic3A_1884 : i32 to vector<16xi32>
        %shift_right_arithmetic3A_1886 = arith.shrsi %add3A_1871, %shift_right_arithmetic3A_1885 : vector<16xi32>
        %shift_left3A_1887 = arith.constant 10 : i32
        %shift_left3A_1888 = vector.broadcast %shift_left3A_1887 : i32 to vector<16xi32>
        %shift_left3A_1889 = arith.shli %shift_right_arithmetic3A_1886, %shift_left3A_1888 : vector<16xi32>
        %add3A_1890 = arith.addi %shift_left3A_1883, %shift_left3A_1889 : vector<16xi32>
        %and3A_1891 = arith.constant 7 : i32
        %and3A_1892 = vector.broadcast %and3A_1891 : i32 to vector<16xi32>
        %and3A_1893 = arith.andi %add3A_1877, %and3A_1892 : vector<16xi32>
        %shift_left3A_1894 = arith.constant 7 : i32
        %shift_left3A_1895 = vector.broadcast %shift_left3A_1894 : i32 to vector<16xi32>
        %shift_left3A_1896 = arith.shli %and3A_1893, %shift_left3A_1895 : vector<16xi32>
        %add3A_1897 = arith.addi %add3A_1890, %shift_left3A_1896 : vector<16xi32>
        %and3A_1898 = arith.constant 127 : i32
        %and3A_1899 = vector.broadcast %and3A_1898 : i32 to vector<16xi32>
        %and3A_1900 = arith.andi %add3A_1871, %and3A_1899 : vector<16xi32>
        %add3A_1901 = arith.addi %add3A_1897, %and3A_1900 : vector<16xi32>
        %swap3A_1902 = arith.constant 48 : index
        %swap3A_1903 = tpu.vector_load %arg10[%swap3A_1902] {strides = array<i32>} : memref<64xi32, #tpu.memory_space<vmem>>, vector<16xi32>,
        tpu.vector_store %arg10[%swap3A_1902], %add3A_1901 {strides = array<i32>} : memref<64xi32, #tpu.memory_space<vmem>>, vector<16xi32>,
        %dma_start3A_1904 = arith.constant 0 : i32
        %dma_start3A_1905 = tpu.memref_slice %arg4[%dma_start3A_1904] : memref<16777216xf32, #tpu.memory_space<hbm>> -> memref<16777216xf32, #tpu.memory_space<hbm>>
        tpu.enqueue_indirect_dma source(%dma_start3A_1905 : memref<16777216xf32, #tpu.memory_space<hbm>>) target(%arg15 : memref<64xf32, #tpu.memory_space<vmem>>) offsets(%arg10 : memref<64xi32, #tpu.memory_space<vmem>>) semaphore(%arg21 : memref<!tpu.dma_semaphore, #tpu.memory_space<semaphore_mem>>)
        %broadcast_in_dim3A_1906 = arith.constant 0 : i32
        %broadcast_in_dim3A_1907 = vector.broadcast %broadcast_in_dim3A_1906 : i32 to vector<16xi32>
        %get3A_1908 = arith.constant 13 : i32
        %get3A_1909 = arith.index_cast %get3A_1908 : i32 to index
        %get3A_1910 = arith.constant 64 : index
        %get3A_1911 = tpu.vector_load %arg9[%get3A_1909, %get3A_1910] {strides = array<i32>} : memref<26x128xi32, #tpu.memory_space<vmem>>, vector<16xi32>,
        %gather3A_1912 = tpu.vector_load_idx %arg8[%get3A_1911] : memref<6144xi32, #tpu.memory_space<vmem>>[vector<16xi32>], vector<16xi32>,
        %add3A_1913 = arith.addi %broadcast_in_dim3A_1907, %broadcast_in_dim3A_1907 : vector<16xi32>
        %add3A_1914 = arith.addi %add3A_1913, %gather3A_1912 : vector<16xi32>
        %get3A_1915 = arith.constant 14 : i32
        %get3A_1916 = arith.index_cast %get3A_1915 : i32 to index
        %get3A_1917 = arith.constant 64 : index
        %get3A_1918 = tpu.vector_load %arg9[%get3A_1916, %get3A_1917] {strides = array<i32>} : memref<26x128xi32, #tpu.memory_space<vmem>>, vector<16xi32>,
        %gather3A_1919 = tpu.vector_load_idx %arg8[%get3A_1918] : memref<6144xi32, #tpu.memory_space<vmem>>[vector<16xi32>], vector<16xi32>,
        %add3A_1920 = arith.addi %add3A_1914, %add3A_1914 : vector<16xi32>
        %add3A_1921 = arith.addi %add3A_1920, %gather3A_1919 : vector<16xi32>
        %get3A_1922 = arith.constant 15 : i32
        %get3A_1923 = arith.index_cast %get3A_1922 : i32 to index
        %get3A_1924 = arith.constant 64 : index
        %get3A_1925 = tpu.vector_load %arg9[%get3A_1923, %get3A_1924] {strides = array<i32>} : memref<26x128xi32, #tpu.memory_space<vmem>>, vector<16xi32>,
        %gather3A_1926 = tpu.vector_load_idx %arg8[%get3A_1925] : memref<6144xi32, #tpu.memory_space<vmem>>[vector<16xi32>], vector<16xi32>,
        %add3A_1927 = arith.addi %add3A_1921, %add3A_1921 : vector<16xi32>
        %add3A_1928 = arith.addi %add3A_1927, %gather3A_1926 : vector<16xi32>
        %get3A_1929 = arith.constant 16 : i32
        %get3A_1930 = arith.index_cast %get3A_1929 : i32 to index
        %get3A_1931 = arith.constant 64 : index
        %get3A_1932 = tpu.vector_load %arg9[%get3A_1930, %get3A_1931] {strides = array<i32>} : memref<26x128xi32, #tpu.memory_space<vmem>>, vector<16xi32>,
        %gather3A_1933 = tpu.vector_load_idx %arg8[%get3A_1932] : memref<6144xi32, #tpu.memory_space<vmem>>[vector<16xi32>], vector<16xi32>,
        %add3A_1934 = arith.addi %add3A_1928, %add3A_1928 : vector<16xi32>
        %add3A_1935 = arith.addi %add3A_1934, %gather3A_1933 : vector<16xi32>
        %get3A_1936 = arith.constant 17 : i32
        %get3A_1937 = arith.index_cast %get3A_1936 : i32 to index
        %get3A_1938 = arith.constant 64 : index
        %get3A_1939 = tpu.vector_load %arg9[%get3A_1937, %get3A_1938] {strides = array<i32>} : memref<26x128xi32, #tpu.memory_space<vmem>>, vector<16xi32>,
        %gather3A_1940 = tpu.vector_load_idx %arg8[%get3A_1939] : memref<6144xi32, #tpu.memory_space<vmem>>[vector<16xi32>], vector<16xi32>,
        %add3A_1941 = arith.addi %add3A_1935, %add3A_1935 : vector<16xi32>
        %add3A_1942 = arith.addi %add3A_1941, %gather3A_1940 : vector<16xi32>
        %get3A_1943 = arith.constant 18 : i32
        %get3A_1944 = arith.index_cast %get3A_1943 : i32 to index
        %get3A_1945 = arith.constant 64 : index
        %get3A_1946 = tpu.vector_load %arg9[%get3A_1944, %get3A_1945] {strides = array<i32>} : memref<26x128xi32, #tpu.memory_space<vmem>>, vector<16xi32>,
        %gather3A_1947 = tpu.vector_load_idx %arg8[%get3A_1946] : memref<6144xi32, #tpu.memory_space<vmem>>[vector<16xi32>], vector<16xi32>,
        %add3A_1948 = arith.addi %add3A_1942, %add3A_1942 : vector<16xi32>
        %add3A_1949 = arith.addi %add3A_1948, %gather3A_1947 : vector<16xi32>
        %get3A_1950 = arith.constant 19 : i32
        %get3A_1951 = arith.index_cast %get3A_1950 : i32 to index
        %get3A_1952 = arith.constant 64 : index
        %get3A_1953 = tpu.vector_load %arg9[%get3A_1951, %get3A_1952] {strides = array<i32>} : memref<26x128xi32, #tpu.memory_space<vmem>>, vector<16xi32>,
        %gather3A_1954 = tpu.vector_load_idx %arg8[%get3A_1953] : memref<6144xi32, #tpu.memory_space<vmem>>[vector<16xi32>], vector<16xi32>,
        %add3A_1955 = arith.addi %add3A_1949, %add3A_1949 : vector<16xi32>
        %add3A_1956 = arith.addi %add3A_1955, %gather3A_1954 : vector<16xi32>
        %get3A_1957 = arith.constant 20 : i32
        %get3A_1958 = arith.index_cast %get3A_1957 : i32 to index
        %get3A_1959 = arith.constant 64 : index
        %get3A_1960 = tpu.vector_load %arg9[%get3A_1958, %get3A_1959] {strides = array<i32>} : memref<26x128xi32, #tpu.memory_space<vmem>>, vector<16xi32>,
        %gather3A_1961 = tpu.vector_load_idx %arg8[%get3A_1960] : memref<6144xi32, #tpu.memory_space<vmem>>[vector<16xi32>], vector<16xi32>,
        %add3A_1962 = arith.addi %add3A_1956, %add3A_1956 : vector<16xi32>
        %add3A_1963 = arith.addi %add3A_1962, %gather3A_1961 : vector<16xi32>
        %get3A_1964 = arith.constant 21 : i32
        %get3A_1965 = arith.index_cast %get3A_1964 : i32 to index
        %get3A_1966 = arith.constant 64 : index
        %get3A_1967 = tpu.vector_load %arg9[%get3A_1965, %get3A_1966] {strides = array<i32>} : memref<26x128xi32, #tpu.memory_space<vmem>>, vector<16xi32>,
        %gather3A_1968 = tpu.vector_load_idx %arg8[%get3A_1967] : memref<6144xi32, #tpu.memory_space<vmem>>[vector<16xi32>], vector<16xi32>,
        %add3A_1969 = arith.addi %add3A_1963, %add3A_1963 : vector<16xi32>
        %add3A_1970 = arith.addi %add3A_1969, %gather3A_1968 : vector<16xi32>
        %get3A_1971 = arith.constant 22 : i32
        %get3A_1972 = arith.index_cast %get3A_1971 : i32 to index
        %get3A_1973 = arith.constant 64 : index
        %get3A_1974 = tpu.vector_load %arg9[%get3A_1972, %get3A_1973] {strides = array<i32>} : memref<26x128xi32, #tpu.memory_space<vmem>>, vector<16xi32>,
        %gather3A_1975 = tpu.vector_load_idx %arg8[%get3A_1974] : memref<6144xi32, #tpu.memory_space<vmem>>[vector<16xi32>], vector<16xi32>,
        %add3A_1976 = arith.addi %add3A_1970, %add3A_1970 : vector<16xi32>
        %add3A_1977 = arith.addi %add3A_1976, %gather3A_1975 : vector<16xi32>
        %get3A_1978 = arith.constant 23 : i32
        %get3A_1979 = arith.index_cast %get3A_1978 : i32 to index
        %get3A_1980 = arith.constant 64 : index
        %get3A_1981 = tpu.vector_load %arg9[%get3A_1979, %get3A_1980] {strides = array<i32>} : memref<26x128xi32, #tpu.memory_space<vmem>>, vector<16xi32>,
        %gather3A_1982 = tpu.vector_load_idx %arg8[%get3A_1981] : memref<6144xi32, #tpu.memory_space<vmem>>[vector<16xi32>], vector<16xi32>,
        %add3A_1983 = arith.addi %add3A_1977, %add3A_1977 : vector<16xi32>
        %add3A_1984 = arith.addi %add3A_1983, %gather3A_1982 : vector<16xi32>
        %get3A_1985 = arith.constant 24 : i32
        %get3A_1986 = arith.index_cast %get3A_1985 : i32 to index
        %get3A_1987 = arith.constant 64 : index
        %get3A_1988 = tpu.vector_load %arg9[%get3A_1986, %get3A_1987] {strides = array<i32>} : memref<26x128xi32, #tpu.memory_space<vmem>>, vector<16xi32>,
        %gather3A_1989 = tpu.vector_load_idx %arg8[%get3A_1988] : memref<6144xi32, #tpu.memory_space<vmem>>[vector<16xi32>], vector<16xi32>,
        %add3A_1990 = arith.addi %add3A_1984, %add3A_1984 : vector<16xi32>
        %add3A_1991 = arith.addi %add3A_1990, %gather3A_1989 : vector<16xi32>
        %get3A_1992 = arith.constant 25 : i32
        %get3A_1993 = arith.index_cast %get3A_1992 : i32 to index
        %get3A_1994 = arith.constant 64 : index
        %get3A_1995 = tpu.vector_load %arg9[%get3A_1993, %get3A_1994] {strides = array<i32>} : memref<26x128xi32, #tpu.memory_space<vmem>>, vector<16xi32>,
        %gather3A_1996 = tpu.vector_load_idx %arg8[%get3A_1995] : memref<6144xi32, #tpu.memory_space<vmem>>[vector<16xi32>], vector<16xi32>,
        %add3A_1997 = arith.addi %add3A_1991, %add3A_1991 : vector<16xi32>
        %add3A_1998 = arith.addi %add3A_1997, %gather3A_1996 : vector<16xi32>
        %mul3A_1999 = arith.constant 128 : i32
        %mul3A_2000 = arith.muli %arg1, %mul3A_1999 : i32
        %add3A_2001 = arith.constant 64 : i32
        %add3A_2002 = arith.addi %mul3A_2000, %add3A_2001 : i32
        %add3A_2003 = vector.broadcast %add3A_2002 : i32 to vector<16xi32>
        %add3A_2004 = arith.addi %add3A_2003, %iota3A : vector<16xi32>
        %shift_right_arithmetic3A_2005 = arith.constant 3 : i32
        %shift_right_arithmetic3A_2006 = vector.broadcast %shift_right_arithmetic3A_2005 : i32 to vector<16xi32>
        %shift_right_arithmetic3A_2007 = arith.shrsi %add3A_2004, %shift_right_arithmetic3A_2006 : vector<16xi32>
        %shift_left3A_2008 = arith.constant 16 : i32
        %shift_left3A_2009 = vector.broadcast %shift_left3A_2008 : i32 to vector<16xi32>
        %shift_left3A_2010 = arith.shli %shift_right_arithmetic3A_2007, %shift_left3A_2009 : vector<16xi32>
        %shift_right_arithmetic3A_2011 = arith.constant 7 : i32
        %shift_right_arithmetic3A_2012 = vector.broadcast %shift_right_arithmetic3A_2011 : i32 to vector<16xi32>
        %shift_right_arithmetic3A_2013 = arith.shrsi %add3A_1998, %shift_right_arithmetic3A_2012 : vector<16xi32>
        %shift_left3A_2014 = arith.constant 10 : i32
        %shift_left3A_2015 = vector.broadcast %shift_left3A_2014 : i32 to vector<16xi32>
        %shift_left3A_2016 = arith.shli %shift_right_arithmetic3A_2013, %shift_left3A_2015 : vector<16xi32>
        %add3A_2017 = arith.addi %shift_left3A_2010, %shift_left3A_2016 : vector<16xi32>
        %and3A_2018 = arith.constant 7 : i32
        %and3A_2019 = vector.broadcast %and3A_2018 : i32 to vector<16xi32>
        %and3A_2020 = arith.andi %add3A_2004, %and3A_2019 : vector<16xi32>
        %shift_left3A_2021 = arith.constant 7 : i32
        %shift_left3A_2022 = vector.broadcast %shift_left3A_2021 : i32 to vector<16xi32>
        %shift_left3A_2023 = arith.shli %and3A_2020, %shift_left3A_2022 : vector<16xi32>
        %add3A_2024 = arith.addi %add3A_2017, %shift_left3A_2023 : vector<16xi32>
        %and3A_2025 = arith.constant 127 : i32
        %and3A_2026 = vector.broadcast %and3A_2025 : i32 to vector<16xi32>
        %and3A_2027 = arith.andi %add3A_1998, %and3A_2026 : vector<16xi32>
        %add3A_2028 = arith.addi %add3A_2024, %and3A_2027 : vector<16xi32>
        %swap3A_2029 = arith.constant 0 : index
        %swap3A_2030 = tpu.vector_load %arg11[%swap3A_2029] {strides = array<i32>} : memref<64xi32, #tpu.memory_space<vmem>>, vector<16xi32>,
        tpu.vector_store %arg11[%swap3A_2029], %add3A_2028 {strides = array<i32>} : memref<64xi32, #tpu.memory_space<vmem>>, vector<16xi32>,
        %broadcast_in_dim3A_2031 = arith.constant 0 : i32
        %broadcast_in_dim3A_2032 = vector.broadcast %broadcast_in_dim3A_2031 : i32 to vector<16xi32>
        %get3A_2033 = arith.constant 13 : i32
        %get3A_2034 = arith.index_cast %get3A_2033 : i32 to index
        %get3A_2035 = arith.constant 80 : index
        %get3A_2036 = tpu.vector_load %arg9[%get3A_2034, %get3A_2035] {strides = array<i32>} : memref<26x128xi32, #tpu.memory_space<vmem>>, vector<16xi32>,
        %gather3A_2037 = tpu.vector_load_idx %arg8[%get3A_2036] : memref<6144xi32, #tpu.memory_space<vmem>>[vector<16xi32>], vector<16xi32>,
        %add3A_2038 = arith.addi %broadcast_in_dim3A_2032, %broadcast_in_dim3A_2032 : vector<16xi32>
        %add3A_2039 = arith.addi %add3A_2038, %gather3A_2037 : vector<16xi32>
        %get3A_2040 = arith.constant 14 : i32
        %get3A_2041 = arith.index_cast %get3A_2040 : i32 to index
        %get3A_2042 = arith.constant 80 : index
        %get3A_2043 = tpu.vector_load %arg9[%get3A_2041, %get3A_2042] {strides = array<i32>} : memref<26x128xi32, #tpu.memory_space<vmem>>, vector<16xi32>,
        %gather3A_2044 = tpu.vector_load_idx %arg8[%get3A_2043] : memref<6144xi32, #tpu.memory_space<vmem>>[vector<16xi32>], vector<16xi32>,
        %add3A_2045 = arith.addi %add3A_2039, %add3A_2039 : vector<16xi32>
        %add3A_2046 = arith.addi %add3A_2045, %gather3A_2044 : vector<16xi32>
        %get3A_2047 = arith.constant 15 : i32
        %get3A_2048 = arith.index_cast %get3A_2047 : i32 to index
        %get3A_2049 = arith.constant 80 : index
        %get3A_2050 = tpu.vector_load %arg9[%get3A_2048, %get3A_2049] {strides = array<i32>} : memref<26x128xi32, #tpu.memory_space<vmem>>, vector<16xi32>,
        %gather3A_2051 = tpu.vector_load_idx %arg8[%get3A_2050] : memref<6144xi32, #tpu.memory_space<vmem>>[vector<16xi32>], vector<16xi32>,
        %add3A_2052 = arith.addi %add3A_2046, %add3A_2046 : vector<16xi32>
        %add3A_2053 = arith.addi %add3A_2052, %gather3A_2051 : vector<16xi32>
        %get3A_2054 = arith.constant 16 : i32
        %get3A_2055 = arith.index_cast %get3A_2054 : i32 to index
        %get3A_2056 = arith.constant 80 : index
        %get3A_2057 = tpu.vector_load %arg9[%get3A_2055, %get3A_2056] {strides = array<i32>} : memref<26x128xi32, #tpu.memory_space<vmem>>, vector<16xi32>,
        %gather3A_2058 = tpu.vector_load_idx %arg8[%get3A_2057] : memref<6144xi32, #tpu.memory_space<vmem>>[vector<16xi32>], vector<16xi32>,
        %add3A_2059 = arith.addi %add3A_2053, %add3A_2053 : vector<16xi32>
        %add3A_2060 = arith.addi %add3A_2059, %gather3A_2058 : vector<16xi32>
        %get3A_2061 = arith.constant 17 : i32
        %get3A_2062 = arith.index_cast %get3A_2061 : i32 to index
        %get3A_2063 = arith.constant 80 : index
        %get3A_2064 = tpu.vector_load %arg9[%get3A_2062, %get3A_2063] {strides = array<i32>} : memref<26x128xi32, #tpu.memory_space<vmem>>, vector<16xi32>,
        %gather3A_2065 = tpu.vector_load_idx %arg8[%get3A_2064] : memref<6144xi32, #tpu.memory_space<vmem>>[vector<16xi32>], vector<16xi32>,
        %add3A_2066 = arith.addi %add3A_2060, %add3A_2060 : vector<16xi32>
        %add3A_2067 = arith.addi %add3A_2066, %gather3A_2065 : vector<16xi32>
        %get3A_2068 = arith.constant 18 : i32
        %get3A_2069 = arith.index_cast %get3A_2068 : i32 to index
        %get3A_2070 = arith.constant 80 : index
        %get3A_2071 = tpu.vector_load %arg9[%get3A_2069, %get3A_2070] {strides = array<i32>} : memref<26x128xi32, #tpu.memory_space<vmem>>, vector<16xi32>,
        %gather3A_2072 = tpu.vector_load_idx %arg8[%get3A_2071] : memref<6144xi32, #tpu.memory_space<vmem>>[vector<16xi32>], vector<16xi32>,
        %add3A_2073 = arith.addi %add3A_2067, %add3A_2067 : vector<16xi32>
        %add3A_2074 = arith.addi %add3A_2073, %gather3A_2072 : vector<16xi32>
        %get3A_2075 = arith.constant 19 : i32
        %get3A_2076 = arith.index_cast %get3A_2075 : i32 to index
        %get3A_2077 = arith.constant 80 : index
        %get3A_2078 = tpu.vector_load %arg9[%get3A_2076, %get3A_2077] {strides = array<i32>} : memref<26x128xi32, #tpu.memory_space<vmem>>, vector<16xi32>,
        %gather3A_2079 = tpu.vector_load_idx %arg8[%get3A_2078] : memref<6144xi32, #tpu.memory_space<vmem>>[vector<16xi32>], vector<16xi32>,
        %add3A_2080 = arith.addi %add3A_2074, %add3A_2074 : vector<16xi32>
        %add3A_2081 = arith.addi %add3A_2080, %gather3A_2079 : vector<16xi32>
        %get3A_2082 = arith.constant 20 : i32
        %get3A_2083 = arith.index_cast %get3A_2082 : i32 to index
        %get3A_2084 = arith.constant 80 : index
        %get3A_2085 = tpu.vector_load %arg9[%get3A_2083, %get3A_2084] {strides = array<i32>} : memref<26x128xi32, #tpu.memory_space<vmem>>, vector<16xi32>,
        %gather3A_2086 = tpu.vector_load_idx %arg8[%get3A_2085] : memref<6144xi32, #tpu.memory_space<vmem>>[vector<16xi32>], vector<16xi32>,
        %add3A_2087 = arith.addi %add3A_2081, %add3A_2081 : vector<16xi32>
        %add3A_2088 = arith.addi %add3A_2087, %gather3A_2086 : vector<16xi32>
        %get3A_2089 = arith.constant 21 : i32
        %get3A_2090 = arith.index_cast %get3A_2089 : i32 to index
        %get3A_2091 = arith.constant 80 : index
        %get3A_2092 = tpu.vector_load %arg9[%get3A_2090, %get3A_2091] {strides = array<i32>} : memref<26x128xi32, #tpu.memory_space<vmem>>, vector<16xi32>,
        %gather3A_2093 = tpu.vector_load_idx %arg8[%get3A_2092] : memref<6144xi32, #tpu.memory_space<vmem>>[vector<16xi32>], vector<16xi32>,
        %add3A_2094 = arith.addi %add3A_2088, %add3A_2088 : vector<16xi32>
        %add3A_2095 = arith.addi %add3A_2094, %gather3A_2093 : vector<16xi32>
        %get3A_2096 = arith.constant 22 : i32
        %get3A_2097 = arith.index_cast %get3A_2096 : i32 to index
        %get3A_2098 = arith.constant 80 : index
        %get3A_2099 = tpu.vector_load %arg9[%get3A_2097, %get3A_2098] {strides = array<i32>} : memref<26x128xi32, #tpu.memory_space<vmem>>, vector<16xi32>,
        %gather3A_2100 = tpu.vector_load_idx %arg8[%get3A_2099] : memref<6144xi32, #tpu.memory_space<vmem>>[vector<16xi32>], vector<16xi32>,
        %add3A_2101 = arith.addi %add3A_2095, %add3A_2095 : vector<16xi32>
        %add3A_2102 = arith.addi %add3A_2101, %gather3A_2100 : vector<16xi32>
        %get3A_2103 = arith.constant 23 : i32
        %get3A_2104 = arith.index_cast %get3A_2103 : i32 to index
        %get3A_2105 = arith.constant 80 : index
        %get3A_2106 = tpu.vector_load %arg9[%get3A_2104, %get3A_2105] {strides = array<i32>} : memref<26x128xi32, #tpu.memory_space<vmem>>, vector<16xi32>,
        %gather3A_2107 = tpu.vector_load_idx %arg8[%get3A_2106] : memref<6144xi32, #tpu.memory_space<vmem>>[vector<16xi32>], vector<16xi32>,
        %add3A_2108 = arith.addi %add3A_2102, %add3A_2102 : vector<16xi32>
        %add3A_2109 = arith.addi %add3A_2108, %gather3A_2107 : vector<16xi32>
        %get3A_2110 = arith.constant 24 : i32
        %get3A_2111 = arith.index_cast %get3A_2110 : i32 to index
        %get3A_2112 = arith.constant 80 : index
        %get3A_2113 = tpu.vector_load %arg9[%get3A_2111, %get3A_2112] {strides = array<i32>} : memref<26x128xi32, #tpu.memory_space<vmem>>, vector<16xi32>,
        %gather3A_2114 = tpu.vector_load_idx %arg8[%get3A_2113] : memref<6144xi32, #tpu.memory_space<vmem>>[vector<16xi32>], vector<16xi32>,
        %add3A_2115 = arith.addi %add3A_2109, %add3A_2109 : vector<16xi32>
        %add3A_2116 = arith.addi %add3A_2115, %gather3A_2114 : vector<16xi32>
        %get3A_2117 = arith.constant 25 : i32
        %get3A_2118 = arith.index_cast %get3A_2117 : i32 to index
        %get3A_2119 = arith.constant 80 : index
        %get3A_2120 = tpu.vector_load %arg9[%get3A_2118, %get3A_2119] {strides = array<i32>} : memref<26x128xi32, #tpu.memory_space<vmem>>, vector<16xi32>,
        %gather3A_2121 = tpu.vector_load_idx %arg8[%get3A_2120] : memref<6144xi32, #tpu.memory_space<vmem>>[vector<16xi32>], vector<16xi32>,
        %add3A_2122 = arith.addi %add3A_2116, %add3A_2116 : vector<16xi32>
        %add3A_2123 = arith.addi %add3A_2122, %gather3A_2121 : vector<16xi32>
        %mul3A_2124 = arith.constant 128 : i32
        %mul3A_2125 = arith.muli %arg1, %mul3A_2124 : i32
        %add3A_2126 = arith.constant 80 : i32
        %add3A_2127 = arith.addi %mul3A_2125, %add3A_2126 : i32
        %add3A_2128 = vector.broadcast %add3A_2127 : i32 to vector<16xi32>
        %add3A_2129 = arith.addi %add3A_2128, %iota3A : vector<16xi32>
        %shift_right_arithmetic3A_2130 = arith.constant 3 : i32
        %shift_right_arithmetic3A_2131 = vector.broadcast %shift_right_arithmetic3A_2130 : i32 to vector<16xi32>
        %shift_right_arithmetic3A_2132 = arith.shrsi %add3A_2129, %shift_right_arithmetic3A_2131 : vector<16xi32>
        %shift_left3A_2133 = arith.constant 16 : i32
        %shift_left3A_2134 = vector.broadcast %shift_left3A_2133 : i32 to vector<16xi32>
        %shift_left3A_2135 = arith.shli %shift_right_arithmetic3A_2132, %shift_left3A_2134 : vector<16xi32>
        %shift_right_arithmetic3A_2136 = arith.constant 7 : i32
        %shift_right_arithmetic3A_2137 = vector.broadcast %shift_right_arithmetic3A_2136 : i32 to vector<16xi32>
        %shift_right_arithmetic3A_2138 = arith.shrsi %add3A_2123, %shift_right_arithmetic3A_2137 : vector<16xi32>
        %shift_left3A_2139 = arith.constant 10 : i32
        %shift_left3A_2140 = vector.broadcast %shift_left3A_2139 : i32 to vector<16xi32>
        %shift_left3A_2141 = arith.shli %shift_right_arithmetic3A_2138, %shift_left3A_2140 : vector<16xi32>
        %add3A_2142 = arith.addi %shift_left3A_2135, %shift_left3A_2141 : vector<16xi32>
        %and3A_2143 = arith.constant 7 : i32
        %and3A_2144 = vector.broadcast %and3A_2143 : i32 to vector<16xi32>
        %and3A_2145 = arith.andi %add3A_2129, %and3A_2144 : vector<16xi32>
        %shift_left3A_2146 = arith.constant 7 : i32
        %shift_left3A_2147 = vector.broadcast %shift_left3A_2146 : i32 to vector<16xi32>
        %shift_left3A_2148 = arith.shli %and3A_2145, %shift_left3A_2147 : vector<16xi32>
        %add3A_2149 = arith.addi %add3A_2142, %shift_left3A_2148 : vector<16xi32>
        %and3A_2150 = arith.constant 127 : i32
        %and3A_2151 = vector.broadcast %and3A_2150 : i32 to vector<16xi32>
        %and3A_2152 = arith.andi %add3A_2123, %and3A_2151 : vector<16xi32>
        %add3A_2153 = arith.addi %add3A_2149, %and3A_2152 : vector<16xi32>
        %swap3A_2154 = arith.constant 16 : index
        %swap3A_2155 = tpu.vector_load %arg11[%swap3A_2154] {strides = array<i32>} : memref<64xi32, #tpu.memory_space<vmem>>, vector<16xi32>,
        tpu.vector_store %arg11[%swap3A_2154], %add3A_2153 {strides = array<i32>} : memref<64xi32, #tpu.memory_space<vmem>>, vector<16xi32>,
        %broadcast_in_dim3A_2156 = arith.constant 0 : i32
        %broadcast_in_dim3A_2157 = vector.broadcast %broadcast_in_dim3A_2156 : i32 to vector<16xi32>
        %get3A_2158 = arith.constant 13 : i32
        %get3A_2159 = arith.index_cast %get3A_2158 : i32 to index
        %get3A_2160 = arith.constant 96 : index
        %get3A_2161 = tpu.vector_load %arg9[%get3A_2159, %get3A_2160] {strides = array<i32>} : memref<26x128xi32, #tpu.memory_space<vmem>>, vector<16xi32>,
        %gather3A_2162 = tpu.vector_load_idx %arg8[%get3A_2161] : memref<6144xi32, #tpu.memory_space<vmem>>[vector<16xi32>], vector<16xi32>,
        %add3A_2163 = arith.addi %broadcast_in_dim3A_2157, %broadcast_in_dim3A_2157 : vector<16xi32>
        %add3A_2164 = arith.addi %add3A_2163, %gather3A_2162 : vector<16xi32>
        %get3A_2165 = arith.constant 14 : i32
        %get3A_2166 = arith.index_cast %get3A_2165 : i32 to index
        %get3A_2167 = arith.constant 96 : index
        %get3A_2168 = tpu.vector_load %arg9[%get3A_2166, %get3A_2167] {strides = array<i32>} : memref<26x128xi32, #tpu.memory_space<vmem>>, vector<16xi32>,
        %gather3A_2169 = tpu.vector_load_idx %arg8[%get3A_2168] : memref<6144xi32, #tpu.memory_space<vmem>>[vector<16xi32>], vector<16xi32>,
        %add3A_2170 = arith.addi %add3A_2164, %add3A_2164 : vector<16xi32>
        %add3A_2171 = arith.addi %add3A_2170, %gather3A_2169 : vector<16xi32>
        %get3A_2172 = arith.constant 15 : i32
        %get3A_2173 = arith.index_cast %get3A_2172 : i32 to index
        %get3A_2174 = arith.constant 96 : index
        %get3A_2175 = tpu.vector_load %arg9[%get3A_2173, %get3A_2174] {strides = array<i32>} : memref<26x128xi32, #tpu.memory_space<vmem>>, vector<16xi32>,
        %gather3A_2176 = tpu.vector_load_idx %arg8[%get3A_2175] : memref<6144xi32, #tpu.memory_space<vmem>>[vector<16xi32>], vector<16xi32>,
        %add3A_2177 = arith.addi %add3A_2171, %add3A_2171 : vector<16xi32>
        %add3A_2178 = arith.addi %add3A_2177, %gather3A_2176 : vector<16xi32>
        %get3A_2179 = arith.constant 16 : i32
        %get3A_2180 = arith.index_cast %get3A_2179 : i32 to index
        %get3A_2181 = arith.constant 96 : index
        %get3A_2182 = tpu.vector_load %arg9[%get3A_2180, %get3A_2181] {strides = array<i32>} : memref<26x128xi32, #tpu.memory_space<vmem>>, vector<16xi32>,
        %gather3A_2183 = tpu.vector_load_idx %arg8[%get3A_2182] : memref<6144xi32, #tpu.memory_space<vmem>>[vector<16xi32>], vector<16xi32>,
        %add3A_2184 = arith.addi %add3A_2178, %add3A_2178 : vector<16xi32>
        %add3A_2185 = arith.addi %add3A_2184, %gather3A_2183 : vector<16xi32>
        %get3A_2186 = arith.constant 17 : i32
        %get3A_2187 = arith.index_cast %get3A_2186 : i32 to index
        %get3A_2188 = arith.constant 96 : index
        %get3A_2189 = tpu.vector_load %arg9[%get3A_2187, %get3A_2188] {strides = array<i32>} : memref<26x128xi32, #tpu.memory_space<vmem>>, vector<16xi32>,
        %gather3A_2190 = tpu.vector_load_idx %arg8[%get3A_2189] : memref<6144xi32, #tpu.memory_space<vmem>>[vector<16xi32>], vector<16xi32>,
        %add3A_2191 = arith.addi %add3A_2185, %add3A_2185 : vector<16xi32>
        %add3A_2192 = arith.addi %add3A_2191, %gather3A_2190 : vector<16xi32>
        %get3A_2193 = arith.constant 18 : i32
        %get3A_2194 = arith.index_cast %get3A_2193 : i32 to index
        %get3A_2195 = arith.constant 96 : index
        %get3A_2196 = tpu.vector_load %arg9[%get3A_2194, %get3A_2195] {strides = array<i32>} : memref<26x128xi32, #tpu.memory_space<vmem>>, vector<16xi32>,
        %gather3A_2197 = tpu.vector_load_idx %arg8[%get3A_2196] : memref<6144xi32, #tpu.memory_space<vmem>>[vector<16xi32>], vector<16xi32>,
        %add3A_2198 = arith.addi %add3A_2192, %add3A_2192 : vector<16xi32>
        %add3A_2199 = arith.addi %add3A_2198, %gather3A_2197 : vector<16xi32>
        %get3A_2200 = arith.constant 19 : i32
        %get3A_2201 = arith.index_cast %get3A_2200 : i32 to index
        %get3A_2202 = arith.constant 96 : index
        %get3A_2203 = tpu.vector_load %arg9[%get3A_2201, %get3A_2202] {strides = array<i32>} : memref<26x128xi32, #tpu.memory_space<vmem>>, vector<16xi32>,
        %gather3A_2204 = tpu.vector_load_idx %arg8[%get3A_2203] : memref<6144xi32, #tpu.memory_space<vmem>>[vector<16xi32>], vector<16xi32>,
        %add3A_2205 = arith.addi %add3A_2199, %add3A_2199 : vector<16xi32>
        %add3A_2206 = arith.addi %add3A_2205, %gather3A_2204 : vector<16xi32>
        %get3A_2207 = arith.constant 20 : i32
        %get3A_2208 = arith.index_cast %get3A_2207 : i32 to index
        %get3A_2209 = arith.constant 96 : index
        %get3A_2210 = tpu.vector_load %arg9[%get3A_2208, %get3A_2209] {strides = array<i32>} : memref<26x128xi32, #tpu.memory_space<vmem>>, vector<16xi32>,
        %gather3A_2211 = tpu.vector_load_idx %arg8[%get3A_2210] : memref<6144xi32, #tpu.memory_space<vmem>>[vector<16xi32>], vector<16xi32>,
        %add3A_2212 = arith.addi %add3A_2206, %add3A_2206 : vector<16xi32>
        %add3A_2213 = arith.addi %add3A_2212, %gather3A_2211 : vector<16xi32>
        %get3A_2214 = arith.constant 21 : i32
        %get3A_2215 = arith.index_cast %get3A_2214 : i32 to index
        %get3A_2216 = arith.constant 96 : index
        %get3A_2217 = tpu.vector_load %arg9[%get3A_2215, %get3A_2216] {strides = array<i32>} : memref<26x128xi32, #tpu.memory_space<vmem>>, vector<16xi32>,
        %gather3A_2218 = tpu.vector_load_idx %arg8[%get3A_2217] : memref<6144xi32, #tpu.memory_space<vmem>>[vector<16xi32>], vector<16xi32>,
        %add3A_2219 = arith.addi %add3A_2213, %add3A_2213 : vector<16xi32>
        %add3A_2220 = arith.addi %add3A_2219, %gather3A_2218 : vector<16xi32>
        %get3A_2221 = arith.constant 22 : i32
        %get3A_2222 = arith.index_cast %get3A_2221 : i32 to index
        %get3A_2223 = arith.constant 96 : index
        %get3A_2224 = tpu.vector_load %arg9[%get3A_2222, %get3A_2223] {strides = array<i32>} : memref<26x128xi32, #tpu.memory_space<vmem>>, vector<16xi32>,
        %gather3A_2225 = tpu.vector_load_idx %arg8[%get3A_2224] : memref<6144xi32, #tpu.memory_space<vmem>>[vector<16xi32>], vector<16xi32>,
        %add3A_2226 = arith.addi %add3A_2220, %add3A_2220 : vector<16xi32>
        %add3A_2227 = arith.addi %add3A_2226, %gather3A_2225 : vector<16xi32>
        %get3A_2228 = arith.constant 23 : i32
        %get3A_2229 = arith.index_cast %get3A_2228 : i32 to index
        %get3A_2230 = arith.constant 96 : index
        %get3A_2231 = tpu.vector_load %arg9[%get3A_2229, %get3A_2230] {strides = array<i32>} : memref<26x128xi32, #tpu.memory_space<vmem>>, vector<16xi32>,
        %gather3A_2232 = tpu.vector_load_idx %arg8[%get3A_2231] : memref<6144xi32, #tpu.memory_space<vmem>>[vector<16xi32>], vector<16xi32>,
        %add3A_2233 = arith.addi %add3A_2227, %add3A_2227 : vector<16xi32>
        %add3A_2234 = arith.addi %add3A_2233, %gather3A_2232 : vector<16xi32>
        %get3A_2235 = arith.constant 24 : i32
        %get3A_2236 = arith.index_cast %get3A_2235 : i32 to index
        %get3A_2237 = arith.constant 96 : index
        %get3A_2238 = tpu.vector_load %arg9[%get3A_2236, %get3A_2237] {strides = array<i32>} : memref<26x128xi32, #tpu.memory_space<vmem>>, vector<16xi32>,
        %gather3A_2239 = tpu.vector_load_idx %arg8[%get3A_2238] : memref<6144xi32, #tpu.memory_space<vmem>>[vector<16xi32>], vector<16xi32>,
        %add3A_2240 = arith.addi %add3A_2234, %add3A_2234 : vector<16xi32>
        %add3A_2241 = arith.addi %add3A_2240, %gather3A_2239 : vector<16xi32>
        %get3A_2242 = arith.constant 25 : i32
        %get3A_2243 = arith.index_cast %get3A_2242 : i32 to index
        %get3A_2244 = arith.constant 96 : index
        %get3A_2245 = tpu.vector_load %arg9[%get3A_2243, %get3A_2244] {strides = array<i32>} : memref<26x128xi32, #tpu.memory_space<vmem>>, vector<16xi32>,
        %gather3A_2246 = tpu.vector_load_idx %arg8[%get3A_2245] : memref<6144xi32, #tpu.memory_space<vmem>>[vector<16xi32>], vector<16xi32>,
        %add3A_2247 = arith.addi %add3A_2241, %add3A_2241 : vector<16xi32>
        %add3A_2248 = arith.addi %add3A_2247, %gather3A_2246 : vector<16xi32>
        %mul3A_2249 = arith.constant 128 : i32
        %mul3A_2250 = arith.muli %arg1, %mul3A_2249 : i32
        %add3A_2251 = arith.constant 96 : i32
        %add3A_2252 = arith.addi %mul3A_2250, %add3A_2251 : i32
        %add3A_2253 = vector.broadcast %add3A_2252 : i32 to vector<16xi32>
        %add3A_2254 = arith.addi %add3A_2253, %iota3A : vector<16xi32>
        %shift_right_arithmetic3A_2255 = arith.constant 3 : i32
        %shift_right_arithmetic3A_2256 = vector.broadcast %shift_right_arithmetic3A_2255 : i32 to vector<16xi32>
        %shift_right_arithmetic3A_2257 = arith.shrsi %add3A_2254, %shift_right_arithmetic3A_2256 : vector<16xi32>
        %shift_left3A_2258 = arith.constant 16 : i32
        %shift_left3A_2259 = vector.broadcast %shift_left3A_2258 : i32 to vector<16xi32>
        %shift_left3A_2260 = arith.shli %shift_right_arithmetic3A_2257, %shift_left3A_2259 : vector<16xi32>
        %shift_right_arithmetic3A_2261 = arith.constant 7 : i32
        %shift_right_arithmetic3A_2262 = vector.broadcast %shift_right_arithmetic3A_2261 : i32 to vector<16xi32>
        %shift_right_arithmetic3A_2263 = arith.shrsi %add3A_2248, %shift_right_arithmetic3A_2262 : vector<16xi32>
        %shift_left3A_2264 = arith.constant 10 : i32
        %shift_left3A_2265 = vector.broadcast %shift_left3A_2264 : i32 to vector<16xi32>
        %shift_left3A_2266 = arith.shli %shift_right_arithmetic3A_2263, %shift_left3A_2265 : vector<16xi32>
        %add3A_2267 = arith.addi %shift_left3A_2260, %shift_left3A_2266 : vector<16xi32>
        %and3A_2268 = arith.constant 7 : i32
        %and3A_2269 = vector.broadcast %and3A_2268 : i32 to vector<16xi32>
        %and3A_2270 = arith.andi %add3A_2254, %and3A_2269 : vector<16xi32>
        %shift_left3A_2271 = arith.constant 7 : i32
        %shift_left3A_2272 = vector.broadcast %shift_left3A_2271 : i32 to vector<16xi32>
        %shift_left3A_2273 = arith.shli %and3A_2270, %shift_left3A_2272 : vector<16xi32>
        %add3A_2274 = arith.addi %add3A_2267, %shift_left3A_2273 : vector<16xi32>
        %and3A_2275 = arith.constant 127 : i32
        %and3A_2276 = vector.broadcast %and3A_2275 : i32 to vector<16xi32>
        %and3A_2277 = arith.andi %add3A_2248, %and3A_2276 : vector<16xi32>
        %add3A_2278 = arith.addi %add3A_2274, %and3A_2277 : vector<16xi32>
        %swap3A_2279 = arith.constant 32 : index
        %swap3A_2280 = tpu.vector_load %arg11[%swap3A_2279] {strides = array<i32>} : memref<64xi32, #tpu.memory_space<vmem>>, vector<16xi32>,
        tpu.vector_store %arg11[%swap3A_2279], %add3A_2278 {strides = array<i32>} : memref<64xi32, #tpu.memory_space<vmem>>, vector<16xi32>,
        %broadcast_in_dim3A_2281 = arith.constant 0 : i32
        %broadcast_in_dim3A_2282 = vector.broadcast %broadcast_in_dim3A_2281 : i32 to vector<16xi32>
        %get3A_2283 = arith.constant 13 : i32
        %get3A_2284 = arith.index_cast %get3A_2283 : i32 to index
        %get3A_2285 = arith.constant 112 : index
        %get3A_2286 = tpu.vector_load %arg9[%get3A_2284, %get3A_2285] {strides = array<i32>} : memref<26x128xi32, #tpu.memory_space<vmem>>, vector<16xi32>,
        %gather3A_2287 = tpu.vector_load_idx %arg8[%get3A_2286] : memref<6144xi32, #tpu.memory_space<vmem>>[vector<16xi32>], vector<16xi32>,
        %add3A_2288 = arith.addi %broadcast_in_dim3A_2282, %broadcast_in_dim3A_2282 : vector<16xi32>
        %add3A_2289 = arith.addi %add3A_2288, %gather3A_2287 : vector<16xi32>
        %get3A_2290 = arith.constant 14 : i32
        %get3A_2291 = arith.index_cast %get3A_2290 : i32 to index
        %get3A_2292 = arith.constant 112 : index
        %get3A_2293 = tpu.vector_load %arg9[%get3A_2291, %get3A_2292] {strides = array<i32>} : memref<26x128xi32, #tpu.memory_space<vmem>>, vector<16xi32>,
        %gather3A_2294 = tpu.vector_load_idx %arg8[%get3A_2293] : memref<6144xi32, #tpu.memory_space<vmem>>[vector<16xi32>], vector<16xi32>,
        %add3A_2295 = arith.addi %add3A_2289, %add3A_2289 : vector<16xi32>
        %add3A_2296 = arith.addi %add3A_2295, %gather3A_2294 : vector<16xi32>
        %get3A_2297 = arith.constant 15 : i32
        %get3A_2298 = arith.index_cast %get3A_2297 : i32 to index
        %get3A_2299 = arith.constant 112 : index
        %get3A_2300 = tpu.vector_load %arg9[%get3A_2298, %get3A_2299] {strides = array<i32>} : memref<26x128xi32, #tpu.memory_space<vmem>>, vector<16xi32>,
        %gather3A_2301 = tpu.vector_load_idx %arg8[%get3A_2300] : memref<6144xi32, #tpu.memory_space<vmem>>[vector<16xi32>], vector<16xi32>,
        %add3A_2302 = arith.addi %add3A_2296, %add3A_2296 : vector<16xi32>
        %add3A_2303 = arith.addi %add3A_2302, %gather3A_2301 : vector<16xi32>
        %get3A_2304 = arith.constant 16 : i32
        %get3A_2305 = arith.index_cast %get3A_2304 : i32 to index
        %get3A_2306 = arith.constant 112 : index
        %get3A_2307 = tpu.vector_load %arg9[%get3A_2305, %get3A_2306] {strides = array<i32>} : memref<26x128xi32, #tpu.memory_space<vmem>>, vector<16xi32>,
        %gather3A_2308 = tpu.vector_load_idx %arg8[%get3A_2307] : memref<6144xi32, #tpu.memory_space<vmem>>[vector<16xi32>], vector<16xi32>,
        %add3A_2309 = arith.addi %add3A_2303, %add3A_2303 : vector<16xi32>
        %add3A_2310 = arith.addi %add3A_2309, %gather3A_2308 : vector<16xi32>
        %get3A_2311 = arith.constant 17 : i32
        %get3A_2312 = arith.index_cast %get3A_2311 : i32 to index
        %get3A_2313 = arith.constant 112 : index
        %get3A_2314 = tpu.vector_load %arg9[%get3A_2312, %get3A_2313] {strides = array<i32>} : memref<26x128xi32, #tpu.memory_space<vmem>>, vector<16xi32>,
        %gather3A_2315 = tpu.vector_load_idx %arg8[%get3A_2314] : memref<6144xi32, #tpu.memory_space<vmem>>[vector<16xi32>], vector<16xi32>,
        %add3A_2316 = arith.addi %add3A_2310, %add3A_2310 : vector<16xi32>
        %add3A_2317 = arith.addi %add3A_2316, %gather3A_2315 : vector<16xi32>
        %get3A_2318 = arith.constant 18 : i32
        %get3A_2319 = arith.index_cast %get3A_2318 : i32 to index
        %get3A_2320 = arith.constant 112 : index
        %get3A_2321 = tpu.vector_load %arg9[%get3A_2319, %get3A_2320] {strides = array<i32>} : memref<26x128xi32, #tpu.memory_space<vmem>>, vector<16xi32>,
        %gather3A_2322 = tpu.vector_load_idx %arg8[%get3A_2321] : memref<6144xi32, #tpu.memory_space<vmem>>[vector<16xi32>], vector<16xi32>,
        %add3A_2323 = arith.addi %add3A_2317, %add3A_2317 : vector<16xi32>
        %add3A_2324 = arith.addi %add3A_2323, %gather3A_2322 : vector<16xi32>
        %get3A_2325 = arith.constant 19 : i32
        %get3A_2326 = arith.index_cast %get3A_2325 : i32 to index
        %get3A_2327 = arith.constant 112 : index
        %get3A_2328 = tpu.vector_load %arg9[%get3A_2326, %get3A_2327] {strides = array<i32>} : memref<26x128xi32, #tpu.memory_space<vmem>>, vector<16xi32>,
        %gather3A_2329 = tpu.vector_load_idx %arg8[%get3A_2328] : memref<6144xi32, #tpu.memory_space<vmem>>[vector<16xi32>], vector<16xi32>,
        %add3A_2330 = arith.addi %add3A_2324, %add3A_2324 : vector<16xi32>
        %add3A_2331 = arith.addi %add3A_2330, %gather3A_2329 : vector<16xi32>
        %get3A_2332 = arith.constant 20 : i32
        %get3A_2333 = arith.index_cast %get3A_2332 : i32 to index
        %get3A_2334 = arith.constant 112 : index
        %get3A_2335 = tpu.vector_load %arg9[%get3A_2333, %get3A_2334] {strides = array<i32>} : memref<26x128xi32, #tpu.memory_space<vmem>>, vector<16xi32>,
        %gather3A_2336 = tpu.vector_load_idx %arg8[%get3A_2335] : memref<6144xi32, #tpu.memory_space<vmem>>[vector<16xi32>], vector<16xi32>,
        %add3A_2337 = arith.addi %add3A_2331, %add3A_2331 : vector<16xi32>
        %add3A_2338 = arith.addi %add3A_2337, %gather3A_2336 : vector<16xi32>
        %get3A_2339 = arith.constant 21 : i32
        %get3A_2340 = arith.index_cast %get3A_2339 : i32 to index
        %get3A_2341 = arith.constant 112 : index
        %get3A_2342 = tpu.vector_load %arg9[%get3A_2340, %get3A_2341] {strides = array<i32>} : memref<26x128xi32, #tpu.memory_space<vmem>>, vector<16xi32>,
        %gather3A_2343 = tpu.vector_load_idx %arg8[%get3A_2342] : memref<6144xi32, #tpu.memory_space<vmem>>[vector<16xi32>], vector<16xi32>,
        %add3A_2344 = arith.addi %add3A_2338, %add3A_2338 : vector<16xi32>
        %add3A_2345 = arith.addi %add3A_2344, %gather3A_2343 : vector<16xi32>
        %get3A_2346 = arith.constant 22 : i32
        %get3A_2347 = arith.index_cast %get3A_2346 : i32 to index
        %get3A_2348 = arith.constant 112 : index
        %get3A_2349 = tpu.vector_load %arg9[%get3A_2347, %get3A_2348] {strides = array<i32>} : memref<26x128xi32, #tpu.memory_space<vmem>>, vector<16xi32>,
        %gather3A_2350 = tpu.vector_load_idx %arg8[%get3A_2349] : memref<6144xi32, #tpu.memory_space<vmem>>[vector<16xi32>], vector<16xi32>,
        %add3A_2351 = arith.addi %add3A_2345, %add3A_2345 : vector<16xi32>
        %add3A_2352 = arith.addi %add3A_2351, %gather3A_2350 : vector<16xi32>
        %get3A_2353 = arith.constant 23 : i32
        %get3A_2354 = arith.index_cast %get3A_2353 : i32 to index
        %get3A_2355 = arith.constant 112 : index
        %get3A_2356 = tpu.vector_load %arg9[%get3A_2354, %get3A_2355] {strides = array<i32>} : memref<26x128xi32, #tpu.memory_space<vmem>>, vector<16xi32>,
        %gather3A_2357 = tpu.vector_load_idx %arg8[%get3A_2356] : memref<6144xi32, #tpu.memory_space<vmem>>[vector<16xi32>], vector<16xi32>,
        %add3A_2358 = arith.addi %add3A_2352, %add3A_2352 : vector<16xi32>
        %add3A_2359 = arith.addi %add3A_2358, %gather3A_2357 : vector<16xi32>
        %get3A_2360 = arith.constant 24 : i32
        %get3A_2361 = arith.index_cast %get3A_2360 : i32 to index
        %get3A_2362 = arith.constant 112 : index
        %get3A_2363 = tpu.vector_load %arg9[%get3A_2361, %get3A_2362] {strides = array<i32>} : memref<26x128xi32, #tpu.memory_space<vmem>>, vector<16xi32>,
        %gather3A_2364 = tpu.vector_load_idx %arg8[%get3A_2363] : memref<6144xi32, #tpu.memory_space<vmem>>[vector<16xi32>], vector<16xi32>,
        %add3A_2365 = arith.addi %add3A_2359, %add3A_2359 : vector<16xi32>
        %add3A_2366 = arith.addi %add3A_2365, %gather3A_2364 : vector<16xi32>
        %get3A_2367 = arith.constant 25 : i32
        %get3A_2368 = arith.index_cast %get3A_2367 : i32 to index
        %get3A_2369 = arith.constant 112 : index
        %get3A_2370 = tpu.vector_load %arg9[%get3A_2368, %get3A_2369] {strides = array<i32>} : memref<26x128xi32, #tpu.memory_space<vmem>>, vector<16xi32>,
        %gather3A_2371 = tpu.vector_load_idx %arg8[%get3A_2370] : memref<6144xi32, #tpu.memory_space<vmem>>[vector<16xi32>], vector<16xi32>,
        %add3A_2372 = arith.addi %add3A_2366, %add3A_2366 : vector<16xi32>
        %add3A_2373 = arith.addi %add3A_2372, %gather3A_2371 : vector<16xi32>
        %mul3A_2374 = arith.constant 128 : i32
        %mul3A_2375 = arith.muli %arg1, %mul3A_2374 : i32
        %add3A_2376 = arith.constant 112 : i32
        %add3A_2377 = arith.addi %mul3A_2375, %add3A_2376 : i32
        %add3A_2378 = vector.broadcast %add3A_2377 : i32 to vector<16xi32>
        %add3A_2379 = arith.addi %add3A_2378, %iota3A : vector<16xi32>
        %shift_right_arithmetic3A_2380 = arith.constant 3 : i32
        %shift_right_arithmetic3A_2381 = vector.broadcast %shift_right_arithmetic3A_2380 : i32 to vector<16xi32>
        %shift_right_arithmetic3A_2382 = arith.shrsi %add3A_2379, %shift_right_arithmetic3A_2381 : vector<16xi32>
        %shift_left3A_2383 = arith.constant 16 : i32
        %shift_left3A_2384 = vector.broadcast %shift_left3A_2383 : i32 to vector<16xi32>
        %shift_left3A_2385 = arith.shli %shift_right_arithmetic3A_2382, %shift_left3A_2384 : vector<16xi32>
        %shift_right_arithmetic3A_2386 = arith.constant 7 : i32
        %shift_right_arithmetic3A_2387 = vector.broadcast %shift_right_arithmetic3A_2386 : i32 to vector<16xi32>
        %shift_right_arithmetic3A_2388 = arith.shrsi %add3A_2373, %shift_right_arithmetic3A_2387 : vector<16xi32>
        %shift_left3A_2389 = arith.constant 10 : i32
        %shift_left3A_2390 = vector.broadcast %shift_left3A_2389 : i32 to vector<16xi32>
        %shift_left3A_2391 = arith.shli %shift_right_arithmetic3A_2388, %shift_left3A_2390 : vector<16xi32>
        %add3A_2392 = arith.addi %shift_left3A_2385, %shift_left3A_2391 : vector<16xi32>
        %and3A_2393 = arith.constant 7 : i32
        %and3A_2394 = vector.broadcast %and3A_2393 : i32 to vector<16xi32>
        %and3A_2395 = arith.andi %add3A_2379, %and3A_2394 : vector<16xi32>
        %shift_left3A_2396 = arith.constant 7 : i32
        %shift_left3A_2397 = vector.broadcast %shift_left3A_2396 : i32 to vector<16xi32>
        %shift_left3A_2398 = arith.shli %and3A_2395, %shift_left3A_2397 : vector<16xi32>
        %add3A_2399 = arith.addi %add3A_2392, %shift_left3A_2398 : vector<16xi32>
        %and3A_2400 = arith.constant 127 : i32
        %and3A_2401 = vector.broadcast %and3A_2400 : i32 to vector<16xi32>
        %and3A_2402 = arith.andi %add3A_2373, %and3A_2401 : vector<16xi32>
        %add3A_2403 = arith.addi %add3A_2399, %and3A_2402 : vector<16xi32>
        %swap3A_2404 = arith.constant 48 : index
        %swap3A_2405 = tpu.vector_load %arg11[%swap3A_2404] {strides = array<i32>} : memref<64xi32, #tpu.memory_space<vmem>>, vector<16xi32>,
        tpu.vector_store %arg11[%swap3A_2404], %add3A_2403 {strides = array<i32>} : memref<64xi32, #tpu.memory_space<vmem>>, vector<16xi32>,
        %dma_start3A_2406 = arith.constant 0 : i32
        %dma_start3A_2407 = tpu.memref_slice %arg4[%dma_start3A_2406] : memref<16777216xf32, #tpu.memory_space<hbm>> -> memref<16777216xf32, #tpu.memory_space<hbm>>
        tpu.enqueue_indirect_dma source(%dma_start3A_2407 : memref<16777216xf32, #tpu.memory_space<hbm>>) target(%arg16 : memref<64xf32, #tpu.memory_space<vmem>>) offsets(%arg11 : memref<64xi32, #tpu.memory_space<vmem>>) semaphore(%arg21 : memref<!tpu.dma_semaphore, #tpu.memory_space<semaphore_mem>>)
        %dma_wait3A_2408 = arith.constant 0 : i32
        %dma_wait3A_2409 = tpu.memref_slice %arg4[%dma_wait3A_2408] : memref<16777216xf32, #tpu.memory_space<hbm>> -> memref<16777216xf32, #tpu.memory_space<hbm>>
        tpu.wait_indirect_dma semaphore(%arg21 : memref<!tpu.dma_semaphore, #tpu.memory_space<semaphore_mem>>) src(%dma_wait3A_2409 : memref<16777216xf32, #tpu.memory_space<hbm>>) dst(%arg15 : memref<64xf32, #tpu.memory_space<vmem>>)
        %get3A_2410 = arith.constant 0 : index
        %get3A_2411 = tpu.vector_load %arg15[%get3A_2410] {strides = array<i32>} : memref<64xf32, #tpu.memory_space<vmem>>, vector<16xf32>,
        %gt3A_2412 = arith.constant 5.000000e-01 : f32
        %gt3A_2413 = vector.broadcast %gt3A_2412 : f32 to vector<16xf32>
        %gt3A_2414 = arith.cmpf ogt, %get3A_2411, %gt3A_2413 : vector<16xf32>
        %convert_element_type3A_2415 = arith.extui %gt3A_2414 : vector<16xi1> to vector<16xi32>
        %swap3A_2416 = arith.constant 0 : index
        %swap3A_2417 = tpu.vector_load %arg12[%swap3A_2416] {strides = array<i32>} : memref<128xi32, #tpu.memory_space<vmem>>, vector<16xi32>,
        tpu.vector_store %arg12[%swap3A_2416], %convert_element_type3A_2415 {strides = array<i32>} : memref<128xi32, #tpu.memory_space<vmem>>, vector<16xi32>,
        %get3A_2418 = arith.constant 16 : index
        %get3A_2419 = tpu.vector_load %arg15[%get3A_2418] {strides = array<i32>} : memref<64xf32, #tpu.memory_space<vmem>>, vector<16xf32>,
        %gt3A_2420 = arith.constant 5.000000e-01 : f32
        %gt3A_2421 = vector.broadcast %gt3A_2420 : f32 to vector<16xf32>
        %gt3A_2422 = arith.cmpf ogt, %get3A_2419, %gt3A_2421 : vector<16xf32>
        %convert_element_type3A_2423 = arith.extui %gt3A_2422 : vector<16xi1> to vector<16xi32>
        %swap3A_2424 = arith.constant 16 : index
        %swap3A_2425 = tpu.vector_load %arg12[%swap3A_2424] {strides = array<i32>} : memref<128xi32, #tpu.memory_space<vmem>>, vector<16xi32>,
        tpu.vector_store %arg12[%swap3A_2424], %convert_element_type3A_2423 {strides = array<i32>} : memref<128xi32, #tpu.memory_space<vmem>>, vector<16xi32>,
        %get3A_2426 = arith.constant 32 : index
        %get3A_2427 = tpu.vector_load %arg15[%get3A_2426] {strides = array<i32>} : memref<64xf32, #tpu.memory_space<vmem>>, vector<16xf32>,
        %gt3A_2428 = arith.constant 5.000000e-01 : f32
        %gt3A_2429 = vector.broadcast %gt3A_2428 : f32 to vector<16xf32>
        %gt3A_2430 = arith.cmpf ogt, %get3A_2427, %gt3A_2429 : vector<16xf32>
        %convert_element_type3A_2431 = arith.extui %gt3A_2430 : vector<16xi1> to vector<16xi32>
        %swap3A_2432 = arith.constant 32 : index
        %swap3A_2433 = tpu.vector_load %arg12[%swap3A_2432] {strides = array<i32>} : memref<128xi32, #tpu.memory_space<vmem>>, vector<16xi32>,
        tpu.vector_store %arg12[%swap3A_2432], %convert_element_type3A_2431 {strides = array<i32>} : memref<128xi32, #tpu.memory_space<vmem>>, vector<16xi32>,
        %get3A_2434 = arith.constant 48 : index
        %get3A_2435 = tpu.vector_load %arg15[%get3A_2434] {strides = array<i32>} : memref<64xf32, #tpu.memory_space<vmem>>, vector<16xf32>,
        %gt3A_2436 = arith.constant 5.000000e-01 : f32
        %gt3A_2437 = vector.broadcast %gt3A_2436 : f32 to vector<16xf32>
        %gt3A_2438 = arith.cmpf ogt, %get3A_2435, %gt3A_2437 : vector<16xf32>
        %convert_element_type3A_2439 = arith.extui %gt3A_2438 : vector<16xi1> to vector<16xi32>
        %swap3A_2440 = arith.constant 48 : index
        %swap3A_2441 = tpu.vector_load %arg12[%swap3A_2440] {strides = array<i32>} : memref<128xi32, #tpu.memory_space<vmem>>, vector<16xi32>,
        tpu.vector_store %arg12[%swap3A_2440], %convert_element_type3A_2439 {strides = array<i32>} : memref<128xi32, #tpu.memory_space<vmem>>, vector<16xi32>,
        %dma_wait3A_2442 = arith.constant 0 : i32
        %dma_wait3A_2443 = tpu.memref_slice %arg4[%dma_wait3A_2442] : memref<16777216xf32, #tpu.memory_space<hbm>> -> memref<16777216xf32, #tpu.memory_space<hbm>>
        tpu.wait_indirect_dma semaphore(%arg21 : memref<!tpu.dma_semaphore, #tpu.memory_space<semaphore_mem>>) src(%dma_wait3A_2443 : memref<16777216xf32, #tpu.memory_space<hbm>>) dst(%arg16 : memref<64xf32, #tpu.memory_space<vmem>>)
        %get3A_2444 = arith.constant 0 : index
        %get3A_2445 = tpu.vector_load %arg16[%get3A_2444] {strides = array<i32>} : memref<64xf32, #tpu.memory_space<vmem>>, vector<16xf32>,
        %gt3A_2446 = arith.constant 5.000000e-01 : f32
        %gt3A_2447 = vector.broadcast %gt3A_2446 : f32 to vector<16xf32>
        %gt3A_2448 = arith.cmpf ogt, %get3A_2445, %gt3A_2447 : vector<16xf32>
        %convert_element_type3A_2449 = arith.extui %gt3A_2448 : vector<16xi1> to vector<16xi32>
        %swap3A_2450 = arith.constant 64 : index
        %swap3A_2451 = tpu.vector_load %arg12[%swap3A_2450] {strides = array<i32>} : memref<128xi32, #tpu.memory_space<vmem>>, vector<16xi32>,
        tpu.vector_store %arg12[%swap3A_2450], %convert_element_type3A_2449 {strides = array<i32>} : memref<128xi32, #tpu.memory_space<vmem>>, vector<16xi32>,
        %get3A_2452 = arith.constant 16 : index
        %get3A_2453 = tpu.vector_load %arg16[%get3A_2452] {strides = array<i32>} : memref<64xf32, #tpu.memory_space<vmem>>, vector<16xf32>,
        %gt3A_2454 = arith.constant 5.000000e-01 : f32
        %gt3A_2455 = vector.broadcast %gt3A_2454 : f32 to vector<16xf32>
        %gt3A_2456 = arith.cmpf ogt, %get3A_2453, %gt3A_2455 : vector<16xf32>
        %convert_element_type3A_2457 = arith.extui %gt3A_2456 : vector<16xi1> to vector<16xi32>
        %swap3A_2458 = arith.constant 80 : index
        %swap3A_2459 = tpu.vector_load %arg12[%swap3A_2458] {strides = array<i32>} : memref<128xi32, #tpu.memory_space<vmem>>, vector<16xi32>,
        tpu.vector_store %arg12[%swap3A_2458], %convert_element_type3A_2457 {strides = array<i32>} : memref<128xi32, #tpu.memory_space<vmem>>, vector<16xi32>,
        %get3A_2460 = arith.constant 32 : index
        %get3A_2461 = tpu.vector_load %arg16[%get3A_2460] {strides = array<i32>} : memref<64xf32, #tpu.memory_space<vmem>>, vector<16xf32>,
        %gt3A_2462 = arith.constant 5.000000e-01 : f32
        %gt3A_2463 = vector.broadcast %gt3A_2462 : f32 to vector<16xf32>
        %gt3A_2464 = arith.cmpf ogt, %get3A_2461, %gt3A_2463 : vector<16xf32>
        %convert_element_type3A_2465 = arith.extui %gt3A_2464 : vector<16xi1> to vector<16xi32>
        %swap3A_2466 = arith.constant 96 : index
        %swap3A_2467 = tpu.vector_load %arg12[%swap3A_2466] {strides = array<i32>} : memref<128xi32, #tpu.memory_space<vmem>>, vector<16xi32>,
        tpu.vector_store %arg12[%swap3A_2466], %convert_element_type3A_2465 {strides = array<i32>} : memref<128xi32, #tpu.memory_space<vmem>>, vector<16xi32>,
        %get3A_2468 = arith.constant 48 : index
        %get3A_2469 = tpu.vector_load %arg16[%get3A_2468] {strides = array<i32>} : memref<64xf32, #tpu.memory_space<vmem>>, vector<16xf32>,
        %gt3A_2470 = arith.constant 5.000000e-01 : f32
        %gt3A_2471 = vector.broadcast %gt3A_2470 : f32 to vector<16xf32>
        %gt3A_2472 = arith.cmpf ogt, %get3A_2469, %gt3A_2471 : vector<16xf32>
        %convert_element_type3A_2473 = arith.extui %gt3A_2472 : vector<16xi1> to vector<16xi32>
        %swap3A_2474 = arith.constant 112 : index
        %swap3A_2475 = tpu.vector_load %arg12[%swap3A_2474] {strides = array<i32>} : memref<128xi32, #tpu.memory_space<vmem>>, vector<16xi32>,
        tpu.vector_store %arg12[%swap3A_2474], %convert_element_type3A_2473 {strides = array<i32>} : memref<128xi32, #tpu.memory_space<vmem>>, vector<16xi32>,
        %mul3A_2476 = arith.constant 128 : i32
        %mul3A_2477 = arith.muli %arg1, %mul3A_2476 : i32
        %add3A_2478 = arith.constant 2048 : i32
        %add3A_2479 = arith.addi %add3A_2478, %mul3A_2477 : i32
        "tpu.region"() ({
          %run_scoped3A = tpu.sem_alloc : memref<!tpu.dma_semaphore, #tpu.memory_space<semaphore_mem>>
          %dma_start3A_2481 = tpu.memref_slice %arg19[%add3A_2479] : memref<4096xi32, #tpu.memory_space<vmem_shared>> -> memref<128xi32, #tpu.memory_space<vmem_shared>>
          %dma_start3A_2482 = tpu.memref_slice %arg19[%add3A_2479] : memref<4096xi32, #tpu.memory_space<vmem_shared>> -> memref<128xi32, #tpu.memory_space<vmem_shared>>
          tpu.enqueue_dma source(%arg12 : memref<128xi32, #tpu.memory_space<vmem>>) target(%dma_start3A_2482 : memref<128xi32, #tpu.memory_space<vmem_shared>>) target_semaphore(%run_scoped3A : memref<!tpu.dma_semaphore, #tpu.memory_space<semaphore_mem>>)
          %dma_wait3A_2483 = tpu.memref_slice %arg19[%add3A_2479] : memref<4096xi32, #tpu.memory_space<vmem_shared>> -> memref<128xi32, #tpu.memory_space<vmem_shared>>
          %dma_wait3A_2484 = tpu.memref_slice %arg19[%add3A_2479] : memref<4096xi32, #tpu.memory_space<vmem_shared>> -> memref<128xi32, #tpu.memory_space<vmem_shared>>
          tpu.wait_dma2 semaphore(%run_scoped3A : memref<!tpu.dma_semaphore, #tpu.memory_space<semaphore_mem>>) src(%arg12 : memref<128xi32, #tpu.memory_space<vmem>>) dst(%dma_wait3A_2484 : memref<128xi32, #tpu.memory_space<vmem_shared>>)
          tpu.yield
        }) : () -> ()
        %barrier3A_2480 = arith.constant 0 : index
        tpu.barrier barrier_id(%barrier3A_2480)
        "tpu.region"() ({
          %run_scoped3A = tpu.sem_alloc : memref<!tpu.dma_semaphore, #tpu.memory_space<semaphore_mem>>
          %dma_start3A_2481 = arith.constant 4096 : i32
          %dma_start3A_2482 = tpu.memref_slice %arg8[%dma_start3A_2481] : memref<6144xi32, #tpu.memory_space<vmem>> -> memref<2048xi32, #tpu.memory_space<vmem>>
          %dma_start3A_2483 = arith.constant 2048 : i32
          %dma_start3A_2484 = tpu.memref_slice %arg19[%dma_start3A_2483] : memref<4096xi32, #tpu.memory_space<vmem_shared>> -> memref<2048xi32, #tpu.memory_space<vmem_shared>>
          %dma_start3A_2485 = arith.constant 4096 : i32
          %dma_start3A_2486 = tpu.memref_slice %arg8[%dma_start3A_2485] : memref<6144xi32, #tpu.memory_space<vmem>> -> memref<2048xi32, #tpu.memory_space<vmem>>
          %dma_start3A_2487 = arith.constant 2048 : i32
          %dma_start3A_2488 = tpu.memref_slice %arg19[%dma_start3A_2487] : memref<4096xi32, #tpu.memory_space<vmem_shared>> -> memref<2048xi32, #tpu.memory_space<vmem_shared>>
          tpu.enqueue_dma source(%dma_start3A_2488 : memref<2048xi32, #tpu.memory_space<vmem_shared>>) target(%dma_start3A_2486 : memref<2048xi32, #tpu.memory_space<vmem>>) target_semaphore(%run_scoped3A : memref<!tpu.dma_semaphore, #tpu.memory_space<semaphore_mem>>)
          %dma_wait3A_2489 = arith.constant 4096 : i32
          %dma_wait3A_2490 = tpu.memref_slice %arg8[%dma_wait3A_2489] : memref<6144xi32, #tpu.memory_space<vmem>> -> memref<2048xi32, #tpu.memory_space<vmem>>
          %dma_wait3A_2491 = arith.constant 2048 : i32
          %dma_wait3A_2492 = tpu.memref_slice %arg19[%dma_wait3A_2491] : memref<4096xi32, #tpu.memory_space<vmem_shared>> -> memref<2048xi32, #tpu.memory_space<vmem_shared>>
          %dma_wait3A_2493 = arith.constant 4096 : i32
          %dma_wait3A_2494 = tpu.memref_slice %arg8[%dma_wait3A_2493] : memref<6144xi32, #tpu.memory_space<vmem>> -> memref<2048xi32, #tpu.memory_space<vmem>>
          %dma_wait3A_2495 = arith.constant 2048 : i32
          %dma_wait3A_2496 = tpu.memref_slice %arg19[%dma_wait3A_2495] : memref<4096xi32, #tpu.memory_space<vmem_shared>> -> memref<2048xi32, #tpu.memory_space<vmem_shared>>
          tpu.wait_dma2 semaphore(%run_scoped3A : memref<!tpu.dma_semaphore, #tpu.memory_space<semaphore_mem>>) src(%dma_wait3A_2496 : memref<2048xi32, #tpu.memory_space<vmem_shared>>) dst(%dma_wait3A_2494 : memref<2048xi32, #tpu.memory_space<vmem>>)
          tpu.yield
        }) : () -> ()
      }
      %scan3A_174 = arith.constant 16 : i32
      %dma_wait3A = arith.constant 0 : i32
      %dma_wait3A_175 = tpu.memref_slice %arg8[%dma_wait3A] : memref<6144xi32, #tpu.memory_space<vmem>> -> memref<2048xi32, #tpu.memory_space<vmem>>
      %dma_wait3A_176 = arith.constant 0 : i32
      %dma_wait3A_177 = tpu.memref_slice %arg2[%dma_wait3A_176] : memref<65536xi32, #tpu.memory_space<hbm>> -> memref<2048xi32, #tpu.memory_space<hbm>>
      %dma_wait3A_178 = arith.constant 0 : i32
      %dma_wait3A_179 = tpu.memref_slice %arg8[%dma_wait3A_178] : memref<6144xi32, #tpu.memory_space<vmem>> -> memref<2048xi32, #tpu.memory_space<vmem>>
      %dma_wait3A_180 = arith.constant 0 : i32
      %dma_wait3A_181 = tpu.memref_slice %arg2[%dma_wait3A_180] : memref<65536xi32, #tpu.memory_space<hbm>> -> memref<2048xi32, #tpu.memory_space<hbm>>
      tpu.wait_dma2 semaphore(%arg20 : memref<!tpu.dma_semaphore, #tpu.memory_space<semaphore_mem>>) src(%dma_wait3A_181 : memref<2048xi32, #tpu.memory_space<hbm>>) dst(%dma_wait3A_179 : memref<2048xi32, #tpu.memory_space<vmem>>)
      %dma_wait3A_182 = arith.constant 0 : i32
      %dma_wait3A_183 = tpu.memref_slice %arg5[%dma_wait3A_182] : memref<16384xi32, #tpu.memory_space<hbm>> -> memref<16384xi32, #tpu.memory_space<hbm>>
      tpu.wait_indirect_dma semaphore(%arg22 : memref<!tpu.dma_semaphore, #tpu.memory_space<semaphore_mem>>) src(%dma_wait3A_183 : memref<16384xi32, #tpu.memory_space<hbm>>) dst(%arg14 : memref<128xi32, #tpu.memory_space<vmem>>)
      %broadcast_in_dim3A_184 = arith.constant 0 : i32
      %broadcast_in_dim3A_185 = vector.broadcast %broadcast_in_dim3A_184 : i32 to vector<16xi32>
      %get3A_186 = arith.constant 0 : index
      %get3A_187 = tpu.vector_load %arg14[%get3A_186] {strides = array<i32>} : memref<128xi32, #tpu.memory_space<vmem>>, vector<16xi32>,
      %add3A_188 = arith.constant 4096 : i32
      %add3A_189 = vector.broadcast %add3A_188 : i32 to vector<16xi32>
      %add3A_190 = arith.addi %get3A_187, %add3A_189 : vector<16xi32>
      %gather3A = tpu.vector_load_idx %arg8[%add3A_190] : memref<6144xi32, #tpu.memory_space<vmem>>[vector<16xi32>], vector<16xi32>,
      %add3A_191 = arith.addi %broadcast_in_dim3A_185, %broadcast_in_dim3A_185 : vector<16xi32>
      %add3A_192 = arith.addi %add3A_191, %gather3A : vector<16xi32>
      %get3A_193 = arith.constant 16 : index
      %get3A_194 = tpu.vector_load %arg14[%get3A_193] {strides = array<i32>} : memref<128xi32, #tpu.memory_space<vmem>>, vector<16xi32>,
      %add3A_195 = arith.constant 4096 : i32
      %add3A_196 = vector.broadcast %add3A_195 : i32 to vector<16xi32>
      %add3A_197 = arith.addi %get3A_194, %add3A_196 : vector<16xi32>
      %gather3A_198 = tpu.vector_load_idx %arg8[%add3A_197] : memref<6144xi32, #tpu.memory_space<vmem>>[vector<16xi32>], vector<16xi32>,
      %add3A_199 = arith.addi %add3A_192, %add3A_192 : vector<16xi32>
      %add3A_200 = arith.addi %add3A_199, %gather3A_198 : vector<16xi32>
      %get3A_201 = arith.constant 32 : index
      %get3A_202 = tpu.vector_load %arg14[%get3A_201] {strides = array<i32>} : memref<128xi32, #tpu.memory_space<vmem>>, vector<16xi32>,
      %add3A_203 = arith.constant 4096 : i32
      %add3A_204 = vector.broadcast %add3A_203 : i32 to vector<16xi32>
      %add3A_205 = arith.addi %get3A_202, %add3A_204 : vector<16xi32>
      %gather3A_206 = tpu.vector_load_idx %arg8[%add3A_205] : memref<6144xi32, #tpu.memory_space<vmem>>[vector<16xi32>], vector<16xi32>,
      %add3A_207 = arith.addi %add3A_200, %add3A_200 : vector<16xi32>
      %add3A_208 = arith.addi %add3A_207, %gather3A_206 : vector<16xi32>
      %get3A_209 = arith.constant 48 : index
      %get3A_210 = tpu.vector_load %arg14[%get3A_209] {strides = array<i32>} : memref<128xi32, #tpu.memory_space<vmem>>, vector<16xi32>,
      %add3A_211 = arith.constant 4096 : i32
      %add3A_212 = vector.broadcast %add3A_211 : i32 to vector<16xi32>
      %add3A_213 = arith.addi %get3A_210, %add3A_212 : vector<16xi32>
      %gather3A_214 = tpu.vector_load_idx %arg8[%add3A_213] : memref<6144xi32, #tpu.memory_space<vmem>>[vector<16xi32>], vector<16xi32>,
      %add3A_215 = arith.addi %add3A_208, %add3A_208 : vector<16xi32>
      %add3A_216 = arith.addi %add3A_215, %gather3A_214 : vector<16xi32>
      %get3A_217 = arith.constant 64 : index
      %get3A_218 = tpu.vector_load %arg14[%get3A_217] {strides = array<i32>} : memref<128xi32, #tpu.memory_space<vmem>>, vector<16xi32>,
      %add3A_219 = arith.constant 4096 : i32
      %add3A_220 = vector.broadcast %add3A_219 : i32 to vector<16xi32>
      %add3A_221 = arith.addi %get3A_218, %add3A_220 : vector<16xi32>
      %gather3A_222 = tpu.vector_load_idx %arg8[%add3A_221] : memref<6144xi32, #tpu.memory_space<vmem>>[vector<16xi32>], vector<16xi32>,
      %add3A_223 = arith.addi %add3A_216, %add3A_216 : vector<16xi32>
      %add3A_224 = arith.addi %add3A_223, %gather3A_222 : vector<16xi32>
      %get3A_225 = arith.constant 80 : index
      %get3A_226 = tpu.vector_load %arg14[%get3A_225] {strides = array<i32>} : memref<128xi32, #tpu.memory_space<vmem>>, vector<16xi32>,
      %add3A_227 = arith.constant 4096 : i32
      %add3A_228 = vector.broadcast %add3A_227 : i32 to vector<16xi32>
      %add3A_229 = arith.addi %get3A_226, %add3A_228 : vector<16xi32>
      %gather3A_230 = tpu.vector_load_idx %arg8[%add3A_229] : memref<6144xi32, #tpu.memory_space<vmem>>[vector<16xi32>], vector<16xi32>,
      %add3A_231 = arith.addi %add3A_224, %add3A_224 : vector<16xi32>
      %add3A_232 = arith.addi %add3A_231, %gather3A_230 : vector<16xi32>
      %get3A_233 = arith.constant 96 : index
      %get3A_234 = tpu.vector_load %arg14[%get3A_233] {strides = array<i32>} : memref<128xi32, #tpu.memory_space<vmem>>, vector<16xi32>,
      %add3A_235 = arith.constant 4096 : i32
      %add3A_236 = vector.broadcast %add3A_235 : i32 to vector<16xi32>
      %add3A_237 = arith.addi %get3A_234, %add3A_236 : vector<16xi32>
      %gather3A_238 = tpu.vector_load_idx %arg8[%add3A_237] : memref<6144xi32, #tpu.memory_space<vmem>>[vector<16xi32>], vector<16xi32>,
      %add3A_239 = arith.addi %add3A_232, %add3A_232 : vector<16xi32>
      %add3A_240 = arith.addi %add3A_239, %gather3A_238 : vector<16xi32>
      %get3A_241 = arith.constant 112 : index
      %get3A_242 = tpu.vector_load %arg14[%get3A_241] {strides = array<i32>} : memref<128xi32, #tpu.memory_space<vmem>>, vector<16xi32>,
      %add3A_243 = arith.constant 4096 : i32
      %add3A_244 = vector.broadcast %add3A_243 : i32 to vector<16xi32>
      %add3A_245 = arith.addi %get3A_242, %add3A_244 : vector<16xi32>
      %gather3A_246 = tpu.vector_load_idx %arg8[%add3A_245] : memref<6144xi32, #tpu.memory_space<vmem>>[vector<16xi32>], vector<16xi32>,
      %add3A_247 = arith.addi %add3A_240, %add3A_240 : vector<16xi32>
      %add3A_248 = arith.addi %add3A_247, %gather3A_246 : vector<16xi32>
      %mul3A_249 = arith.constant 65536 : i32
      %mul3A_250 = arith.muli %and3A_18, %mul3A_249 : i32
      %mul3A_251 = arith.constant 2 : i32
      %mul3A_252 = arith.muli %arg1, %mul3A_251 : i32
      %shift_right_arithmetic3A_253 = arith.constant 3 : i32
      %shift_right_arithmetic3A_254 = vector.broadcast %shift_right_arithmetic3A_253 : i32 to vector<16xi32>
      %shift_right_arithmetic3A_255 = arith.shrsi %iota3A, %shift_right_arithmetic3A_254 : vector<16xi32>
      %add3A_256 = vector.broadcast %mul3A_252 : i32 to vector<16xi32>
      %add3A_257 = arith.addi %add3A_256, %shift_right_arithmetic3A_255 : vector<16xi32>
      %mul3A_258 = arith.constant 2048 : i32
      %mul3A_259 = vector.broadcast %mul3A_258 : i32 to vector<16xi32>
      %mul3A_260 = arith.muli %add3A_257, %mul3A_259 : vector<16xi32>
      %add3A_261 = vector.broadcast %mul3A_250 : i32 to vector<16xi32>
      %add3A_262 = arith.addi %add3A_261, %mul3A_260 : vector<16xi32>
      %shift_right_arithmetic3A_263 = arith.constant 7 : i32
      %shift_right_arithmetic3A_264 = vector.broadcast %shift_right_arithmetic3A_263 : i32 to vector<16xi32>
      %shift_right_arithmetic3A_265 = arith.shrsi %add3A_248, %shift_right_arithmetic3A_264 : vector<16xi32>
      %shift_left3A_266 = arith.constant 10 : i32
      %shift_left3A_267 = vector.broadcast %shift_left3A_266 : i32 to vector<16xi32>
      %shift_left3A_268 = arith.shli %shift_right_arithmetic3A_265, %shift_left3A_267 : vector<16xi32>
      %add3A_269 = arith.addi %add3A_262, %shift_left3A_268 : vector<16xi32>
      %and3A_270 = arith.constant 7 : i32
      %and3A_271 = vector.broadcast %and3A_270 : i32 to vector<16xi32>
      %and3A_272 = arith.andi %iota3A, %and3A_271 : vector<16xi32>
      %shift_left3A_273 = arith.constant 7 : i32
      %shift_left3A_274 = vector.broadcast %shift_left3A_273 : i32 to vector<16xi32>
      %shift_left3A_275 = arith.shli %and3A_272, %shift_left3A_274 : vector<16xi32>
      %add3A_276 = arith.addi %add3A_269, %shift_left3A_275 : vector<16xi32>
      %and3A_277 = arith.constant 127 : i32
      %and3A_278 = vector.broadcast %and3A_277 : i32 to vector<16xi32>
      %and3A_279 = arith.andi %add3A_248, %and3A_278 : vector<16xi32>
      %add3A_280 = arith.addi %add3A_276, %and3A_279 : vector<16xi32>
      %swap3A_281 = arith.constant 0 : index
      %swap3A_282 = tpu.vector_load %arg17[%swap3A_281] {strides = array<i32>} : memref<16xi32, #tpu.memory_space<vmem>>, vector<16xi32>,
      tpu.vector_store %arg17[%swap3A_281], %add3A_280 {strides = array<i32>} : memref<16xi32, #tpu.memory_space<vmem>>, vector<16xi32>,
      %dma_start3A_283 = arith.constant 0 : i32
      %dma_start3A_284 = tpu.memref_slice %arg6[%dma_start3A_283] : memref<524288xf32, #tpu.memory_space<hbm>> -> memref<524288xf32, #tpu.memory_space<hbm>>
      tpu.enqueue_indirect_dma source(%dma_start3A_284 : memref<524288xf32, #tpu.memory_space<hbm>>) target(%arg18 : memref<16xf32, #tpu.memory_space<vmem>>) offsets(%arg17 : memref<16xi32, #tpu.memory_space<vmem>>) semaphore(%arg21 : memref<!tpu.dma_semaphore, #tpu.memory_space<semaphore_mem>>)
      %dma_wait3A_285 = arith.constant 0 : i32
      %dma_wait3A_286 = tpu.memref_slice %arg6[%dma_wait3A_285] : memref<524288xf32, #tpu.memory_space<hbm>> -> memref<524288xf32, #tpu.memory_space<hbm>>
      tpu.wait_indirect_dma semaphore(%arg21 : memref<!tpu.dma_semaphore, #tpu.memory_space<semaphore_mem>>) src(%dma_wait3A_286 : memref<524288xf32, #tpu.memory_space<hbm>>) dst(%arg18 : memref<16xf32, #tpu.memory_space<vmem>>)
      %mul3A_287 = arith.constant 16 : i32
      %mul3A_288 = arith.muli %arg1, %mul3A_287 : i32
      "tpu.region"() ({
        %run_scoped3A = tpu.sem_alloc : memref<!tpu.dma_semaphore, #tpu.memory_space<semaphore_mem>>
        %dma_start3A_289 = tpu.memref_slice %arg7[%mul3A_288] : memref<256xf32, #tpu.memory_space<hbm>> -> memref<16xf32, #tpu.memory_space<hbm>>
        %dma_start3A_290 = tpu.memref_slice %arg7[%mul3A_288] : memref<256xf32, #tpu.memory_space<hbm>> -> memref<16xf32, #tpu.memory_space<hbm>>
        tpu.enqueue_dma source(%arg18 : memref<16xf32, #tpu.memory_space<vmem>>) target(%dma_start3A_290 : memref<16xf32, #tpu.memory_space<hbm>>) target_semaphore(%run_scoped3A : memref<!tpu.dma_semaphore, #tpu.memory_space<semaphore_mem>>)
        %dma_wait3A_291 = tpu.memref_slice %arg7[%mul3A_288] : memref<256xf32, #tpu.memory_space<hbm>> -> memref<16xf32, #tpu.memory_space<hbm>>
        %dma_wait3A_292 = tpu.memref_slice %arg7[%mul3A_288] : memref<256xf32, #tpu.memory_space<hbm>> -> memref<16xf32, #tpu.memory_space<hbm>>
        tpu.wait_dma2 semaphore(%run_scoped3A : memref<!tpu.dma_semaphore, #tpu.memory_space<semaphore_mem>>) src(%arg18 : memref<16xf32, #tpu.memory_space<vmem>>) dst(%dma_wait3A_292 : memref<16xf32, #tpu.memory_space<hbm>>)
        tpu.yield
      }) : () -> ()
    } else {
    }
    return
  }
}

</mosaic_0001>

<sc_bundles>
// kernel: kernel.3.cloned.1.call-start
scs
__scs_entry_jumppad:
0x0: {  	(pc) =	sbr.rel $0x88, $3  }
0x1: {  	(tag) =	ssettag $0x0;
	lr =	simm.s32 $0x1  }
0x2: {  	[smem:$0x3F9C] =	sst lr;
	_ =	strace $0xD0000000  }
0x3: {  	_ = 	snop  }
0x4: {  	_ = 	snop  }
0x5: {  	_ = 	snop  }
0x6: {  	_ = 	snop  }
0x7: {  	_ = 	snop  }
__scs_overlays_trampoline_lowered:
0x8: {  	[smem:$0x3FAB] =	sst s0  }
0x9: {  	[smem:$0x3FAC] =	sst s1  }
0xa: {  	[smem:$0x3FAD] =	sst s2  }
0xb: {  	[smem:$0x3FAE] =	sst s3  }
0xc: {  	[smem:$0x3FAF] =	sst s4  }
0xd: {  	[smem:$0x3FB0] =	sst s5  }
0xe: {  	[smem:$0x3FB1] =	sst s6  }
0xf: {  	[smem:$0x3FB2] =	sst s7  }
0x10: {  	[smem:$0x3FB3] =	sst s8  }
0x11: {  	[smem:$0x3FB4] =	sst s9;
	s0 =	simm.s32 @!p0 $0x0  }
0x12: {  	s1 =	sld [smem:$0x3F9A];
	s0 =	simm.s32 @p0 $0x1  }
0x13: {  	[smem:$0x3FB5] =	sst s0;
	s0 =	simm.s32 @!p1 $0x0  }
0x14: {  	s2 =	sld [smem:$0x3F99];
	s0 =	simm.s32 @p1 $0x1  }
0x15: {  	[smem:$0x3FB6] =	sst s0;
	s0 =	simm.s32 @!p2 $0x0  }
0x16: {  	s3 =	sld [smem:$0x3FDB];
	s0 =	simm.s32 @p2 $0x1  }
0x17: {  	s4 =	simm.s32 $0x1BF5;
	[smem:$0x3FB8] =	sst s0  }
0x18: {  	s0 =	sld [smem:$0x3F9B];
	_ =	swait.ge [sflag:s4], $0x0  }
0x19: {  	s7 =	sld [smem:$0x3F9C]  }
0x1a: {  	s8 =	sadd.s32 $0xFFFFE003, lr  }
0x1b: {  	s9 =	sadd.s32 $0xFFFFFEF7, lr;
	s5 =	simm.s32 $0xFFFFFFFF;
	p2 =	slt.u32 s8, $0xFFFFF086  }
0x1c: {  	p1 =	slt.u32 s9, $0xF7A;
	s5 =	simm.s32 @!p2 $0x0  }
0x1d: {  	s5 =	simm.s32 @p1 $0x1;
	p0 =	seq.s32 s7, s2  }
0x1e: {  	s7 =	smul.u32 @!p0 $0xF7A, s2;
	p2 =	seq.s32 @!p0 s5, $0x0  }
0x1f: {  	s9 =	smul.u32 $0xF7A, s1;
	s8 =	simm.s32 @!p0 $0x1BF5;
	p2 =	por !p2, p0  }
0x20: {  	[sflag:s8] =	ssyncset.s32 @!p0 $0xFFFFF086;
	s6 =	sadd.s32 @!p0 s3, s7;
	s7 =	simm.s32 @!p0 $0x108  }
0x21: {  	s3 =	sadd.s32 s3, s9;
	s6 =	sadd.s32 @!p0 $0x88, s6;
	s7 =	simm.s32 @p2 $0x1082  }
0x22: {  	[simem:s7], [sflag:s8] =	dma.local @!p0 [hbm:s6], $0xF7A  }
0x23: {  	s9 =	sor.u32 $0xD0000000, s2;
	s6 =	simm.s32 $0x108;
	_ =	swait.ge @!p0 [sflag:s8], $0x0  }
0x24: {  	s3 =	sadd.s32 $0x88, s3;
	s6 =	simm.s32 @!p1 $0x1082;
	[sflag:s4] =	ssyncset.s32 $0xFFFFF086  }
0x25: {  	[simem:s6], [sflag:s4] =	dma.local [hbm:s3], $0xF7A  }
0x26: {  	[smem:$0x3F9C] =	sst s1;
	(tag) =	ssettag s2;
	_ =	strace s9  }
0x27: {  	s1 =	sld [smem:$0x3FAC]  }
0x28: {  	s2 =	sld [smem:$0x3FAD]  }
0x29: {  	s4 =	sld [smem:$0x3FAF]  }
0x2a: {  	p0 =	seq.s32 s5, $0x0;
	s5 =	sld [smem:$0x3FB0]  }
0x2b: {  	s6 =	sld [smem:$0x3FB1]  }
0x2c: {  	s7 =	sld [smem:$0x3FB2]  }
0x2d: {  	s3 =	simm.s32 $0x108;
	s8 =	sld [smem:$0x3FB3]  }
0x2e: {  	s3 =	simm.s32 @!p0 $0x1082;
	s9 =	sld [smem:$0x3FB4]  }
0x2f: {  	lr =	sadd.s32 s0, s3;
	s0 =	sld [smem:$0x3FAB]  }
0x30: {  	s3 =	sld [smem:$0x3FAE]  }
0x31: {  	[smem:$0x3FB7] =	sst s10  }
0x32: {  	s10 =	sld [smem:$0x3FB5];
	_ =	sdelay $0x3  }
0x33: {  	p0 =	seq.s32 s10, $0x1;
	s10 =	sld [smem:$0x3FB7];
	_ =	sdelay $0x3  }
0x34: {  	[smem:$0x3FB7] =	sst s10  }
0x35: {  	s10 =	sld [smem:$0x3FB6];
	_ =	sdelay $0x3  }
0x36: {  	p1 =	seq.s32 s10, $0x1;
	s10 =	sld [smem:$0x3FB7];
	_ =	sdelay $0x3  }
0x37: {  	[smem:$0x3FB7] =	sst s10  }
0x38: {  	s10 =	sld [smem:$0x3FB8]  }
0x39: {  	_ = 	snop;
	(pc) =	sbr.ind lr, $3  }
0x3a: {  	_ = 	snop  }
0x3b: {  	_ = 	snop  }
0x3c: {  	p2 =	seq.s32 s10, $0x1;
	s10 =	sld [smem:$0x3FB7]  }
0x3d: {  	_ =	shalt  }
0x3e: {  	_ =	shalt  }
0x3f: {  	_ =	shalt  }
0x40: {  	_ =	shalt  }
0x41: {  	_ =	shalt  }
0x42: {  	_ =	shalt  }
0x43: {  	_ =	shalt  }
0x44: {  	_ =	shalt  }
0x45: {  	_ =	shalt  }
0x46: {  	_ =	shalt  }
0x47: {  	_ =	shalt  }
0x48: {  	_ =	shalt  }
0x49: {  	_ =	shalt  }
0x4a: {  	_ =	shalt  }
0x4b: {  	_ =	shalt  }
0x4c: {  	_ =	shalt  }
0x4d: {  	_ =	shalt  }
0x4e: {  	_ =	shalt  }
0x4f: {  	_ =	shalt  }
0x50: {  	_ =	shalt  }
0x51: {  	_ =	shalt  }
0x52: {  	_ =	shalt  }
0x53: {  	_ =	shalt  }
0x54: {  	_ =	shalt  }
0x55: {  	_ =	shalt  }
0x56: {  	_ =	shalt  }
0x57: {  	_ =	shalt  }
0x58: {  	_ =	shalt  }
0x59: {  	_ =	shalt  }
0x5a: {  	_ =	shalt  }
0x5b: {  	_ =	shalt  }
0x5c: {  	_ =	shalt  }
0x5d: {  	_ =	shalt  }
0x5e: {  	_ =	shalt  }
0x5f: {  	_ =	shalt  }
0x60: {  	_ =	shalt  }
0x61: {  	_ =	shalt  }
0x62: {  	_ =	shalt  }
0x63: {  	_ =	shalt  }
0x64: {  	_ =	shalt  }
0x65: {  	_ =	shalt  }
0x66: {  	_ =	shalt  }
0x67: {  	_ =	shalt  }
0x68: {  	_ =	shalt  }
0x69: {  	_ =	shalt  }
0x6a: {  	_ =	shalt  }
0x6b: {  	_ =	shalt  }
0x6c: {  	_ =	shalt  }
0x6d: {  	_ =	shalt  }
0x6e: {  	_ =	shalt  }
0x6f: {  	_ =	shalt  }
0x70: {  	_ =	shalt  }
0x71: {  	_ =	shalt  }
0x72: {  	_ =	shalt  }
0x73: {  	_ =	shalt  }
0x74: {  	_ =	shalt  }
0x75: {  	_ =	shalt  }
0x76: {  	_ =	shalt  }
0x77: {  	_ =	shalt  }
0x78: {  	_ =	shalt  }
0x79: {  	_ =	shalt  }
0x7a: {  	_ =	shalt  }
0x7b: {  	_ =	shalt  }
0x7c: {  	_ =	shalt  }
0x7d: {  	_ =	shalt  }
0x7e: {  	_ =	shalt  }
0x7f: {  	_ =	shalt  }
0x80: {  	_ =	shalt  }
0x81: {  	_ =	shalt  }
0x82: {  	_ =	shalt  }
0x83: {  	_ =	shalt  }
0x84: {  	_ =	shalt  }
0x85: {  	_ =	shalt  }
0x86: {  	_ =	shalt  }
0x87: {  	_ =	shalt  }
.Lfunc_end0:
.L_simem_size_0:
called_computation_lowered:
.L_overlay_start_0:
0x88: {  	s2 =	sld [smem:$0x3FD9]  }
0x89: {  	s3 =	sld [smem:$0x3FFE];
	_ =	sdelay $0x1  }
0x8a: {  	s1 =	srdreg.scid  }
0x8b: {  	s0 =	sand.u32 $0x1, s1  }
0x8c: {  	s17 =	sshll.u32 s0, $0xA;
	s2 =	sadd.s32 s3, s2  }
0x8d: {  	s2 =	sadd.s32 s2, s17  }
0x8e: {  	[smem:$0x3FC3] =	sst s2  }
0x8f: {  	_ = 	snop  }
0x90: {  	s2 =	sld [smem:$0x3FC9]  }
0x91: {  	s18 =	sld [smem:$0x3FC8]  }
0x92: {  	s4 =	sld [smem:$0x3FC7]  }
0x93: {  	s5 =	sld [smem:$0x3FC5]  }
0x94: {  	s6 =	sld [smem:$0x3FD0];
	(tm) =	ssettm $0x1  }
0x95: {  	s7 =	sld [smem:$0x3FFB];
	_ =	sdelay $0x3  }
0x96: {  	_ =	strace s7  }
0x97: {  	s7 =	sld [smem:$0x3FFC];
	_ =	sdelay $0x3  }
0x98: {  	_ =	strace s7  }
0x99: {  	s7 =	sld [smem:$0x3FFD];
	_ =	sdelay $0x3  }
0x9a: {  	_ =	strace s7  }
0x9b: {  	_ =	strace $0x8FFFFFFF  }
0x9c: {  	s19 =	sld [smem:$0x3FDB];
	_ =	sdelay $0x1  }
0x9d: {  	s8 =	simm.s32 $_scs_section_size  }
0x9e: {  	s9 =	simm.s32 $_size__tile_overlayer_lowered;
	s10 =	simm.s32 $_tile_overlayer_lowered  }
0x9f: {  	s22 =	simm.s32 $0x1BFF;
	s21 =	sshll.u32 s10, $0x1;
	s7 =	sadd.s32 s8, s19  }
0xa0: {  	s11 =	simm.s32 $0x0;
	s20 =	sshll.u32 s9, $0x1;
	s9 =	sadd.s32 s21, s7  }
0xa1: {  	[timem:s11], [sflag:s22] =	dma.local [hbm:s9], s20  }
0xa2: {  	_ =	swait.ge [sflag:s22], s20  }
0xa3: {  	s8 =	ssub.s32 $0x0, s20;
	[sflag:s22] =	ssyncset.done $0x0  }
0xa4: {  	[sflag:s22] =	ssyncadd.s32 s8;
	_ =	sdelay $0x1  }
0xa5: {  	s23 =	simm.s32 $0x1B8B  }
0xa6: {  	_ =	swait.ge [sflag:s23], $0x1  }
0xa7: {  	[sflag:s23] =	ssyncset.done $0x0  }
0xa8: {  	s25 =	simm.s32 $0x1B8E;
	s24 =	sld [smem:$0x3FFE];
	[sflag:s23] =	ssyncadd.s32 $0xFFFFFFFF  }
0xa9: {  	s26 =	simm.s32 $execute0_lowered;
	[smem:$0x3FD2] =	sst s25  }
0xaa: {  	s9 =	sshll.u32 s26, $0x1;
	_ =	strace $0x80000046;
	[dreg:$0x1] =	wrdreg $0xFFFFFFFF  }
0xab: {  	s28 =	simm.s32 $_size_execute0_lowered;
	s7 =	sadd.s32 s7, s9;
	[dreg:$0x0] =	wrdreg $0x0  }
0xac: {  	s9 =	sshll.u32 s28, $0x1;
	[dreg:$0x2] =	wrdreg s7  }
0xad: {  	[dreg:$0x3] =	wrdreg s9  }
0xae: {  	[dreg:$0x4] =	wrdreg $0xC0  }
0xaf: {  	_ =	task [dreg:s11], $0x5FFFF  }
0xb0: {  	[dreg:$0x1] =	wrdreg $0xFFFFFFFF  }
0xb1: {  	[dreg:$0x0] =	wrdreg $0x60  }
0xb2: {  	[dreg:$0x2] =	wrdreg s2  }
0xb3: {  	[dreg:$0x3] =	wrdreg s24  }
0xb4: {  	[dreg:$0x4] =	wrdreg s18  }
0xb5: {  	[dreg:$0x5] =	wrdreg s5  }
0xb6: {  	[dreg:$0x6] =	wrdreg s4  }
0xb7: {  	[dreg:$0x7] =	wrdreg s6  }
0xb8: {  	[dreg:$0x8] =	wrdreg $0x2C800  }
0xb9: {  	[dreg:$0x9] =	wrdreg $0x9  }
0xba: {  	_ =	task.clear_ibuf [dreg:s11], $0xAFFFF;
	_ =	strace $0x90000046  }
0xbb: {  	s29 =	simm.s32 $0x9;
	_ =	strace $0x80000048  }
0xbc: {  	_ =	swait.ge [sflag:s29], $0x1  }
0xbd: {  	[sflag:s29] =	ssyncadd.s32 $0xFFFFFFFF  }
0xbe: {  	_ =	strace $0x90000048  }
0xbf: {  	_ =	sfence  }
0xc0: {  	s30 =	sld [smem:$0x0];
	_ =	sdelay $0x2  }
0xc1: {  	s31 =	sshll.u32 s1, $0xD;
	s1 =	sshrl.u32 s1, $0x2  }
0xc2: {  	s3 =	sand.u32 $0x4000, s31;
	s1 =	sadd.s32 s1, s30  }
0xc3: {  	s0 =	sor.u32 s3, s0;
	s1 =	sshll.u32 s1, $0x11  }
0xc4: {  	s0 =	sor.u32 s1, s0  }
0xc5: {  	s0 =	sadd.s32 $0x8F2B, s0  }
0xc6: {  	[sflag:s0] =	ssyncadd.remote.s32 $0x1  }
0xc7: {  	_ =	sfence.sel $0xFFFF  }
0xc8: {  	[dreg:$0x0] =	wrdreg $0xFFFFFFFF;
	(pc) =	sbr.abs _section_cstart, $3  }
0xc9: {  	[dreg:$0x1] =	wrdreg $0xFFFFFFFF  }
0xca: {  	_ =	task.clear_ibuf [dreg:s11], $0x2FFFF;
	_ =	strace $0x9FFFFFFF  }
0xcb: {  	(tm) =	ssettm $0x7FFFFFFF  }
tec
execute0_lowered:
.L_overlay_start_1:
0x0: {  	(tag) =	ssettag $0x1  }
0x1: {  	s14 =	rddreg [dreg:$0x0]  }
0x2: {  	s6 =	rddreg [dreg:$0x1];
	s1 =	srdreg.scid  }
0x3: {  	s3 =	rddreg [dreg:$0x2];
	s1 =	sand.u32 $0x1, s1  }
0x4: {  	s15 =	rddreg [dreg:$0x3];
	p0 =	seq.s32 s1, $0x1  }
.Ltmp0:
0x5: {  	s2 =	rddreg [dreg:$0x4];
	(pc) =	sbr.rel @p0 .LBB2_6-.Ltmp0, $4  }
0x6: {  	s5 =	rddreg [dreg:$0x5]  }
0x7: {  	s4 =	rddreg [dreg:$0x6];
	s9 =	simm.s32 $0x0  }
0x8: {  	[smem:$0x7FF] =	sst s9  }
0x9: {  	s0 =	rddreg [dreg:$0x7];
	_ =	strace $0x80000047;
	s1 =	stileid.u32  }
0xa: {  	s10 =	sshll.u32 s1, $0x7;
	v2 =	vlaneseq.u32  }
0xb: {  	s29 =	sshll.u32 s1, $0x1;
	v0 =	vmov s10;
	v6 =	vmul.u32 $0x2000, v2  }
0xc: {  	s7 =	sor.u32 $0x10, s10;
	v1 =	vand.u32 $0x7, v2;
	v2 =	vshrl.u32 v2, $0x3;
	v11 =	vmov s29  }
0xd: {  	s23 =	sor.u32 $0x30, s10;
	s24 =	sor.u32 $0x40, s10;
	s25 =	sor.u32 $0x50, s10;
	v0 =	vshll.u32 v0, $0xD;
	v3 =	vmov s7;
	v9 =	vmul.u32 $0x80, v1  }
0xe: {  	s11 =	sor.u32 $0x60, s10;
	s28 =	sor.u32 $0x70, s10;
	v4 =	vmov s23;
	v5 =	vmov s24;
	v7 =	vmov s25  }
0xf: {  	s22 =	sor.u32 $0x20, s10;
	v8 =	vmov s11;
	v10 =	vmov s28;
	v2 =	vmul.u32 $0x800, v2  }
0x10: {  	v0 =	vor.u32 v6, v0;
	v1 =	vshll.u32 v3, $0xD;
	v3 =	vmov s22  }
0x11: {  	v4 =	vshll.u32 v4, $0xD;
	v5 =	vshll.u32 v5, $0xD;
	v7 =	vshll.u32 v7, $0xD  }
0x12: {  	v8 =	vshll.u32 v8, $0xD;
	v10 =	vshll.u32 v10, $0xD;
	v0 =	vand.u32 $0xF10000, v0  }
0x13: {  	v1 =	vor.u32 v6, v1;
	v3 =	vshll.u32 v3, $0xD;
	v4 =	vor.u32 v6, v4  }
0x14: {  	s6 =	sadd.s32 $0x600, s6;
	s8 =	sshll.u32 s1, $0x9;
	v5 =	vor.u32 v6, v5;
	v7 =	vor.u32 v6, v7;
	v8 =	vor.u32 v6, v8  }
0x15: {  	s13 =	sadd.s32 $0x1FFE, s14;
	s26 =	sshll.u32 s1, $0x4;
	s30 =	simm.s32 $0x1800;
	v10 =	vor.u32 v6, v10;
	v0 =	vor.u32 v9, v0;
	v1 =	vand.u32 $0x7FF30000, v1  }
0x16: {  	s31 =	simm.s32 $0x4;
	s12 =	sshrl.u32 s8, $0x2;
	s6 =	sadd.s32 s6, s8;
	v3 =	vor.u32 v6, v3;
	v4 =	vand.u32 $0x7FF70000, v4;
	v5 =	vand.u32 $0x7FF90000, v5  }
0x17: {  	s8 =	sadd.s32 $0x800, s4;
	s5 =	sadd.s32 s5, s29;
	s7 =	sor.u32 s26, s10;
	v7 =	vand.u32 $0x7FFB0000, v7;
	v10 =	vand.u32 $0x7FFF0000, v10;
	v1 =	vor.u32 v9, v1  }
0x18: {  	[tilespmem:s30], [sflag:$0x4] =	stream.linear.gather [hbm4b:s6+s9], $0xD00, $0x38;
	v3 =	vand.u32 $0x7FF50000, v3;
	v4 =	vor.u32 v9, v4;
	v5 =	vor.u32 v9, v5;
	[tilespmem:$0x2D80] =	vst v63  }
0x19: {  	s6 =	sadd.s32 s12, s4;
	s10 =	sadd.s32 s10, s8;
	_ =	swait.ge [sflag:s31], $0xD00;
	v6 =	vor.u32 v9, v7;
	v7 =	vand.u32 $0x7FFD0000, v8;
	v8 =	vshll.u32 v11, $0xB  }
0x1a: {  	s11 =	simm.s32 $0x10;
	s9 =	sand.u32 $0x7F0, s9;
	[sflag:s31] =	ssyncset.done $0x0;
	v3 =	vor.u32 v9, v3;
	v7 =	vor.u32 v9, v7;
	v2 =	vor.u32 v2, v8  }
0x1b: {  	s16 =	sand.u32 $0x470, s7;
	s7 =	sadd.s32 $0x200, s14;
	[sflag:s31] =	ssyncadd.s32 $0xFFFFF300;
	v8 =	vor.u32 v9, v10;
	v2 =	vor.u32 v9, v2;
	v9 =	vimm.s32 $0x0  }
.LBB2_2:
0x1c: {  	p0 =	sne.s32 s11, $0x7F0;
	[tilespmem:s9+$0x1000] =	vst v9;
	s9 =	smov.u32 s11;
	s11 =	sadd.s32 $0x10, s11  }
.Ltmp1:
0x1d: {  	(pc) =	sbr.rel @p0 .LBB2_2-.Ltmp1, $2  }
0x1e: {  	_ =	sdelay $0x2  }
0x1f: {  	s9 =	sand.u32 $0x7F0, s9  }
0x20: {  	[tilespmem:s9+$0x1000] =	vst v9;
	s11 =	simm.s32 $0x0;
	s12 =	simm.s32 $0x2900  }
0x21: {  	[tilespmem:s12], [sflag:$0x4] =	stream.linear.gather [hbm4b:s13+s11], $0x10, $0x38;
	[tilespmem:$0x2D80] =	vst v63  }
0x22: {  	s13 =	simm.s32 $0x4  }
0x23: {  	_ =	swait.ge [sflag:s13], $0x10  }
0x24: {  	v9 =	vimm.s32 $0x10204080;
	[sflag:s13] =	ssyncset.done $0x0  }
0x25: {  	v10 =	vimm.s32 $0x1020408;
	v9 =	vunpack.c.0.s8.s32 v9;
	[sflag:s13] =	ssyncadd.s32 $0xFFFFFFF0  }
0x26: {  	v10 =	vunpack.c.0.s8.s32 v10;
	v11 =	vld [tilespmem:$0x2900]  }
0x27: {  	vm0 =	vcmask $0x1F10;
	v9 =	vand.u32 $0xFF, v9  }
0x28: {  	v10 =	vsel vm0, v10, v9;
	v9 =	vimm.s32 $0x0  }
0x29: {  	v10 =	vcombine.low v9, v10;
	_ =	sdelay $0x1  }
0x2a: {  	v10 =	vmul.u32 v10, v11;
	_ =	sdelay $0x1  }
0x2b: {  	(xrf0) =	vadd.scan.msk.s32 $0xffff, v10;
	_ =	sdelay $0x5  }
0x2c: {  	v10, _, _ =	vpop (xrf0)  }
0x2d: {  	(v2sf) =	vpush v10, $0xF;
	_ =	sdelay $0xe  }
0x2e: {  	s23 =	spop (v2sf)  }
0x2f: {  	s9 =	sand.u32 $0x7, s23  }
0x30: {  	s17 =	sshll.u32 s9, $0xB  }
0x31: {  	v10 =	vlaneseq.u32;
	s16 =	sor.u32 s16, s17  }
0x32: {  	v11 =	vor.u32 s16, v10;
	s17 =	sor.u32 $0x80, s16  }
0x33: {  	s24 =	sor.u32 $0x100, s16;
	[tilespmem:$0x2980] =	vst v11;
	v11 =	vor.u32 s17, v10  }
0x34: {  	s25 =	sor.u32 $0x180, s16;
	[tilespmem:$0x2990] =	vst v11;
	v11 =	vor.u32 s24, v10  }
0x35: {  	s26 =	sor.u32 $0x200, s16;
	[tilespmem:$0x29A0] =	vst v11;
	v11 =	vor.u32 s25, v10  }
0x36: {  	s28 =	sor.u32 $0x280, s16;
	[tilespmem:$0x29B0] =	vst v11;
	v11 =	vor.u32 s26, v10  }
0x37: {  	s29 =	sor.u32 $0x300, s16;
	[tilespmem:$0x29C0] =	vst v11;
	v11 =	vor.u32 s28, v10  }
0x38: {  	s30 =	simm.s32 $0x80;
	s31 =	simm.s32 $0x2980;
	s16 =	sor.u32 $0x380, s16;
	[tilespmem:$0x29D0] =	vst v11;
	v11 =	vor.u32 s29, v10  }
0x39: {  	s18 =	simm.s32 $0x2A00;
	s19 =	simm.s32 $0x2A80;
	s20 =	simm.s32 $0x2880;
	v10 =	vor.u32 s16, v10;
	[tilespmem:$0x29E0] =	vst v11  }
0x3a: {  	s21 =	simm.s32 $0x2B00;
	s22 =	simm.s32 $0x2;
	s23 =	simm.s32 $0x1000;
	[tilespmem:$0x29F0] =	vst v10  }
0x3b: {  	[tilespmem:s18], [sflag:$0x3] =	stream.indirect.gather [hbm4b:s15+s30], $0x1, s31, s30, $0xb8;
	[tilespmem:$0x2D80] =	vst v63  }
0x3c: {  	s17 =	simm.s32 $0x40;
	s24 =	simm.s32 $0x0;
	s16 =	simm.s32 $0x800  }
0x3d: {  	[tilespmem:s11], [sflag:$0x1] =	stream.linear.gather [hbm4b:s14+s11], $0x800, $0x38;
	[tilespmem:$0x2D80] =	vst v63  }
0x3e: {  	s15 =	simm.s32 $0x1;
	s18 =	simm.s32 $0x2800;
	s14 =	sadd.s32 $0x100, s14  }
.LBB2_4:
0x3f: {  	_ =	swait.ge [sflag:s15], $0x800  }
0x40: {  	[sflag:s15] =	ssyncset.done $0x0  }
0x41: {  	[sflag:s15] =	ssyncadd.s32 $0xFFFFF800  }
0x42: {  	[tilespmem:s16], [sflag:$0x1] =	stream.linear.gather [hbm4b:s14+s11], $0x800, $0x38;
	[tilespmem:$0x2D80] =	vst v63  }
0x43: {  	v10 =	vld [tilespmem:$0x1800]  }
0x44: {  	v11 =	vld [tilespmem:$0x1880]  }
0x45: {  	v12 =	vld [tilespmem:$0x1900]  }
0x46: {  	v13 =	vld [tilespmem:$0x1980]  }
0x47: {  	v14 =	vld [tilespmem:$0x1A00]  }
0x48: {  	v15 =	vld [tilespmem:$0x1A80]  }
0x49: {  	v16 =	vld [tilespmem:$0x1B00]  }
0x4a: {  	v17 =	vld [tilespmem:$0x1B80]  }
0x4b: {  	v18 =	vld [tilespmem:$0x1C00]  }
0x4c: {  	v19 =	vld [tilespmem:$0x1C80]  }
0x4d: {  	v10 =	vld.idx.msk [tilespmem:v10+s11+$0x0], $0xffff  }
0x4e: {  	v11 =	vld.idx.msk [tilespmem:v11+s11+$0x0], $0xffff  }
0x4f: {  	v63 =	vld [tilespmem:$0x1D80]  }
0x50: {  	v12 =	vld.idx.msk [tilespmem:v12+s11+$0x0], $0xffff  }
0x51: {  	v13 =	vld.idx.msk [tilespmem:v13+s11+$0x0], $0xffff  }
0x52: {  	v14 =	vld.idx.msk [tilespmem:v14+s11+$0x0], $0xffff  }
0x53: {  	v15 =	vld.idx.msk [tilespmem:v15+s11+$0x0], $0xffff;
	v10 =	vshll.u32 v10, $0x2;
	v11 =	vshll.u32 v11, $0x1  }
0x54: {  	v10 =	vadd.s32 v10, v11;
	v11 =	vld [tilespmem:$0x1D00]  }
0x55: {  	v20 =	vld [tilespmem:$0x1E00];
	v10 =	vadd.s32 v12, v10  }
0x56: {  	v16 =	vld.idx.msk [tilespmem:v16+s11+$0x0], $0xffff;
	v13 =	vshll.u32 v13, $0x1;
	v10 =	vshll.u32 v10, $0x2  }
0x57: {  	v17 =	vld.idx.msk [tilespmem:v17+s11+$0x0], $0xffff;
	v10 =	vadd.s32 v10, v13  }
0x58: {  	v10 =	vadd.s32 v14, v10  }
0x59: {  	v22 =	vld.idx.msk [tilespmem:v18+s11+$0x0], $0xffff;
	v21 =	vshll.u32 v15, $0x1;
	v10 =	vshll.u32 v10, $0x2  }
0x5a: {  	v23 =	vld.idx.msk [tilespmem:v19+s11+$0x0], $0xffff;
	v10 =	vadd.s32 v10, v21  }
0x5b: {  	v10 =	vadd.s32 v16, v10  }
0x5c: {  	v24 =	vshll.u32 v17, $0x1;
	v10 =	vshll.u32 v10, $0x2;
	v11 =	vld.idx.msk [tilespmem:v11+s11+$0x0], $0xffff  }
0x5d: {  	v12 =	vld.idx.msk [tilespmem:v63+s11+$0x0], $0xffff;
	v10 =	vadd.s32 v10, v24  }
0x5e: {  	v10 =	vadd.s32 v22, v10  }
0x5f: {  	v13 =	vld.idx.msk [tilespmem:v20+s11+$0x0], $0xffff;
	v14 =	vshll.u32 v23, $0x1;
	v10 =	vshll.u32 v10, $0x2  }
0x60: {  	v25 =	vld [tilespmem:$0x1810];
	v10 =	vadd.s32 v10, v14  }
0x61: {  	v26 =	vld [tilespmem:$0x1910];
	v10 =	vadd.s32 v11, v10  }
0x62: {  	v27 =	vld [tilespmem:$0x1990];
	v11 =	vshll.u32 v12, $0x1;
	v10 =	vshll.u32 v10, $0x2  }
0x63: {  	v10 =	vadd.s32 v10, v11;
	v11 =	vld [tilespmem:$0x1890]  }
0x64: {  	v28 =	vld [tilespmem:$0x1A10];
	v10 =	vadd.s32 v13, v10  }
0x65: {  	v29 =	vld [tilespmem:$0x1B10];
	v13 =	vshll.u32 v10, $0x3  }
0x66: {  	v30 =	vld [tilespmem:$0x1B90];
	v13 =	vand.u32 $0xFFFFFC00, v13  }
0x67: {  	v31 =	vld [tilespmem:$0x1C10];
	v10 =	vand.u32 $0x7F, v10;
	v13 =	vadd.s32 v0, v13  }
0x68: {  	v32 =	vld [tilespmem:$0x1C90];
	v10 =	vor.u32 v10, v13  }
0x69: {  	[tilespmem:$0x2800] =	vst v10;
	v10 =	vld [tilespmem:$0x1A90]  }
0x6a: {  	v12 =	vld.idx.msk [tilespmem:v25+s11+$0x0], $0xffff  }
0x6b: {  	v11 =	vld.idx.msk [tilespmem:v11+s11+$0x0], $0xffff  }
0x6c: {  	v33 =	vld [tilespmem:$0x1D10]  }
0x6d: {  	v14 =	vld.idx.msk [tilespmem:v26+s11+$0x0], $0xffff  }
0x6e: {  	v15 =	vld.idx.msk [tilespmem:v27+s11+$0x0], $0xffff  }
0x6f: {  	v34 =	vld [tilespmem:$0x1D90]  }
0x70: {  	v13 =	vld.idx.msk [tilespmem:v28+s11+$0x0], $0xffff;
	v12 =	vshll.u32 v12, $0x2;
	v11 =	vshll.u32 v11, $0x1  }
0x71: {  	v10 =	vld.idx.msk [tilespmem:v10+s11+$0x0], $0xffff;
	v11 =	vadd.s32 v12, v11  }
0x72: {  	v35 =	vld [tilespmem:$0x1E10];
	v11 =	vadd.s32 v14, v11  }
0x73: {  	v16 =	vld.idx.msk [tilespmem:v29+s11+$0x0], $0xffff;
	v15 =	vshll.u32 v15, $0x1;
	v11 =	vshll.u32 v11, $0x2  }
0x74: {  	v17 =	vld.idx.msk [tilespmem:v30+s11+$0x0], $0xffff;
	v11 =	vadd.s32 v11, v15  }
0x75: {  	v11 =	vadd.s32 v13, v11  }
0x76: {  	v36 =	vld.idx.msk [tilespmem:v31+s11+$0x0], $0xffff;
	v11 =	vshll.u32 v11, $0x2;
	v10 =	vshll.u32 v10, $0x1  }
0x77: {  	v10 =	vadd.s32 v11, v10;
	v11 =	vld.idx.msk [tilespmem:v32+s11+$0x0], $0xffff  }
0x78: {  	v10 =	vadd.s32 v16, v10  }
0x79: {  	v37 =	vshll.u32 v17, $0x1;
	v12 =	vld.idx.msk [tilespmem:v33+s11+$0x0], $0xffff;
	v10 =	vshll.u32 v10, $0x2  }
0x7a: {  	v14 =	vld.idx.msk [tilespmem:v34+s11+$0x0], $0xffff;
	v10 =	vadd.s32 v10, v37  }
0x7b: {  	v10 =	vadd.s32 v36, v10  }
0x7c: {  	v38 =	vld.idx.msk [tilespmem:v35+s11+$0x0], $0xffff;
	v10 =	vshll.u32 v10, $0x2;
	v11 =	vshll.u32 v11, $0x1  }
0x7d: {  	v39 =	vld [tilespmem:$0x1820];
	v10 =	vadd.s32 v10, v11  }
0x7e: {  	v40 =	vld [tilespmem:$0x1920];
	v10 =	vadd.s32 v12, v10  }
0x7f: {  	v41 =	vld [tilespmem:$0x19A0];
	v11 =	vshll.u32 v14, $0x1;
	v10 =	vshll.u32 v10, $0x2  }
0x80: {  	v10 =	vadd.s32 v10, v11;
	v11 =	vld [tilespmem:$0x18A0]  }
0x81: {  	v42 =	vld [tilespmem:$0x1A20];
	v10 =	vadd.s32 v38, v10  }
0x82: {  	v43 =	vld [tilespmem:$0x1B20];
	v13 =	vshll.u32 v10, $0x3  }
0x83: {  	v44 =	vld [tilespmem:$0x1BA0];
	v13 =	vand.u32 $0xFFFFFC00, v13  }
0x84: {  	v45 =	vld [tilespmem:$0x1C20];
	v10 =	vand.u32 $0x7F, v10;
	v13 =	vadd.s32 v1, v13  }
0x85: {  	v46 =	vld [tilespmem:$0x1CA0];
	v10 =	vor.u32 v10, v13  }
0x86: {  	[tilespmem:$0x2810] =	vst v10;
	v10 =	vld [tilespmem:$0x1AA0]  }
0x87: {  	v12 =	vld.idx.msk [tilespmem:v39+s11+$0x0], $0xffff  }
0x88: {  	v11 =	vld.idx.msk [tilespmem:v11+s11+$0x0], $0xffff  }
0x89: {  	v47 =	vld [tilespmem:$0x1D20]  }
0x8a: {  	v14 =	vld.idx.msk [tilespmem:v40+s11+$0x0], $0xffff  }
0x8b: {  	v15 =	vld.idx.msk [tilespmem:v41+s11+$0x0], $0xffff  }
0x8c: {  	v48 =	vld [tilespmem:$0x1DA0]  }
0x8d: {  	v13 =	vld.idx.msk [tilespmem:v42+s11+$0x0], $0xffff;
	v12 =	vshll.u32 v12, $0x2;
	v11 =	vshll.u32 v11, $0x1  }
0x8e: {  	v10 =	vld.idx.msk [tilespmem:v10+s11+$0x0], $0xffff;
	v11 =	vadd.s32 v12, v11  }
0x8f: {  	v49 =	vld [tilespmem:$0x1E20];
	v11 =	vadd.s32 v14, v11  }
0x90: {  	v16 =	vld.idx.msk [tilespmem:v43+s11+$0x0], $0xffff;
	v15 =	vshll.u32 v15, $0x1;
	v11 =	vshll.u32 v11, $0x2  }
0x91: {  	v17 =	vld.idx.msk [tilespmem:v44+s11+$0x0], $0xffff;
	v11 =	vadd.s32 v11, v15  }
0x92: {  	v11 =	vadd.s32 v13, v11  }
0x93: {  	v50 =	vld.idx.msk [tilespmem:v45+s11+$0x0], $0xffff;
	v11 =	vshll.u32 v11, $0x2;
	v10 =	vshll.u32 v10, $0x1  }
0x94: {  	v10 =	vadd.s32 v11, v10;
	v11 =	vld.idx.msk [tilespmem:v46+s11+$0x0], $0xffff  }
0x95: {  	v10 =	vadd.s32 v16, v10  }
0x96: {  	v51 =	vshll.u32 v17, $0x1;
	v12 =	vld.idx.msk [tilespmem:v47+s11+$0x0], $0xffff;
	v10 =	vshll.u32 v10, $0x2  }
0x97: {  	v14 =	vld.idx.msk [tilespmem:v48+s11+$0x0], $0xffff;
	v10 =	vadd.s32 v10, v51  }
0x98: {  	v10 =	vadd.s32 v50, v10  }
0x99: {  	v52 =	vld.idx.msk [tilespmem:v49+s11+$0x0], $0xffff;
	v10 =	vshll.u32 v10, $0x2;
	v11 =	vshll.u32 v11, $0x1  }
0x9a: {  	v53 =	vld [tilespmem:$0x1830];
	v10 =	vadd.s32 v10, v11  }
0x9b: {  	v54 =	vld [tilespmem:$0x1930];
	v10 =	vadd.s32 v12, v10  }
0x9c: {  	v55 =	vld [tilespmem:$0x19B0];
	v11 =	vshll.u32 v14, $0x1;
	v10 =	vshll.u32 v10, $0x2  }
0x9d: {  	v10 =	vadd.s32 v10, v11;
	v11 =	vld [tilespmem:$0x18B0]  }
0x9e: {  	v56 =	vld [tilespmem:$0x1A30];
	v10 =	vadd.s32 v52, v10  }
0x9f: {  	v57 =	vld [tilespmem:$0x1B30];
	v13 =	vshll.u32 v10, $0x3  }
0xa0: {  	v58 =	vld [tilespmem:$0x1BB0];
	v13 =	vand.u32 $0xFFFFFC00, v13  }
0xa1: {  	v59 =	vld [tilespmem:$0x1C30];
	v10 =	vand.u32 $0x7F, v10;
	v13 =	vadd.s32 v3, v13  }
0xa2: {  	v60 =	vld [tilespmem:$0x1CB0];
	v10 =	vor.u32 v10, v13  }
0xa3: {  	[tilespmem:$0x2820] =	vst v10;
	v10 =	vld [tilespmem:$0x1AB0]  }
0xa4: {  	v12 =	vld.idx.msk [tilespmem:v53+s11+$0x0], $0xffff  }
0xa5: {  	v11 =	vld.idx.msk [tilespmem:v11+s11+$0x0], $0xffff  }
0xa6: {  	v61 =	vld [tilespmem:$0x1D30]  }
0xa7: {  	v14 =	vld.idx.msk [tilespmem:v54+s11+$0x0], $0xffff  }
0xa8: {  	v15 =	vld.idx.msk [tilespmem:v55+s11+$0x0], $0xffff  }
0xa9: {  	v62 =	vld [tilespmem:$0x1DB0]  }
0xaa: {  	v13 =	vld.idx.msk [tilespmem:v56+s11+$0x0], $0xffff;
	v12 =	vshll.u32 v12, $0x2;
	v11 =	vshll.u32 v11, $0x1  }
0xab: {  	v10 =	vld.idx.msk [tilespmem:v10+s11+$0x0], $0xffff;
	v11 =	vadd.s32 v12, v11  }
0xac: {  	v63 =	vld [tilespmem:$0x1E30];
	v11 =	vadd.s32 v14, v11  }
0xad: {  	v16 =	vld.idx.msk [tilespmem:v57+s11+$0x0], $0xffff;
	v15 =	vshll.u32 v15, $0x1;
	v11 =	vshll.u32 v11, $0x2  }
0xae: {  	v17 =	vld.idx.msk [tilespmem:v58+s11+$0x0], $0xffff;
	v11 =	vadd.s32 v11, v15  }
0xaf: {  	v11 =	vadd.s32 v13, v11  }
0xb0: {  	v20 =	vld.idx.msk [tilespmem:v59+s11+$0x0], $0xffff;
	v11 =	vshll.u32 v11, $0x2;
	v10 =	vshll.u32 v10, $0x1  }
0xb1: {  	v10 =	vadd.s32 v11, v10;
	v11 =	vld.idx.msk [tilespmem:v60+s11+$0x0], $0xffff  }
0xb2: {  	v10 =	vadd.s32 v16, v10  }
0xb3: {  	v21 =	vshll.u32 v17, $0x1;
	v12 =	vld.idx.msk [tilespmem:v61+s11+$0x0], $0xffff;
	v10 =	vshll.u32 v10, $0x2  }
0xb4: {  	v14 =	vld.idx.msk [tilespmem:v62+s11+$0x0], $0xffff;
	v10 =	vadd.s32 v10, v21  }
0xb5: {  	v10 =	vadd.s32 v20, v10  }
0xb6: {  	v22 =	vld.idx.msk [tilespmem:v63+s11+$0x0], $0xffff;
	v10 =	vshll.u32 v10, $0x2;
	v11 =	vshll.u32 v11, $0x1  }
0xb7: {  	v10 =	vadd.s32 v10, v11  }
0xb8: {  	v10 =	vadd.s32 v12, v10  }
0xb9: {  	v11 =	vshll.u32 v14, $0x1;
	v10 =	vshll.u32 v10, $0x2  }
0xba: {  	v10 =	vadd.s32 v10, v11  }
0xbb: {  	v10 =	vadd.s32 v22, v10  }
0xbc: {  	v11 =	vshll.u32 v10, $0x3  }
0xbd: {  	v11 =	vand.u32 $0xFFFFFC00, v11  }
0xbe: {  	v10 =	vand.u32 $0x7F, v10;
	v11 =	vadd.s32 v4, v11  }
0xbf: {  	v10 =	vor.u32 v10, v11  }
0xc0: {  	[tilespmem:$0x2830] =	vst v10  }
0xc1: {  	[tilespmem:s19], [sflag:$0x2] =	stream.indirect.gather [hbm4b:s3+s17], $0x1, s18, s17, $0xb8;
	[tilespmem:$0x2D80] =	vst v63  }
0xc2: {  	v10 =	vld [tilespmem:$0x1840]  }
0xc3: {  	v11 =	vld [tilespmem:$0x18C0]  }
0xc4: {  	v23 =	vld [tilespmem:$0x1940]  }
0xc5: {  	v24 =	vld [tilespmem:$0x19C0]  }
0xc6: {  	v25 =	vld [tilespmem:$0x1A40]  }
0xc7: {  	v26 =	vld [tilespmem:$0x1AC0]  }
0xc8: {  	v27 =	vld [tilespmem:$0x1B40]  }
0xc9: {  	v28 =	vld [tilespmem:$0x1BC0]  }
0xca: {  	v29 =	vld [tilespmem:$0x1C40]  }
0xcb: {  	v30 =	vld [tilespmem:$0x1CC0]  }
0xcc: {  	v10 =	vld.idx.msk [tilespmem:v10+s11+$0x0], $0xffff  }
0xcd: {  	v11 =	vld.idx.msk [tilespmem:v11+s11+$0x0], $0xffff  }
0xce: {  	v31 =	vld [tilespmem:$0x1DC0]  }
0xcf: {  	v12 =	vld.idx.msk [tilespmem:v23+s11+$0x0], $0xffff  }
0xd0: {  	v13 =	vld.idx.msk [tilespmem:v24+s11+$0x0], $0xffff  }
0xd1: {  	v14 =	vld.idx.msk [tilespmem:v25+s11+$0x0], $0xffff  }
0xd2: {  	v15 =	vld.idx.msk [tilespmem:v26+s11+$0x0], $0xffff;
	v10 =	vshll.u32 v10, $0x2;
	v11 =	vshll.u32 v11, $0x1  }
0xd3: {  	v10 =	vadd.s32 v10, v11;
	v11 =	vld [tilespmem:$0x1D40]  }
0xd4: {  	v32 =	vld [tilespmem:$0x1E40];
	v10 =	vadd.s32 v12, v10  }
0xd5: {  	v16 =	vld.idx.msk [tilespmem:v27+s11+$0x0], $0xffff;
	v13 =	vshll.u32 v13, $0x1;
	v10 =	vshll.u32 v10, $0x2  }
0xd6: {  	v17 =	vld.idx.msk [tilespmem:v28+s11+$0x0], $0xffff;
	v10 =	vadd.s32 v10, v13  }
0xd7: {  	v10 =	vadd.s32 v14, v10  }
0xd8: {  	v34 =	vld.idx.msk [tilespmem:v29+s11+$0x0], $0xffff;
	v33 =	vshll.u32 v15, $0x1;
	v10 =	vshll.u32 v10, $0x2  }
0xd9: {  	v35 =	vld.idx.msk [tilespmem:v30+s11+$0x0], $0xffff;
	v10 =	vadd.s32 v10, v33  }
0xda: {  	v10 =	vadd.s32 v16, v10  }
0xdb: {  	v36 =	vshll.u32 v17, $0x1;
	v10 =	vshll.u32 v10, $0x2;
	v11 =	vld.idx.msk [tilespmem:v11+s11+$0x0], $0xffff  }
0xdc: {  	v12 =	vld.idx.msk [tilespmem:v31+s11+$0x0], $0xffff;
	v10 =	vadd.s32 v10, v36  }
0xdd: {  	v10 =	vadd.s32 v34, v10  }
0xde: {  	v13 =	vld.idx.msk [tilespmem:v32+s11+$0x0], $0xffff;
	v14 =	vshll.u32 v35, $0x1;
	v10 =	vshll.u32 v10, $0x2  }
0xdf: {  	v37 =	vld [tilespmem:$0x1850];
	v10 =	vadd.s32 v10, v14  }
0xe0: {  	v38 =	vld [tilespmem:$0x1950];
	v10 =	vadd.s32 v11, v10  }
0xe1: {  	v39 =	vld [tilespmem:$0x19D0];
	v11 =	vshll.u32 v12, $0x1;
	v10 =	vshll.u32 v10, $0x2  }
0xe2: {  	v10 =	vadd.s32 v10, v11;
	v11 =	vld [tilespmem:$0x18D0]  }
0xe3: {  	v40 =	vld [tilespmem:$0x1A50];
	v10 =	vadd.s32 v13, v10  }
0xe4: {  	v41 =	vld [tilespmem:$0x1B50];
	v13 =	vshll.u32 v10, $0x3  }
0xe5: {  	v42 =	vld [tilespmem:$0x1BD0];
	v13 =	vand.u32 $0xFFFFFC00, v13  }
0xe6: {  	v43 =	vld [tilespmem:$0x1C50];
	v10 =	vand.u32 $0x7F, v10;
	v13 =	vadd.s32 v5, v13  }
0xe7: {  	v44 =	vld [tilespmem:$0x1CD0];
	v10 =	vor.u32 v10, v13  }
0xe8: {  	[tilespmem:$0x2880] =	vst v10;
	v10 =	vld [tilespmem:$0x1AD0]  }
0xe9: {  	v12 =	vld.idx.msk [tilespmem:v37+s11+$0x0], $0xffff  }
0xea: {  	v11 =	vld.idx.msk [tilespmem:v11+s11+$0x0], $0xffff  }
0xeb: {  	v45 =	vld [tilespmem:$0x1D50]  }
0xec: {  	v14 =	vld.idx.msk [tilespmem:v38+s11+$0x0], $0xffff  }
0xed: {  	v15 =	vld.idx.msk [tilespmem:v39+s11+$0x0], $0xffff  }
0xee: {  	v46 =	vld [tilespmem:$0x1DD0]  }
0xef: {  	v13 =	vld.idx.msk [tilespmem:v40+s11+$0x0], $0xffff;
	v12 =	vshll.u32 v12, $0x2;
	v11 =	vshll.u32 v11, $0x1  }
0xf0: {  	v10 =	vld.idx.msk [tilespmem:v10+s11+$0x0], $0xffff;
	v11 =	vadd.s32 v12, v11  }
0xf1: {  	v47 =	vld [tilespmem:$0x1E50];
	v11 =	vadd.s32 v14, v11  }
0xf2: {  	v16 =	vld.idx.msk [tilespmem:v41+s11+$0x0], $0xffff;
	v15 =	vshll.u32 v15, $0x1;
	v11 =	vshll.u32 v11, $0x2  }
0xf3: {  	v17 =	vld.idx.msk [tilespmem:v42+s11+$0x0], $0xffff;
	v11 =	vadd.s32 v11, v15  }
0xf4: {  	v11 =	vadd.s32 v13, v11  }
0xf5: {  	v48 =	vld.idx.msk [tilespmem:v43+s11+$0x0], $0xffff;
	v11 =	vshll.u32 v11, $0x2;
	v10 =	vshll.u32 v10, $0x1  }
0xf6: {  	v10 =	vadd.s32 v11, v10;
	v11 =	vld.idx.msk [tilespmem:v44+s11+$0x0], $0xffff  }
0xf7: {  	v10 =	vadd.s32 v16, v10  }
0xf8: {  	v49 =	vshll.u32 v17, $0x1;
	v12 =	vld.idx.msk [tilespmem:v45+s11+$0x0], $0xffff;
	v10 =	vshll.u32 v10, $0x2  }
0xf9: {  	v14 =	vld.idx.msk [tilespmem:v46+s11+$0x0], $0xffff;
	v10 =	vadd.s32 v10, v49  }
0xfa: {  	v10 =	vadd.s32 v48, v10  }
0xfb: {  	v50 =	vld.idx.msk [tilespmem:v47+s11+$0x0], $0xffff;
	v10 =	vshll.u32 v10, $0x2;
	v11 =	vshll.u32 v11, $0x1  }
0xfc: {  	v51 =	vld [tilespmem:$0x1860];
	v10 =	vadd.s32 v10, v11  }
0xfd: {  	v52 =	vld [tilespmem:$0x1960];
	v10 =	vadd.s32 v12, v10  }
0xfe: {  	v53 =	vld [tilespmem:$0x19E0];
	v11 =	vshll.u32 v14, $0x1;
	v10 =	vshll.u32 v10, $0x2  }
0xff: {  	v10 =	vadd.s32 v10, v11;
	v11 =	vld [tilespmem:$0x18E0]  }
0x100: {  	v54 =	vld [tilespmem:$0x1A60];
	v10 =	vadd.s32 v50, v10  }
0x101: {  	v55 =	vld [tilespmem:$0x1B60];
	v13 =	vshll.u32 v10, $0x3  }
0x102: {  	v56 =	vld [tilespmem:$0x1BE0];
	v13 =	vand.u32 $0xFFFFFC00, v13  }
0x103: {  	v57 =	vld [tilespmem:$0x1C60];
	v10 =	vand.u32 $0x7F, v10;
	v13 =	vadd.s32 v6, v13  }
0x104: {  	v58 =	vld [tilespmem:$0x1CE0];
	v10 =	vor.u32 v10, v13  }
0x105: {  	[tilespmem:$0x2890] =	vst v10;
	v10 =	vld [tilespmem:$0x1AE0]  }
0x106: {  	v12 =	vld.idx.msk [tilespmem:v51+s11+$0x0], $0xffff  }
0x107: {  	v11 =	vld.idx.msk [tilespmem:v11+s11+$0x0], $0xffff  }
0x108: {  	v59 =	vld [tilespmem:$0x1D60]  }
0x109: {  	v14 =	vld.idx.msk [tilespmem:v52+s11+$0x0], $0xffff  }
0x10a: {  	v15 =	vld.idx.msk [tilespmem:v53+s11+$0x0], $0xffff  }
0x10b: {  	v60 =	vld [tilespmem:$0x1DE0]  }
0x10c: {  	v13 =	vld.idx.msk [tilespmem:v54+s11+$0x0], $0xffff;
	v12 =	vshll.u32 v12, $0x2;
	v11 =	vshll.u32 v11, $0x1  }
0x10d: {  	v10 =	vld.idx.msk [tilespmem:v10+s11+$0x0], $0xffff;
	v11 =	vadd.s32 v12, v11  }
0x10e: {  	v61 =	vld [tilespmem:$0x1E60];
	v11 =	vadd.s32 v14, v11  }
0x10f: {  	v16 =	vld.idx.msk [tilespmem:v55+s11+$0x0], $0xffff;
	v15 =	vshll.u32 v15, $0x1;
	v11 =	vshll.u32 v11, $0x2  }
0x110: {  	v17 =	vld.idx.msk [tilespmem:v56+s11+$0x0], $0xffff;
	v11 =	vadd.s32 v11, v15  }
0x111: {  	v11 =	vadd.s32 v13, v11  }
0x112: {  	v62 =	vld.idx.msk [tilespmem:v57+s11+$0x0], $0xffff;
	v11 =	vshll.u32 v11, $0x2;
	v10 =	vshll.u32 v10, $0x1  }
0x113: {  	v10 =	vadd.s32 v11, v10;
	v11 =	vld.idx.msk [tilespmem:v58+s11+$0x0], $0xffff  }
0x114: {  	v10 =	vadd.s32 v16, v10  }
0x115: {  	v63 =	vshll.u32 v17, $0x1;
	v12 =	vld.idx.msk [tilespmem:v59+s11+$0x0], $0xffff;
	v10 =	vshll.u32 v10, $0x2  }
0x116: {  	v14 =	vld.idx.msk [tilespmem:v60+s11+$0x0], $0xffff;
	v10 =	vadd.s32 v10, v63  }
0x117: {  	v10 =	vadd.s32 v62, v10  }
0x118: {  	v18 =	vld.idx.msk [tilespmem:v61+s11+$0x0], $0xffff;
	v10 =	vshll.u32 v10, $0x2;
	v11 =	vshll.u32 v11, $0x1  }
0x119: {  	v19 =	vld [tilespmem:$0x1870];
	v10 =	vadd.s32 v10, v11  }
0x11a: {  	v20 =	vld [tilespmem:$0x1970];
	v10 =	vadd.s32 v12, v10  }
0x11b: {  	v21 =	vld [tilespmem:$0x19F0];
	v11 =	vshll.u32 v14, $0x1;
	v10 =	vshll.u32 v10, $0x2  }
0x11c: {  	v10 =	vadd.s32 v10, v11;
	v11 =	vld [tilespmem:$0x18F0]  }
0x11d: {  	v22 =	vld [tilespmem:$0x1A70];
	v10 =	vadd.s32 v18, v10  }
0x11e: {  	v23 =	vld [tilespmem:$0x1B70];
	v13 =	vshll.u32 v10, $0x3  }
0x11f: {  	v24 =	vld [tilespmem:$0x1BF0];
	v13 =	vand.u32 $0xFFFFFC00, v13  }
0x120: {  	v25 =	vld [tilespmem:$0x1C70];
	v10 =	vand.u32 $0x7F, v10;
	v13 =	vadd.s32 v7, v13  }
0x121: {  	v26 =	vld [tilespmem:$0x1CF0];
	v10 =	vor.u32 v10, v13  }
0x122: {  	[tilespmem:$0x28A0] =	vst v10;
	v10 =	vld [tilespmem:$0x1AF0]  }
0x123: {  	v12 =	vld.idx.msk [tilespmem:v19+s11+$0x0], $0xffff  }
0x124: {  	v11 =	vld.idx.msk [tilespmem:v11+s11+$0x0], $0xffff  }
0x125: {  	v27 =	vld [tilespmem:$0x1D70]  }
0x126: {  	v14 =	vld.idx.msk [tilespmem:v20+s11+$0x0], $0xffff  }
0x127: {  	v15 =	vld.idx.msk [tilespmem:v21+s11+$0x0], $0xffff  }
0x128: {  	v28 =	vld [tilespmem:$0x1DF0]  }
0x129: {  	v13 =	vld.idx.msk [tilespmem:v22+s11+$0x0], $0xffff;
	v12 =	vshll.u32 v12, $0x2;
	v11 =	vshll.u32 v11, $0x1  }
0x12a: {  	v10 =	vld.idx.msk [tilespmem:v10+s11+$0x0], $0xffff;
	v11 =	vadd.s32 v12, v11  }
0x12b: {  	v29 =	vld [tilespmem:$0x1E70];
	v11 =	vadd.s32 v14, v11  }
0x12c: {  	v16 =	vld.idx.msk [tilespmem:v23+s11+$0x0], $0xffff;
	v15 =	vshll.u32 v15, $0x1;
	v11 =	vshll.u32 v11, $0x2  }
0x12d: {  	v17 =	vld.idx.msk [tilespmem:v24+s11+$0x0], $0xffff;
	v11 =	vadd.s32 v11, v15  }
0x12e: {  	v11 =	vadd.s32 v13, v11  }
0x12f: {  	v30 =	vld.idx.msk [tilespmem:v25+s11+$0x0], $0xffff;
	v11 =	vshll.u32 v11, $0x2;
	v10 =	vshll.u32 v10, $0x1  }
0x130: {  	v10 =	vadd.s32 v11, v10;
	v11 =	vld.idx.msk [tilespmem:v26+s11+$0x0], $0xffff  }
0x131: {  	v10 =	vadd.s32 v16, v10  }
0x132: {  	v31 =	vshll.u32 v17, $0x1;
	v12 =	vld.idx.msk [tilespmem:v27+s11+$0x0], $0xffff;
	v10 =	vshll.u32 v10, $0x2  }
0x133: {  	v14 =	vld.idx.msk [tilespmem:v28+s11+$0x0], $0xffff;
	v10 =	vadd.s32 v10, v31  }
0x134: {  	v10 =	vadd.s32 v30, v10  }
0x135: {  	v32 =	vld.idx.msk [tilespmem:v29+s11+$0x0], $0xffff;
	v10 =	vshll.u32 v10, $0x2;
	v11 =	vshll.u32 v11, $0x1  }
0x136: {  	v10 =	vadd.s32 v10, v11  }
0x137: {  	v10 =	vadd.s32 v12, v10  }
0x138: {  	v11 =	vshll.u32 v14, $0x1;
	v10 =	vshll.u32 v10, $0x2  }
0x139: {  	v10 =	vadd.s32 v10, v11  }
0x13a: {  	v10 =	vadd.s32 v32, v10  }
0x13b: {  	v11 =	vshll.u32 v10, $0x3  }
0x13c: {  	v11 =	vand.u32 $0xFFFFFC00, v11  }
0x13d: {  	v10 =	vand.u32 $0x7F, v10;
	v11 =	vadd.s32 v8, v11  }
0x13e: {  	v10 =	vor.u32 v10, v11  }
0x13f: {  	[tilespmem:$0x28B0] =	vst v10  }
0x140: {  	[tilespmem:s21], [sflag:$0x2] =	stream.indirect.gather [hbm4b:s3+s17], $0x1, s20, s17, $0xb8;
	[tilespmem:$0x2D80] =	vst v63  }
0x141: {  	_ =	swait.ge [sflag:s22], $0x40  }
0x142: {  	[sflag:s22] =	ssyncset.done $0x0  }
0x143: {  	[sflag:s22] =	ssyncadd.s32 $0xFFFFFFC0  }
0x144: {  	v10 =	vld [tilespmem:$0x2A80]  }
0x145: {  	v11 =	vld [tilespmem:$0x2A90]  }
0x146: {  	v33 =	vld [tilespmem:$0x2AA0]  }
0x147: {  	v34 =	vld [tilespmem:$0x2AB0];
	_ =	sdelay $0x1  }
0x148: {  	vm0 =	vgt.f32 v10, $5.000000000e-01  }
0x149: {  	vm13 =	vgt.f32 v11, $5.000000000e-01;
	v10 =	vsel vm0, $0x1, v9  }
0x14a: {  	vm14 =	vgt.f32 v33, $5.000000000e-01;
	[tilespmem:$0x2900] =	vst v10;
	v10 =	vsel vm13, $0x1, v9  }
0x14b: {  	vm15 =	vgt.f32 v34, $5.000000000e-01;
	[tilespmem:$0x2910] =	vst v10;
	v10 =	vsel vm14, $0x1, v9  }
0x14c: {  	[tilespmem:$0x2920] =	vst v10;
	v10 =	vsel vm15, $0x1, v9  }
0x14d: {  	[tilespmem:$0x2930] =	vst v10  }
0x14e: {  	_ =	swait.ge [sflag:s22], $0x40  }
0x14f: {  	[sflag:s22] =	ssyncset.done $0x0  }
0x150: {  	[sflag:s22] =	ssyncadd.s32 $0xFFFFFFC0  }
0x151: {  	v10 =	vld [tilespmem:$0x2B00]  }
0x152: {  	v11 =	vld [tilespmem:$0x2B10]  }
0x153: {  	v35 =	vld [tilespmem:$0x2B20]  }
0x154: {  	v36 =	vld [tilespmem:$0x2B30];
	_ =	sdelay $0x1  }
0x155: {  	vm4 =	vgt.f32 v10, $5.000000000e-01  }
0x156: {  	vm5 =	vgt.f32 v11, $5.000000000e-01;
	v10 =	vsel vm4, $0x1, v9  }
0x157: {  	vm6 =	vgt.f32 v35, $5.000000000e-01;
	[tilespmem:$0x2940] =	vst v10;
	v10 =	vsel vm5, $0x1, v9  }
0x158: {  	vm7 =	vgt.f32 v36, $5.000000000e-01;
	[tilespmem:$0x2950] =	vst v10;
	v10 =	vsel vm6, $0x1, v9  }
0x159: {  	[tilespmem:$0x2960] =	vst v10;
	v10 =	vsel vm7, $0x1, v9  }
0x15a: {  	[tilespmem:$0x2970] =	vst v10  }
0x15b: {  	[spmem:s6] =	stream.linear.scatter [tilespmem:s12], [sflag:$0x4], $0x80, $0x38;
	[tilespmem:$0x2D80] =	vst v63  }
0x15c: {  	_ =	swait.ge [sflag:s13], $0x80  }
0x15d: {  	[sflag:s13] =	ssyncset.done $0x0  }
0x15e: {  	[sflag:s13] =	ssyncadd.s32 $0xFFFFFF80  }
0x15f: {  	[bflag:$0x0] =	sbarrier.arrive $0xFFFF  }
0x160: {  	[tilespmem:s23], [sflag:$0x4] =	stream.linear.gather [spmem:s4], $0x800, $0x38;
	[tilespmem:$0x2D80] =	vst v63  }
0x161: {  	_ =	swait.ge [sflag:s13], $0x800  }
0x162: {  	[sflag:s13] =	ssyncset.done $0x0  }
0x163: {  	[sflag:s13] =	ssyncadd.s32 $0xFFFFF800  }
0x164: {  	s25 =	smin.u32 s24, $0x1D;
	_ =	swait.ge [sflag:s15], $0x800  }
0x165: {  	s25 =	sshll.u32 s25, $0x8;
	[sflag:s15] =	ssyncset.done $0x0  }
0x166: {  	s25 =	sadd.s32 s25, s7;
	[sflag:s15] =	ssyncadd.s32 $0xFFFFF800  }
0x167: {  	[tilespmem:s11], [sflag:$0x1] =	stream.linear.gather [hbm4b:s25+s11], $0x800, $0x38;
	[tilespmem:$0x2D80] =	vst v63  }
0x168: {  	v10 =	vld [tilespmem:$0x1E80]  }
0x169: {  	v11 =	vld [tilespmem:$0x1F00]  }
0x16a: {  	v37 =	vld [tilespmem:$0x1F80]  }
0x16b: {  	v38 =	vld [tilespmem:$0x2000]  }
0x16c: {  	v39 =	vld [tilespmem:$0x2080]  }
0x16d: {  	v40 =	vld [tilespmem:$0x2100]  }
0x16e: {  	v41 =	vld [tilespmem:$0x2180]  }
0x16f: {  	v42 =	vld [tilespmem:$0x2200]  }
0x170: {  	v43 =	vld [tilespmem:$0x2280]  }
0x171: {  	v44 =	vld [tilespmem:$0x2300]  }
0x172: {  	v10 =	vld.idx.msk [tilespmem:v10+s11+$0x0], $0xffff  }
0x173: {  	v11 =	vld.idx.msk [tilespmem:v11+s11+$0x0], $0xffff  }
0x174: {  	v45 =	vld [tilespmem:$0x2400]  }
0x175: {  	v12 =	vld.idx.msk [tilespmem:v37+s11+$0x0], $0xffff  }
0x176: {  	v13 =	vld.idx.msk [tilespmem:v38+s11+$0x0], $0xffff  }
0x177: {  	v14 =	vld.idx.msk [tilespmem:v39+s11+$0x0], $0xffff  }
0x178: {  	v15 =	vld.idx.msk [tilespmem:v40+s11+$0x0], $0xffff;
	v10 =	vshll.u32 v10, $0x2;
	v11 =	vshll.u32 v11, $0x1  }
0x179: {  	v10 =	vadd.s32 v10, v11;
	v11 =	vld [tilespmem:$0x2380]  }
0x17a: {  	v46 =	vld [tilespmem:$0x2480];
	v10 =	vadd.s32 v12, v10  }
0x17b: {  	v16 =	vld.idx.msk [tilespmem:v41+s11+$0x0], $0xffff;
	v13 =	vshll.u32 v13, $0x1;
	v10 =	vshll.u32 v10, $0x2  }
0x17c: {  	v17 =	vld.idx.msk [tilespmem:v42+s11+$0x0], $0xffff;
	v10 =	vadd.s32 v10, v13  }
0x17d: {  	v10 =	vadd.s32 v14, v10  }
0x17e: {  	v48 =	vld.idx.msk [tilespmem:v43+s11+$0x0], $0xffff;
	v47 =	vshll.u32 v15, $0x1;
	v10 =	vshll.u32 v10, $0x2  }
0x17f: {  	v49 =	vld.idx.msk [tilespmem:v44+s11+$0x0], $0xffff;
	v10 =	vadd.s32 v10, v47  }
0x180: {  	v10 =	vadd.s32 v16, v10  }
0x181: {  	v50 =	vshll.u32 v17, $0x1;
	v10 =	vshll.u32 v10, $0x2;
	v11 =	vld.idx.msk [tilespmem:v11+s11+$0x0], $0xffff  }
0x182: {  	v12 =	vld.idx.msk [tilespmem:v45+s11+$0x0], $0xffff;
	v10 =	vadd.s32 v10, v50  }
0x183: {  	v10 =	vadd.s32 v48, v10  }
0x184: {  	v13 =	vld.idx.msk [tilespmem:v46+s11+$0x0], $0xffff;
	v14 =	vshll.u32 v49, $0x1;
	v10 =	vshll.u32 v10, $0x2  }
0x185: {  	v51 =	vld [tilespmem:$0x1E90];
	v10 =	vadd.s32 v10, v14  }
0x186: {  	v52 =	vld [tilespmem:$0x1F90];
	v10 =	vadd.s32 v11, v10  }
0x187: {  	v53 =	vld [tilespmem:$0x2010];
	v11 =	vshll.u32 v12, $0x1;
	v10 =	vshll.u32 v10, $0x2  }
0x188: {  	v10 =	vadd.s32 v10, v11;
	v11 =	vld [tilespmem:$0x1F10]  }
0x189: {  	v54 =	vld [tilespmem:$0x2090];
	v10 =	vadd.s32 v13, v10  }
0x18a: {  	v55 =	vld [tilespmem:$0x2190];
	v13 =	vshll.u32 v10, $0x3  }
0x18b: {  	v56 =	vld [tilespmem:$0x2210];
	v13 =	vand.u32 $0xFFFFFC00, v13  }
0x18c: {  	v57 =	vld [tilespmem:$0x2290];
	v10 =	vand.u32 $0x7F, v10;
	v13 =	vadd.s32 v0, v13  }
0x18d: {  	v58 =	vld [tilespmem:$0x2310];
	v10 =	vor.u32 v10, v13  }
0x18e: {  	[tilespmem:$0x2800] =	vst v10;
	v10 =	vld [tilespmem:$0x2110]  }
0x18f: {  	v12 =	vld.idx.msk [tilespmem:v51+s11+$0x0], $0xffff  }
0x190: {  	v11 =	vld.idx.msk [tilespmem:v11+s11+$0x0], $0xffff  }
0x191: {  	v59 =	vld [tilespmem:$0x2390]  }
0x192: {  	v14 =	vld.idx.msk [tilespmem:v52+s11+$0x0], $0xffff  }
0x193: {  	v15 =	vld.idx.msk [tilespmem:v53+s11+$0x0], $0xffff  }
0x194: {  	v60 =	vld [tilespmem:$0x2410]  }
0x195: {  	v13 =	vld.idx.msk [tilespmem:v54+s11+$0x0], $0xffff;
	v12 =	vshll.u32 v12, $0x2;
	v11 =	vshll.u32 v11, $0x1  }
0x196: {  	v10 =	vld.idx.msk [tilespmem:v10+s11+$0x0], $0xffff;
	v11 =	vadd.s32 v12, v11  }
0x197: {  	v61 =	vld [tilespmem:$0x2490];
	v11 =	vadd.s32 v14, v11  }
0x198: {  	v16 =	vld.idx.msk [tilespmem:v55+s11+$0x0], $0xffff;
	v15 =	vshll.u32 v15, $0x1;
	v11 =	vshll.u32 v11, $0x2  }
0x199: {  	v17 =	vld.idx.msk [tilespmem:v56+s11+$0x0], $0xffff;
	v11 =	vadd.s32 v11, v15  }
0x19a: {  	v11 =	vadd.s32 v13, v11  }
0x19b: {  	v62 =	vld.idx.msk [tilespmem:v57+s11+$0x0], $0xffff;
	v11 =	vshll.u32 v11, $0x2;
	v10 =	vshll.u32 v10, $0x1  }
0x19c: {  	v10 =	vadd.s32 v11, v10;
	v11 =	vld.idx.msk [tilespmem:v58+s11+$0x0], $0xffff  }
0x19d: {  	v10 =	vadd.s32 v16, v10  }
0x19e: {  	v63 =	vshll.u32 v17, $0x1;
	v12 =	vld.idx.msk [tilespmem:v59+s11+$0x0], $0xffff;
	v10 =	vshll.u32 v10, $0x2  }
0x19f: {  	v14 =	vld.idx.msk [tilespmem:v60+s11+$0x0], $0xffff;
	v10 =	vadd.s32 v10, v63  }
0x1a0: {  	v10 =	vadd.s32 v62, v10  }
0x1a1: {  	v19 =	vld.idx.msk [tilespmem:v61+s11+$0x0], $0xffff;
	v10 =	vshll.u32 v10, $0x2;
	v11 =	vshll.u32 v11, $0x1  }
0x1a2: {  	v20 =	vld [tilespmem:$0x1EA0];
	v10 =	vadd.s32 v10, v11  }
0x1a3: {  	v21 =	vld [tilespmem:$0x1FA0];
	v10 =	vadd.s32 v12, v10  }
0x1a4: {  	v22 =	vld [tilespmem:$0x2020];
	v11 =	vshll.u32 v14, $0x1;
	v10 =	vshll.u32 v10, $0x2  }
0x1a5: {  	v10 =	vadd.s32 v10, v11;
	v11 =	vld [tilespmem:$0x1F20]  }
0x1a6: {  	v23 =	vld [tilespmem:$0x20A0];
	v10 =	vadd.s32 v19, v10  }
0x1a7: {  	v24 =	vld [tilespmem:$0x21A0];
	v13 =	vshll.u32 v10, $0x3  }
0x1a8: {  	v25 =	vld [tilespmem:$0x2220];
	v13 =	vand.u32 $0xFFFFFC00, v13  }
0x1a9: {  	v26 =	vld [tilespmem:$0x22A0];
	v10 =	vand.u32 $0x7F, v10;
	v13 =	vadd.s32 v1, v13  }
0x1aa: {  	v27 =	vld [tilespmem:$0x2320];
	v10 =	vor.u32 v10, v13  }
0x1ab: {  	[tilespmem:$0x2810] =	vst v10;
	v10 =	vld [tilespmem:$0x2120]  }
0x1ac: {  	v12 =	vld.idx.msk [tilespmem:v20+s11+$0x0], $0xffff  }
0x1ad: {  	v11 =	vld.idx.msk [tilespmem:v11+s11+$0x0], $0xffff  }
0x1ae: {  	v28 =	vld [tilespmem:$0x23A0]  }
0x1af: {  	v14 =	vld.idx.msk [tilespmem:v21+s11+$0x0], $0xffff  }
0x1b0: {  	v15 =	vld.idx.msk [tilespmem:v22+s11+$0x0], $0xffff  }
0x1b1: {  	v29 =	vld [tilespmem:$0x2420]  }
0x1b2: {  	v13 =	vld.idx.msk [tilespmem:v23+s11+$0x0], $0xffff;
	v12 =	vshll.u32 v12, $0x2;
	v11 =	vshll.u32 v11, $0x1  }
0x1b3: {  	v10 =	vld.idx.msk [tilespmem:v10+s11+$0x0], $0xffff;
	v11 =	vadd.s32 v12, v11  }
0x1b4: {  	v30 =	vld [tilespmem:$0x24A0];
	v11 =	vadd.s32 v14, v11  }
0x1b5: {  	v16 =	vld.idx.msk [tilespmem:v24+s11+$0x0], $0xffff;
	v15 =	vshll.u32 v15, $0x1;
	v11 =	vshll.u32 v11, $0x2  }
0x1b6: {  	v17 =	vld.idx.msk [tilespmem:v25+s11+$0x0], $0xffff;
	v11 =	vadd.s32 v11, v15  }
0x1b7: {  	v11 =	vadd.s32 v13, v11  }
0x1b8: {  	v31 =	vld.idx.msk [tilespmem:v26+s11+$0x0], $0xffff;
	v11 =	vshll.u32 v11, $0x2;
	v10 =	vshll.u32 v10, $0x1  }
0x1b9: {  	v10 =	vadd.s32 v11, v10;
	v11 =	vld.idx.msk [tilespmem:v27+s11+$0x0], $0xffff  }
0x1ba: {  	v10 =	vadd.s32 v16, v10  }
0x1bb: {  	v32 =	vshll.u32 v17, $0x1;
	v12 =	vld.idx.msk [tilespmem:v28+s11+$0x0], $0xffff;
	v10 =	vshll.u32 v10, $0x2  }
0x1bc: {  	v14 =	vld.idx.msk [tilespmem:v29+s11+$0x0], $0xffff;
	v10 =	vadd.s32 v10, v32  }
0x1bd: {  	v10 =	vadd.s32 v31, v10  }
0x1be: {  	v33 =	vld.idx.msk [tilespmem:v30+s11+$0x0], $0xffff;
	v10 =	vshll.u32 v10, $0x2;
	v11 =	vshll.u32 v11, $0x1  }
0x1bf: {  	v34 =	vld [tilespmem:$0x1EB0];
	v10 =	vadd.s32 v10, v11  }
0x1c0: {  	v35 =	vld [tilespmem:$0x1FB0];
	v10 =	vadd.s32 v12, v10  }
0x1c1: {  	v36 =	vld [tilespmem:$0x2030];
	v11 =	vshll.u32 v14, $0x1;
	v10 =	vshll.u32 v10, $0x2  }
0x1c2: {  	v10 =	vadd.s32 v10, v11;
	v11 =	vld [tilespmem:$0x1F30]  }
0x1c3: {  	v37 =	vld [tilespmem:$0x20B0];
	v10 =	vadd.s32 v33, v10  }
0x1c4: {  	v38 =	vld [tilespmem:$0x21B0];
	v13 =	vshll.u32 v10, $0x3  }
0x1c5: {  	v39 =	vld [tilespmem:$0x2230];
	v13 =	vand.u32 $0xFFFFFC00, v13  }
0x1c6: {  	v40 =	vld [tilespmem:$0x22B0];
	v10 =	vand.u32 $0x7F, v10;
	v13 =	vadd.s32 v3, v13  }
0x1c7: {  	v41 =	vld [tilespmem:$0x2330];
	v10 =	vor.u32 v10, v13  }
0x1c8: {  	[tilespmem:$0x2820] =	vst v10;
	v10 =	vld [tilespmem:$0x2130]  }
0x1c9: {  	v12 =	vld.idx.msk [tilespmem:v34+s11+$0x0], $0xffff  }
0x1ca: {  	v11 =	vld.idx.msk [tilespmem:v11+s11+$0x0], $0xffff  }
0x1cb: {  	v42 =	vld [tilespmem:$0x23B0]  }
0x1cc: {  	v14 =	vld.idx.msk [tilespmem:v35+s11+$0x0], $0xffff  }
0x1cd: {  	v15 =	vld.idx.msk [tilespmem:v36+s11+$0x0], $0xffff  }
0x1ce: {  	v43 =	vld [tilespmem:$0x2430]  }
0x1cf: {  	v13 =	vld.idx.msk [tilespmem:v37+s11+$0x0], $0xffff;
	v12 =	vshll.u32 v12, $0x2;
	v11 =	vshll.u32 v11, $0x1  }
0x1d0: {  	v10 =	vld.idx.msk [tilespmem:v10+s11+$0x0], $0xffff;
	v11 =	vadd.s32 v12, v11  }
0x1d1: {  	v44 =	vld [tilespmem:$0x24B0];
	v11 =	vadd.s32 v14, v11  }
0x1d2: {  	v16 =	vld.idx.msk [tilespmem:v38+s11+$0x0], $0xffff;
	v15 =	vshll.u32 v15, $0x1;
	v11 =	vshll.u32 v11, $0x2  }
0x1d3: {  	v17 =	vld.idx.msk [tilespmem:v39+s11+$0x0], $0xffff;
	v11 =	vadd.s32 v11, v15  }
0x1d4: {  	v11 =	vadd.s32 v13, v11  }
0x1d5: {  	v45 =	vld.idx.msk [tilespmem:v40+s11+$0x0], $0xffff;
	v11 =	vshll.u32 v11, $0x2;
	v10 =	vshll.u32 v10, $0x1  }
0x1d6: {  	v10 =	vadd.s32 v11, v10;
	v11 =	vld.idx.msk [tilespmem:v41+s11+$0x0], $0xffff  }
0x1d7: {  	v10 =	vadd.s32 v16, v10  }
0x1d8: {  	v46 =	vshll.u32 v17, $0x1;
	v12 =	vld.idx.msk [tilespmem:v42+s11+$0x0], $0xffff;
	v10 =	vshll.u32 v10, $0x2  }
0x1d9: {  	v14 =	vld.idx.msk [tilespmem:v43+s11+$0x0], $0xffff;
	v10 =	vadd.s32 v10, v46  }
0x1da: {  	v10 =	vadd.s32 v45, v10  }
0x1db: {  	v47 =	vld.idx.msk [tilespmem:v44+s11+$0x0], $0xffff;
	v10 =	vshll.u32 v10, $0x2;
	v11 =	vshll.u32 v11, $0x1  }
0x1dc: {  	v10 =	vadd.s32 v10, v11  }
0x1dd: {  	v10 =	vadd.s32 v12, v10  }
0x1de: {  	v11 =	vshll.u32 v14, $0x1;
	v10 =	vshll.u32 v10, $0x2  }
0x1df: {  	v10 =	vadd.s32 v10, v11  }
0x1e0: {  	v10 =	vadd.s32 v47, v10  }
0x1e1: {  	v11 =	vshll.u32 v10, $0x3  }
0x1e2: {  	v11 =	vand.u32 $0xFFFFFC00, v11  }
0x1e3: {  	v10 =	vand.u32 $0x7F, v10;
	v11 =	vadd.s32 v4, v11  }
0x1e4: {  	v10 =	vor.u32 v10, v11  }
0x1e5: {  	[tilespmem:$0x2830] =	vst v10  }
0x1e6: {  	[tilespmem:s19], [sflag:$0x2] =	stream.indirect.gather [hbm4b:s3+s17], $0x1, s18, s17, $0xb8;
	[tilespmem:$0x2D80] =	vst v63  }
0x1e7: {  	v10 =	vld [tilespmem:$0x1EC0]  }
0x1e8: {  	v11 =	vld [tilespmem:$0x1F40]  }
0x1e9: {  	v48 =	vld [tilespmem:$0x1FC0]  }
0x1ea: {  	v49 =	vld [tilespmem:$0x2040]  }
0x1eb: {  	v50 =	vld [tilespmem:$0x20C0]  }
0x1ec: {  	v51 =	vld [tilespmem:$0x2140]  }
0x1ed: {  	v52 =	vld [tilespmem:$0x21C0]  }
0x1ee: {  	v53 =	vld [tilespmem:$0x2240]  }
0x1ef: {  	v54 =	vld [tilespmem:$0x22C0]  }
0x1f0: {  	v55 =	vld [tilespmem:$0x2340]  }
0x1f1: {  	v10 =	vld.idx.msk [tilespmem:v10+s11+$0x0], $0xffff  }
0x1f2: {  	v11 =	vld.idx.msk [tilespmem:v11+s11+$0x0], $0xffff  }
0x1f3: {  	v56 =	vld [tilespmem:$0x2440]  }
0x1f4: {  	v12 =	vld.idx.msk [tilespmem:v48+s11+$0x0], $0xffff  }
0x1f5: {  	v13 =	vld.idx.msk [tilespmem:v49+s11+$0x0], $0xffff  }
0x1f6: {  	v14 =	vld.idx.msk [tilespmem:v50+s11+$0x0], $0xffff  }
0x1f7: {  	v15 =	vld.idx.msk [tilespmem:v51+s11+$0x0], $0xffff;
	v10 =	vshll.u32 v10, $0x2;
	v11 =	vshll.u32 v11, $0x1  }
0x1f8: {  	v10 =	vadd.s32 v10, v11;
	v11 =	vld [tilespmem:$0x23C0]  }
0x1f9: {  	v57 =	vld [tilespmem:$0x24C0];
	v10 =	vadd.s32 v12, v10  }
0x1fa: {  	v16 =	vld.idx.msk [tilespmem:v52+s11+$0x0], $0xffff;
	v13 =	vshll.u32 v13, $0x1;
	v10 =	vshll.u32 v10, $0x2  }
0x1fb: {  	v17 =	vld.idx.msk [tilespmem:v53+s11+$0x0], $0xffff;
	v10 =	vadd.s32 v10, v13  }
0x1fc: {  	v10 =	vadd.s32 v14, v10  }
0x1fd: {  	v59 =	vld.idx.msk [tilespmem:v54+s11+$0x0], $0xffff;
	v58 =	vshll.u32 v15, $0x1;
	v10 =	vshll.u32 v10, $0x2  }
0x1fe: {  	v60 =	vld.idx.msk [tilespmem:v55+s11+$0x0], $0xffff;
	v10 =	vadd.s32 v10, v58  }
0x1ff: {  	v10 =	vadd.s32 v16, v10  }
0x200: {  	v61 =	vshll.u32 v17, $0x1;
	v10 =	vshll.u32 v10, $0x2;
	v11 =	vld.idx.msk [tilespmem:v11+s11+$0x0], $0xffff  }
0x201: {  	v12 =	vld.idx.msk [tilespmem:v56+s11+$0x0], $0xffff;
	v10 =	vadd.s32 v10, v61  }
0x202: {  	v10 =	vadd.s32 v59, v10  }
0x203: {  	v13 =	vld.idx.msk [tilespmem:v57+s11+$0x0], $0xffff;
	v14 =	vshll.u32 v60, $0x1;
	v10 =	vshll.u32 v10, $0x2  }
0x204: {  	v62 =	vld [tilespmem:$0x1ED0];
	v10 =	vadd.s32 v10, v14  }
0x205: {  	v63 =	vld [tilespmem:$0x1FD0];
	v10 =	vadd.s32 v11, v10  }
0x206: {  	v20 =	vld [tilespmem:$0x2050];
	v11 =	vshll.u32 v12, $0x1;
	v10 =	vshll.u32 v10, $0x2  }
0x207: {  	v10 =	vadd.s32 v10, v11;
	v11 =	vld [tilespmem:$0x1F50]  }
0x208: {  	v21 =	vld [tilespmem:$0x20D0];
	v10 =	vadd.s32 v13, v10  }
0x209: {  	v22 =	vld [tilespmem:$0x21D0];
	v13 =	vshll.u32 v10, $0x3  }
0x20a: {  	v23 =	vld [tilespmem:$0x2250];
	v13 =	vand.u32 $0xFFFFFC00, v13  }
0x20b: {  	v24 =	vld [tilespmem:$0x22D0];
	v10 =	vand.u32 $0x7F, v10;
	v13 =	vadd.s32 v5, v13  }
0x20c: {  	v25 =	vld [tilespmem:$0x2350];
	v10 =	vor.u32 v10, v13  }
0x20d: {  	[tilespmem:$0x2880] =	vst v10;
	v10 =	vld [tilespmem:$0x2150]  }
0x20e: {  	v12 =	vld.idx.msk [tilespmem:v62+s11+$0x0], $0xffff  }
0x20f: {  	v11 =	vld.idx.msk [tilespmem:v11+s11+$0x0], $0xffff  }
0x210: {  	v26 =	vld [tilespmem:$0x23D0]  }
0x211: {  	v14 =	vld.idx.msk [tilespmem:v63+s11+$0x0], $0xffff  }
0x212: {  	v15 =	vld.idx.msk [tilespmem:v20+s11+$0x0], $0xffff  }
0x213: {  	v27 =	vld [tilespmem:$0x2450]  }
0x214: {  	v13 =	vld.idx.msk [tilespmem:v21+s11+$0x0], $0xffff;
	v12 =	vshll.u32 v12, $0x2;
	v11 =	vshll.u32 v11, $0x1  }
0x215: {  	v10 =	vld.idx.msk [tilespmem:v10+s11+$0x0], $0xffff;
	v11 =	vadd.s32 v12, v11  }
0x216: {  	v28 =	vld [tilespmem:$0x24D0];
	v11 =	vadd.s32 v14, v11  }
0x217: {  	v16 =	vld.idx.msk [tilespmem:v22+s11+$0x0], $0xffff;
	v15 =	vshll.u32 v15, $0x1;
	v11 =	vshll.u32 v11, $0x2  }
0x218: {  	v17 =	vld.idx.msk [tilespmem:v23+s11+$0x0], $0xffff;
	v11 =	vadd.s32 v11, v15  }
0x219: {  	v11 =	vadd.s32 v13, v11  }
0x21a: {  	v29 =	vld.idx.msk [tilespmem:v24+s11+$0x0], $0xffff;
	v11 =	vshll.u32 v11, $0x2;
	v10 =	vshll.u32 v10, $0x1  }
0x21b: {  	v10 =	vadd.s32 v11, v10;
	v11 =	vld.idx.msk [tilespmem:v25+s11+$0x0], $0xffff  }
0x21c: {  	v10 =	vadd.s32 v16, v10  }
0x21d: {  	v30 =	vshll.u32 v17, $0x1;
	v12 =	vld.idx.msk [tilespmem:v26+s11+$0x0], $0xffff;
	v10 =	vshll.u32 v10, $0x2  }
0x21e: {  	v14 =	vld.idx.msk [tilespmem:v27+s11+$0x0], $0xffff;
	v10 =	vadd.s32 v10, v30  }
0x21f: {  	v10 =	vadd.s32 v29, v10  }
0x220: {  	v31 =	vld.idx.msk [tilespmem:v28+s11+$0x0], $0xffff;
	v10 =	vshll.u32 v10, $0x2;
	v11 =	vshll.u32 v11, $0x1  }
0x221: {  	v32 =	vld [tilespmem:$0x1EE0];
	v10 =	vadd.s32 v10, v11  }
0x222: {  	v33 =	vld [tilespmem:$0x1FE0];
	v10 =	vadd.s32 v12, v10  }
0x223: {  	v34 =	vld [tilespmem:$0x2060];
	v11 =	vshll.u32 v14, $0x1;
	v10 =	vshll.u32 v10, $0x2  }
0x224: {  	v10 =	vadd.s32 v10, v11;
	v11 =	vld [tilespmem:$0x1F60]  }
0x225: {  	v35 =	vld [tilespmem:$0x20E0];
	v10 =	vadd.s32 v31, v10  }
0x226: {  	v36 =	vld [tilespmem:$0x21E0];
	v13 =	vshll.u32 v10, $0x3  }
0x227: {  	v37 =	vld [tilespmem:$0x2260];
	v13 =	vand.u32 $0xFFFFFC00, v13  }
0x228: {  	v38 =	vld [tilespmem:$0x22E0];
	v10 =	vand.u32 $0x7F, v10;
	v13 =	vadd.s32 v6, v13  }
0x229: {  	v39 =	vld [tilespmem:$0x2360];
	v10 =	vor.u32 v10, v13  }
0x22a: {  	[tilespmem:$0x2890] =	vst v10;
	v10 =	vld [tilespmem:$0x2160]  }
0x22b: {  	v12 =	vld.idx.msk [tilespmem:v32+s11+$0x0], $0xffff  }
0x22c: {  	v11 =	vld.idx.msk [tilespmem:v11+s11+$0x0], $0xffff  }
0x22d: {  	v40 =	vld [tilespmem:$0x23E0]  }
0x22e: {  	v14 =	vld.idx.msk [tilespmem:v33+s11+$0x0], $0xffff  }
0x22f: {  	v15 =	vld.idx.msk [tilespmem:v34+s11+$0x0], $0xffff  }
0x230: {  	v41 =	vld [tilespmem:$0x2460]  }
0x231: {  	v13 =	vld.idx.msk [tilespmem:v35+s11+$0x0], $0xffff;
	v12 =	vshll.u32 v12, $0x2;
	v11 =	vshll.u32 v11, $0x1  }
0x232: {  	v10 =	vld.idx.msk [tilespmem:v10+s11+$0x0], $0xffff;
	v11 =	vadd.s32 v12, v11  }
0x233: {  	v42 =	vld [tilespmem:$0x24E0];
	v11 =	vadd.s32 v14, v11  }
0x234: {  	v16 =	vld.idx.msk [tilespmem:v36+s11+$0x0], $0xffff;
	v15 =	vshll.u32 v15, $0x1;
	v11 =	vshll.u32 v11, $0x2  }
0x235: {  	v17 =	vld.idx.msk [tilespmem:v37+s11+$0x0], $0xffff;
	v11 =	vadd.s32 v11, v15  }
0x236: {  	v11 =	vadd.s32 v13, v11  }
0x237: {  	v43 =	vld.idx.msk [tilespmem:v38+s11+$0x0], $0xffff;
	v11 =	vshll.u32 v11, $0x2;
	v10 =	vshll.u32 v10, $0x1  }
0x238: {  	v10 =	vadd.s32 v11, v10;
	v11 =	vld.idx.msk [tilespmem:v39+s11+$0x0], $0xffff  }
0x239: {  	v10 =	vadd.s32 v16, v10  }
0x23a: {  	v44 =	vshll.u32 v17, $0x1;
	v12 =	vld.idx.msk [tilespmem:v40+s11+$0x0], $0xffff;
	v10 =	vshll.u32 v10, $0x2  }
0x23b: {  	v14 =	vld.idx.msk [tilespmem:v41+s11+$0x0], $0xffff;
	v10 =	vadd.s32 v10, v44  }
0x23c: {  	v10 =	vadd.s32 v43, v10  }
0x23d: {  	v45 =	vld.idx.msk [tilespmem:v42+s11+$0x0], $0xffff;
	v10 =	vshll.u32 v10, $0x2;
	v11 =	vshll.u32 v11, $0x1  }
0x23e: {  	v46 =	vld [tilespmem:$0x1EF0];
	v10 =	vadd.s32 v10, v11  }
0x23f: {  	v47 =	vld [tilespmem:$0x1FF0];
	v10 =	vadd.s32 v12, v10  }
0x240: {  	v48 =	vld [tilespmem:$0x2070];
	v11 =	vshll.u32 v14, $0x1;
	v10 =	vshll.u32 v10, $0x2  }
0x241: {  	v10 =	vadd.s32 v10, v11;
	v11 =	vld [tilespmem:$0x1F70]  }
0x242: {  	v49 =	vld [tilespmem:$0x20F0];
	v10 =	vadd.s32 v45, v10  }
0x243: {  	v50 =	vld [tilespmem:$0x21F0];
	v13 =	vshll.u32 v10, $0x3  }
0x244: {  	v51 =	vld [tilespmem:$0x2270];
	v13 =	vand.u32 $0xFFFFFC00, v13  }
0x245: {  	v52 =	vld [tilespmem:$0x22F0];
	v10 =	vand.u32 $0x7F, v10;
	v13 =	vadd.s32 v7, v13  }
0x246: {  	v53 =	vld [tilespmem:$0x2370];
	v10 =	vor.u32 v10, v13  }
0x247: {  	[tilespmem:$0x28A0] =	vst v10;
	v10 =	vld [tilespmem:$0x2170]  }
0x248: {  	v12 =	vld.idx.msk [tilespmem:v46+s11+$0x0], $0xffff  }
0x249: {  	v11 =	vld.idx.msk [tilespmem:v11+s11+$0x0], $0xffff  }
0x24a: {  	v54 =	vld [tilespmem:$0x23F0]  }
0x24b: {  	v14 =	vld.idx.msk [tilespmem:v47+s11+$0x0], $0xffff  }
0x24c: {  	v15 =	vld.idx.msk [tilespmem:v48+s11+$0x0], $0xffff  }
0x24d: {  	v55 =	vld [tilespmem:$0x2470]  }
0x24e: {  	v13 =	vld.idx.msk [tilespmem:v49+s11+$0x0], $0xffff;
	v12 =	vshll.u32 v12, $0x2;
	v11 =	vshll.u32 v11, $0x1  }
0x24f: {  	v10 =	vld.idx.msk [tilespmem:v10+s11+$0x0], $0xffff;
	v11 =	vadd.s32 v12, v11  }
0x250: {  	v56 =	vld [tilespmem:$0x24F0];
	v11 =	vadd.s32 v14, v11  }
0x251: {  	v16 =	vld.idx.msk [tilespmem:v50+s11+$0x0], $0xffff;
	v15 =	vshll.u32 v15, $0x1;
	v11 =	vshll.u32 v11, $0x2  }
0x252: {  	v17 =	vld.idx.msk [tilespmem:v51+s11+$0x0], $0xffff;
	v11 =	vadd.s32 v11, v15  }
0x253: {  	v11 =	vadd.s32 v13, v11  }
0x254: {  	v57 =	vld.idx.msk [tilespmem:v52+s11+$0x0], $0xffff;
	v11 =	vshll.u32 v11, $0x2;
	v10 =	vshll.u32 v10, $0x1  }
0x255: {  	v10 =	vadd.s32 v11, v10;
	v11 =	vld.idx.msk [tilespmem:v53+s11+$0x0], $0xffff  }
0x256: {  	v10 =	vadd.s32 v16, v10  }
0x257: {  	v58 =	vshll.u32 v17, $0x1;
	v12 =	vld.idx.msk [tilespmem:v54+s11+$0x0], $0xffff;
	v10 =	vshll.u32 v10, $0x2  }
0x258: {  	v14 =	vld.idx.msk [tilespmem:v55+s11+$0x0], $0xffff;
	v10 =	vadd.s32 v10, v58  }
0x259: {  	v10 =	vadd.s32 v57, v10  }
0x25a: {  	v59 =	vld.idx.msk [tilespmem:v56+s11+$0x0], $0xffff;
	v10 =	vshll.u32 v10, $0x2;
	v11 =	vshll.u32 v11, $0x1  }
0x25b: {  	v10 =	vadd.s32 v10, v11  }
0x25c: {  	v10 =	vadd.s32 v12, v10  }
0x25d: {  	v11 =	vshll.u32 v14, $0x1;
	v10 =	vshll.u32 v10, $0x2  }
0x25e: {  	v10 =	vadd.s32 v10, v11  }
0x25f: {  	v10 =	vadd.s32 v59, v10  }
0x260: {  	v11 =	vshll.u32 v10, $0x3  }
0x261: {  	v11 =	vand.u32 $0xFFFFFC00, v11  }
0x262: {  	v10 =	vand.u32 $0x7F, v10;
	v11 =	vadd.s32 v8, v11  }
0x263: {  	v10 =	vor.u32 v10, v11  }
0x264: {  	[tilespmem:$0x28B0] =	vst v10  }
0x265: {  	[tilespmem:s21], [sflag:$0x2] =	stream.indirect.gather [hbm4b:s3+s17], $0x1, s20, s17, $0xb8;
	[tilespmem:$0x2D80] =	vst v63  }
0x266: {  	_ =	swait.ge [sflag:s22], $0x40  }
0x267: {  	[sflag:s22] =	ssyncset.done $0x0  }
0x268: {  	[sflag:s22] =	ssyncadd.s32 $0xFFFFFFC0  }
0x269: {  	v10 =	vld [tilespmem:$0x2A80]  }
0x26a: {  	v11 =	vld [tilespmem:$0x2A90]  }
0x26b: {  	v60 =	vld [tilespmem:$0x2AA0]  }
0x26c: {  	v61 =	vld [tilespmem:$0x2AB0];
	_ =	sdelay $0x1  }
0x26d: {  	vm8 =	vgt.f32 v10, $5.000000000e-01  }
0x26e: {  	vm9 =	vgt.f32 v11, $5.000000000e-01;
	v10 =	vsel vm8, $0x1, v9  }
0x26f: {  	vm10 =	vgt.f32 v60, $5.000000000e-01;
	[tilespmem:$0x2900] =	vst v10;
	v10 =	vsel vm9, $0x1, v9  }
0x270: {  	vm11 =	vgt.f32 v61, $5.000000000e-01;
	[tilespmem:$0x2910] =	vst v10;
	v10 =	vsel vm10, $0x1, v9  }
0x271: {  	[tilespmem:$0x2920] =	vst v10;
	v10 =	vsel vm11, $0x1, v9  }
0x272: {  	[tilespmem:$0x2930] =	vst v10  }
0x273: {  	_ =	swait.ge [sflag:s22], $0x40  }
0x274: {  	[sflag:s22] =	ssyncset.done $0x0  }
0x275: {  	[sflag:s22] =	ssyncadd.s32 $0xFFFFFFC0  }
0x276: {  	v10 =	vld [tilespmem:$0x2B00]  }
0x277: {  	v11 =	vld [tilespmem:$0x2B10]  }
0x278: {  	v62 =	vld [tilespmem:$0x2B20]  }
0x279: {  	v63 =	vld [tilespmem:$0x2B30];
	_ =	sdelay $0x1  }
0x27a: {  	vm12 =	vgt.f32 v10, $5.000000000e-01  }
0x27b: {  	vm13 =	vgt.f32 v11, $5.000000000e-01;
	v10 =	vsel vm12, $0x1, v9  }
0x27c: {  	vm14 =	vgt.f32 v62, $5.000000000e-01;
	[tilespmem:$0x2940] =	vst v10;
	v10 =	vsel vm13, $0x1, v9  }
0x27d: {  	vm15 =	vgt.f32 v63, $5.000000000e-01;
	[tilespmem:$0x2950] =	vst v10;
	v10 =	vsel vm14, $0x1, v9  }
0x27e: {  	[tilespmem:$0x2960] =	vst v10;
	v10 =	vsel vm15, $0x1, v9  }
0x27f: {  	[tilespmem:$0x2970] =	vst v10  }
0x280: {  	[spmem:s10] =	stream.linear.scatter [tilespmem:s12], [sflag:$0x4], $0x80, $0x38;
	[tilespmem:$0x2D80] =	vst v63  }
0x281: {  	_ =	swait.ge [sflag:s13], $0x80  }
0x282: {  	[sflag:s13] =	ssyncset.done $0x0  }
0x283: {  	p0 =	sne.s32 s24, $0x1E;
	[sflag:s13] =	ssyncadd.s32 $0xFFFFFF80  }
.Ltmp2:
0x284: {  	[bflag:$0x0] =	sbarrier.arrive $0xFFFF;
	(pc) =	sbr.rel @p0 .LBB2_4-.Ltmp2, $4  }
0x285: {  	[tilespmem:s23], [sflag:$0x4] =	stream.linear.gather [spmem:s8], $0x800, $0x38;
	[tilespmem:$0x2D80] =	vst v63  }
0x286: {  	_ =	swait.ge [sflag:s13], $0x800  }
0x287: {  	[sflag:s13] =	ssyncset.done $0x0  }
0x288: {  	s24 =	sadd.s32 $0x2, s24;
	s14 =	sadd.s32 $0x200, s14;
	[sflag:s13] =	ssyncadd.s32 $0xFFFFF800  }
0x289: {  	s3 =	simm.s32 $0x1  }
0x28a: {  	_ =	swait.ge [sflag:s3], $0x800  }
0x28b: {  	[sflag:s3] =	ssyncset.done $0x0  }
0x28c: {  	s26 =	simm.s32 $0x3;
	[sflag:s3] =	ssyncadd.s32 $0xFFFFF800  }
0x28d: {  	_ =	swait.ge [sflag:s26], $0x80  }
0x28e: {  	[sflag:s26] =	ssyncset.done $0x0  }
0x28f: {  	[sflag:s26] =	ssyncadd.s32 $0xFFFFFF80  }
0x290: {  	v0 =	vld [tilespmem:$0x2A00]  }
0x291: {  	v1 =	vld [tilespmem:$0x2A10];
	_ =	sdelay $0x1  }
0x292: {  	v3 =	vld [tilespmem:$0x2A20]  }
0x293: {  	v4 =	vld [tilespmem:$0x2A30]  }
0x294: {  	v0 =	vadd.s32 $0x1000, v0  }
0x295: {  	v5 =	vld [tilespmem:$0x2A40];
	v1 =	vadd.s32 $0x1000, v1  }
0x296: {  	v6 =	vld [tilespmem:$0x2A50]  }
0x297: {  	v7 =	vld [tilespmem:$0x2A60];
	v3 =	vadd.s32 $0x1000, v3  }
0x298: {  	s28 =	simm.s32 $0x0;
	v8 =	vld [tilespmem:$0x2A70];
	v4 =	vadd.s32 $0x1000, v4  }
0x299: {  	v0 =	vld.idx.msk [tilespmem:v0+s28+$0x0], $0xffff  }
0x29a: {  	v5 =	vadd.s32 $0x1000, v5;
	v1 =	vld.idx.msk [tilespmem:v1+s28+$0x0], $0xffff  }
0x29b: {  	v6 =	vadd.s32 $0x1000, v6  }
0x29c: {  	v3 =	vld.idx.msk [tilespmem:v3+s28+$0x0], $0xffff  }
0x29d: {  	v7 =	vadd.s32 $0x1000, v7;
	v4 =	vld.idx.msk [tilespmem:v4+s28+$0x0], $0xffff;
	_ =	sdelay $0x1  }
0x29e: {  	v8 =	vadd.s32 $0x1000, v8;
	v5 =	vld.idx.msk [tilespmem:v5+s28+$0x0], $0xffff;
	v0 =	vshll.u32 v0, $0x2;
	v1 =	vshll.u32 v1, $0x1  }
0x29f: {  	v59 =	vld.idx.msk [tilespmem:v6+s28+$0x0], $0xffff;
	v0 =	vadd.s32 v0, v1  }
0x2a0: {  	v0 =	vadd.s32 v3, v0  }
0x2a1: {  	v61 =	vld.idx.msk [tilespmem:v7+s28+$0x0], $0xffff;
	v60 =	vshll.u32 v4, $0x1;
	v0 =	vshll.u32 v0, $0x2  }
0x2a2: {  	v0 =	vadd.s32 v0, v60  }
0x2a3: {  	v62 =	vld.idx.msk [tilespmem:v8+s28+$0x0], $0xffff;
	v0 =	vadd.s32 v5, v0  }
0x2a4: {  	v1 =	vshll.u32 v59, $0x1;
	v0 =	vshll.u32 v0, $0x2  }
0x2a5: {  	v0 =	vadd.s32 v0, v1  }
0x2a6: {  	v0 =	vadd.s32 v61, v0  }
0x2a7: {  	v0 =	vshll.u32 v0, $0x1  }
0x2a8: {  	s4 =	sshll.u32 s9, $0x10;
	v0 =	vadd.s32 v62, v0  }
0x2a9: {  	v2 =	vor.u32 s4, v2;
	v63 =	vshll.u32 v0, $0x3;
	v0 =	vand.u32 $0x7F, v0  }
0x2aa: {  	v1 =	vand.u32 $0xFFFFFC00, v63;
	v0 =	vor.u32 v0, v2  }
0x2ab: {  	s29 =	simm.s32 $0x10;
	v0 =	vadd.s32 v1, v0  }
0x2ac: {  	s6 =	simm.s32 $0x2B80;
	s7 =	simm.s32 $0x2C00;
	s30 =	simm.s32 $0x2;
	[tilespmem:$0x2B80] =	vst v0  }
0x2ad: {  	[tilespmem:s7], [sflag:$0x2] =	stream.indirect.gather [hbm4b:s2+s29], $0x1, s6, s29, $0xb8;
	[tilespmem:$0x2D80] =	vst v63  }
0x2ae: {  	_ =	swait.ge [sflag:s30], $0x10  }
0x2af: {  	[sflag:s30] =	ssyncset.done $0x0  }
0x2b0: {  	s31 =	simm.s32 $0x4;
	[sflag:s30] =	ssyncadd.s32 $0xFFFFFFF0  }
0x2b1: {  	[hbm4b:s5+s28] =	stream.linear.scatter [tilespmem:s7], [sflag:$0x4], $0x10, $0x38;
	[tilespmem:$0x2D80] =	vst v63  }
0x2b2: {  	_ =	swait.ge [sflag:s31], $0x10  }
0x2b3: {  	[sflag:s31] =	ssyncset.done $0x0  }
0x2b4: {  	[sflag:s31] =	ssyncadd.s32 $0xFFFFFFF0  }
.LBB2_6:
0x2b5: {  	_ =	sfence.sel $0x180000  }
0x2b6: {  	[bflag:$0x0] =	sbarrier.arrive $0xFFFF  }
0x2b7: {  	p0 =	sne.s32 s1, $0x0;
	_ =	strace $0x90000047  }
0x2b8: {  	s0 =	sadd.s32 @!p0 $0x100000, s0;
	[bflag:$0x2] =	sbarrier.arrive $0xFFFF  }
0x2b9: {  	[sflag:s0] =	ssyncadd.tile.s32 @!p0 $0x1;
	_ =	shalt  }
.Lfunc_end2:
_tile_overlayer_lowered:
.L_overlay_start_2:
0x2ba: {  	(tag) =	ssettag $0x2  }
0x2bb: {  	s0 =	rddreg [dreg:$0x0];
	s2 =	stileid.u32  }
0x2bc: {  	s1 =	rddreg [dreg:$0x1];
	p0 =	sne.s32 s2, $0x0  }
0x2bd: {  	s3 =	rddreg [dreg:$0x2];
	[bflag:$0x3] =	sbarrier.arrive $0xFFFF;
	s2 =	simm.s32 @!p0 $0x1C04  }
0x2be: {  	[timem:s3], [sflag:s2] =	dma.local @!p0 [hbm:s0], s1  }
0x2bf: {  	s0 =	simm.s32 @!p0 $0x4  }
0x2c0: {  	_ =	swait.ge @!p0 [sflag:s0], s1  }
0x2c1: {  	s1 =	ssub.s32 @!p0 $0x0, s1;
	[sflag:s0] =	ssyncset.done @!p0 $0x0  }
0x2c2: {  	[sflag:s0] =	ssyncadd.s32 @!p0 s1  }
0x2c3: {  	[bflag:$0x3] =	sbarrier.arrive $0xFFFF  }
0x2c4: {  	_ =	shalt  }

</sc_bundles>
